<compile_context>
chip_gen: v7x
topology: tpu7x:2x2x1
jax: 0.10.2.dev20260603
libtpu: 0.0.44.dev20260713+nightly
codegen_flags: <defaults>
</compile_context>

<pallas_src>
import functools

import jax
import jax.numpy as jnp
from jax import lax
from jax.experimental import pallas as pl
from jax.experimental.pallas import tpu as pltpu
from jax.experimental.pallas import tpu_sc as plsc

N = 10000
E = 320000
D = 128
H = 128
C = 64

NC = 2
NS = 16
NW = NC * NS
EPW = E // NW
CHUNK = 80
NCHUNKS = EPW // CHUNK
PADN = 10240
RPT = PADN // NS
ZR = 80
NZ = RPT // ZR


def _make_agg(h):
    mesh = plsc.VectorSubcoreMesh(core_axis_name="c", subcore_axis_name="s")

    @functools.partial(
        pl.kernel,
        out_type=jax.ShapeDtypeStruct((NC, PADN, h), jnp.float32),
        mesh=mesh,
        scratch_types=[
            pltpu.VMEM((EPW,), jnp.int32),
            pltpu.VMEM((NCHUNKS, CHUNK), jnp.int32),
            pltpu.VMEM((CHUNK, h), jnp.float32),
            pltpu.VMEM((CHUNK, h), jnp.float32),
            pltpu.VMEM_SHARED((PADN, h), jnp.float32),
            pltpu.SemaphoreType.DMA,
            pltpu.SemaphoreType.DMA,
            pltpu.SemaphoreType.DMA,
            pltpu.SemaphoreType.DMA,
        ],
    )
    def agg(srcr_hbm, dstr_hbm, y_hbm, out_hbm, src_v, dst_v, buf_a, buf_b,
            acc_sh, sem_is, sem_id, sem_a, sem_b):
        cid = lax.axis_index("c")
        sid = lax.axis_index("s")
        wid = cid * NS + sid

        cp_s = pltpu.async_copy(srcr_hbm.at[wid], src_v, sem_is)
        cp_d = pltpu.async_copy(dstr_hbm.at[wid], dst_v, sem_id)

        zeros = jnp.zeros((16,), jnp.float32)

        @pl.loop(0, ZR)
        def _zero_row(r):
            for cc in range(h // 16):
                buf_a[r, pl.ds(cc * 16, 16)] = zeros

        row0 = sid * RPT
        for k in range(NZ):
            pltpu.async_copy(buf_a.at[pl.ds(0, ZR)],
                             acc_sh.at[pl.ds(row0 + k * ZR, ZR)], sem_a)
        for k in range(NZ):
            pltpu.make_async_copy(buf_a.at[pl.ds(0, ZR)],
                                  acc_sh.at[pl.ds(row0, ZR)], sem_a).wait()
        cp_s.wait()
        cp_d.wait()
        plsc.subcore_barrier()

        def sidx(t):
            return src_v.at[pl.ds(t * CHUNK, CHUNK)]

        pltpu.async_copy(y_hbm.at[sidx(0)], buf_a, sem_a)

        @pl.loop(0, NCHUNKS - 1, step=2)
        def _pipe(t):
            pltpu.async_copy(y_hbm.at[sidx(t + 1)], buf_b, sem_b)
            pltpu.make_async_copy(y_hbm.at[sidx(t)], buf_a, sem_a).wait()
            pltpu.sync_copy(buf_a, acc_sh.at[dst_v.at[t]], add=True)

            @pl.when(t + 2 < NCHUNKS)
            def _():
                pltpu.async_copy(y_hbm.at[sidx(t + 2)], buf_a, sem_a)

            pltpu.make_async_copy(y_hbm.at[sidx(t + 1)], buf_b, sem_b).wait()
            pltpu.sync_copy(buf_b, acc_sh.at[dst_v.at[t + 1]], add=True)

        if NCHUNKS % 2:
            pltpu.make_async_copy(
                y_hbm.at[sidx(NCHUNKS - 1)], buf_a, sem_a).wait()
            pltpu.sync_copy(buf_a, acc_sh.at[dst_v.at[NCHUNKS - 1]], add=True)

        plsc.subcore_barrier()

        for k in range(NZ):
            r = row0 + k * ZR
            pltpu.async_copy(acc_sh.at[pl.ds(r, ZR)],
                             out_hbm.at[cid, pl.ds(r, ZR)], sem_is)
        for k in range(NZ):
            pltpu.make_async_copy(acc_sh.at[pl.ds(row0, ZR)],
                                  out_hbm.at[cid, pl.ds(row0, ZR)],
                                  sem_is).wait()

    return agg


_agg128 = _make_agg(H)


BM = 2000


def _first_body(x_ref, w_ref, n_ref, o_ref):
    o_ref[...] = jnp.dot(x_ref[...], w_ref[...],
                         preferred_element_type=jnp.float32) * n_ref[...]


def _first(x, w, norm):
    return pl.pallas_call(
        _first_body,
        grid=(N // BM,),
        in_specs=[
            pl.BlockSpec((BM, D), lambda i: (i, 0)),
            pl.BlockSpec((D, H), lambda i: (0, 0)),
            pl.BlockSpec((BM, 1), lambda i: (i, 0)),
        ],
        out_specs=pl.BlockSpec((BM, H), lambda i: (i, 0)),
        out_shape=jax.ShapeDtypeStruct((N, H), jnp.float32),
    )(x, w, norm)


def _comb_body(z_ref, n_ref, b_ref, w_ref, o_ref):
    hcur = (z_ref[0] + z_ref[1]) * n_ref[...] + b_ref[...]
    o_ref[...] = jnp.dot(hcur, w_ref[...],
                         preferred_element_type=jnp.float32) * n_ref[...]


def _comb(z, norm, b, w, wout):
    hin = z.shape[-1]
    return pl.pallas_call(
        _comb_body,
        grid=(N // BM,),
        in_specs=[
            pl.BlockSpec((NC, BM, hin), lambda i: (0, i, 0)),
            pl.BlockSpec((BM, 1), lambda i: (i, 0)),
            pl.BlockSpec((1, hin), lambda i: (0, 0)),
            pl.BlockSpec((hin, wout), lambda i: (0, 0)),
        ],
        out_specs=pl.BlockSpec((BM, wout), lambda i: (i, 0)),
        out_shape=jax.ShapeDtypeStruct((N, wout), jnp.float32),
    )(z, norm, b.reshape(1, hin), w)


def _scale_body(z_ref, n_ref, b_ref, o_ref):
    o_ref[...] = ((z_ref[0] + z_ref[1]) * n_ref[...] + b_ref[...]) * n_ref[...]


def _scale(z, norm, b):
    hin = z.shape[-1]
    return pl.pallas_call(
        _scale_body,
        grid=(N // BM,),
        in_specs=[
            pl.BlockSpec((NC, BM, hin), lambda i: (0, i, 0)),
            pl.BlockSpec((BM, 1), lambda i: (i, 0)),
            pl.BlockSpec((1, hin), lambda i: (0, 0)),
        ],
        out_specs=pl.BlockSpec((BM, hin), lambda i: (i, 0)),
        out_shape=jax.ShapeDtypeStruct((N, hin), jnp.float32),
    )(z, norm, b.reshape(1, hin))


def _finmm_body(z_ref, w_ref, n_ref, b_ref, o_ref):
    zsum = z_ref[0] + z_ref[1]
    o_ref[...] = jnp.dot(zsum, w_ref[...],
                         preferred_element_type=jnp.float32) * n_ref[...] \
        + b_ref[...]


def _finmm(z, w, norm, b):
    hin = z.shape[-1]
    wout = w.shape[-1]
    return pl.pallas_call(
        _finmm_body,
        grid=(N // BM,),
        in_specs=[
            pl.BlockSpec((NC, BM, hin), lambda i: (0, i, 0)),
            pl.BlockSpec((hin, wout), lambda i: (0, 0)),
            pl.BlockSpec((BM, 1), lambda i: (i, 0)),
            pl.BlockSpec((1, wout), lambda i: (0, 0)),
        ],
        out_specs=pl.BlockSpec((BM, wout), lambda i: (i, 0)),
        out_shape=jax.ShapeDtypeStruct((N, wout), jnp.float32),
    )(z, w, norm, b.reshape(1, wout))


def kernel(features, edge_index, norm, W0, b0, W1, b1, W2, b2):
    srcr = edge_index[0].reshape(NW, EPW)
    dstr = edge_index[1].reshape(NW, NCHUNKS, CHUNK)
    y0 = _first(features, W0, norm)
    z0 = _agg128(srcr, dstr, y0)
    y1 = _comb(z0, norm, b0, W1, H)
    z1 = _agg128(srcr, dstr, y1)
    y2 = _scale(z1, norm, b1)
    z2 = _agg128(srcr, dstr, y2)
    h3 = _finmm(z2, W2, norm, b2)
    return h3

# --- scband reference (transcript-rebuilt; emitter-appended) ---
"""Pipeline reference for scband-gnn-61589831025108 (READ-ONLY COPY).

The authoritative reference and input builder live on the scoring server;
editing this copy changes nothing except your own understanding.
"""

import jax, jax.numpy as jnp
import numpy as np

N = 10000
E = 320000
D = 128
H = 128
C = 64


def _xavier(key, fan_in, fan_out):
    limit = float(np.sqrt(6.0 / (fan_in + fan_out)))
    return jax.random.uniform(key, (fan_in, fan_out), dtype=jnp.float32, minval=-limit, maxval=limit)


def setup_inputs(seed: int = 0) -> dict:
    key = jax.random.key(seed)
    ks = jax.random.split(key, 8)
    features = jax.random.normal(ks[0], (N, D), dtype=jnp.float32)
    edge_index = jax.random.randint(ks[1], (2, E), 0, N, dtype=jnp.int32)
    norm = jax.random.uniform(ks[2], (N, 1), dtype=jnp.float32)
    W0 = _xavier(ks[3], D, H)
    b0 = jnp.zeros((H,), dtype=jnp.float32)
    W1 = _xavier(ks[4], H, H)
    b1 = jnp.zeros((H,), dtype=jnp.float32)
    W2 = _xavier(ks[5], H, C)
    b2 = jnp.zeros((C,), dtype=jnp.float32)
    return {"features": features, "edge_index": edge_index, "norm": norm,
            "W0": W0, "b0": b0, "W1": W1, "b1": b1, "W2": W2, "b2": b2}


def _gcn_layer(h, W, b, norm, src, dst):
    # h = h @ W
    h = h @ W
    # symmetric normalization (pre)
    h = h * norm
    # message passing: copy_src + sum reduce over incoming edges
    m = jnp.take(h, src, axis=0)
    h = jax.ops.segment_sum(m, dst, num_segments=N)
    # symmetric normalization (post)
    h = h * norm
    # bias
    h = h + b
    return h


def reference(features, edge_index, norm, W0, b0, W1, b1, W2, b2):
    src = edge_index[0]
    dst = edge_index[1]
    h = _gcn_layer(features, W0, b0, norm, src, dst)
    h = _gcn_layer(h, W1, b1, norm, src, dst)
    h = _gcn_layer(h, W2, b2, norm, src, dst)
    return h

if __name__ == "__main__":
    import jax
    _d = setup_inputs()
    print(jax.jit(kernel)(*tuple(_d.values())))

</pallas_src>

<mosaic_0001>
#map = affine_map<(d0, d1) -> (0, 0)>
#map1 = affine_map<(d0, d1) -> (0, 0, 0)>
module attributes {stable_mosaic.version = 14 : i64} {
  func.func @agg(%arg0: i32, %arg1: i32, %arg2: memref<32x10000xi32, #tpu.memory_space<hbm>>, %arg3: memref<32x125x80xi32, #tpu.memory_space<hbm>>, %arg4: memref<10000x128xf32, #tpu.memory_space<hbm>>, %arg5: memref<2x10240x128xf32, #tpu.memory_space<hbm>>, %arg6: memref<10000xi32, #tpu.memory_space<vmem>>, %arg7: memref<125x80xi32, #tpu.memory_space<vmem>>, %arg8: memref<80x128xf32, #tpu.memory_space<vmem>>, %arg9: memref<80x128xf32, #tpu.memory_space<vmem>>, %arg10: memref<10240x128xf32, #tpu.memory_space<vmem_shared>>, %arg11: memref<!tpu.dma_semaphore, #tpu.memory_space<semaphore_mem>>, %arg12: memref<!tpu.dma_semaphore, #tpu.memory_space<semaphore_mem>>, %arg13: memref<!tpu.dma_semaphore, #tpu.memory_space<semaphore_mem>>, %arg14: memref<!tpu.dma_semaphore, #tpu.memory_space<semaphore_mem>>) attributes {dimension_semantics = [#tpu.dimension_semantics<core_parallel>, #tpu.dimension_semantics<subcore_parallel>], iteration_bounds = array<i64: 2, 16>, scalar_prefetch = 0 : i64, scratch_operands = 9 : i64, tpu.core_type = #tpu.core_type<sc_vector_subcore>, window_params = [{transform_indices = #map}, {transform_indices = #map1}, {transform_indices = #map}, {transform_indices = #map1}]} {
    %mul3A = arith.constant 16 : i32
    %mul3A_0 = arith.muli %arg0, %mul3A : i32
    %add3A = arith.addi %mul3A_0, %arg1 : i32
    %dma_start3A = arith.constant 0 : i32
    %dma_start3A_1 = tpu.memref_slice %arg2[%add3A, %dma_start3A] : memref<32x10000xi32, #tpu.memory_space<hbm>> -> memref<1x10000xi32, #tpu.memory_space<hbm>>
    %dma_start3A_2 = tpu.memref_squeeze %dma_start3A_1 : memref<1x10000xi32, #tpu.memory_space<hbm>> -> memref<10000xi32, #tpu.memory_space<hbm>>
    %dma_start3A_3 = arith.constant 0 : i32
    %dma_start3A_4 = tpu.memref_slice %arg2[%add3A, %dma_start3A_3] : memref<32x10000xi32, #tpu.memory_space<hbm>> -> memref<1x10000xi32, #tpu.memory_space<hbm>>
    %dma_start3A_5 = tpu.memref_squeeze %dma_start3A_4 : memref<1x10000xi32, #tpu.memory_space<hbm>> -> memref<10000xi32, #tpu.memory_space<hbm>>
    tpu.enqueue_dma source(%dma_start3A_5 : memref<10000xi32, #tpu.memory_space<hbm>>) target(%arg6 : memref<10000xi32, #tpu.memory_space<vmem>>) target_semaphore(%arg11 : memref<!tpu.dma_semaphore, #tpu.memory_space<semaphore_mem>>)
    %dma_start3A_6 = arith.constant 0 : i32
    %dma_start3A_7 = arith.constant 0 : i32
    %dma_start3A_8 = tpu.memref_slice %arg3[%add3A, %dma_start3A_6, %dma_start3A_7] : memref<32x125x80xi32, #tpu.memory_space<hbm>> -> memref<1x125x80xi32, #tpu.memory_space<hbm>>
    %dma_start3A_9 = tpu.memref_squeeze %dma_start3A_8 : memref<1x125x80xi32, #tpu.memory_space<hbm>> -> memref<125x80xi32, #tpu.memory_space<hbm>>
    %dma_start3A_10 = arith.constant 0 : i32
    %dma_start3A_11 = arith.constant 0 : i32
    %dma_start3A_12 = tpu.memref_slice %arg3[%add3A, %dma_start3A_10, %dma_start3A_11] : memref<32x125x80xi32, #tpu.memory_space<hbm>> -> memref<1x125x80xi32, #tpu.memory_space<hbm>>
    %dma_start3A_13 = tpu.memref_squeeze %dma_start3A_12 : memref<1x125x80xi32, #tpu.memory_space<hbm>> -> memref<125x80xi32, #tpu.memory_space<hbm>>
    tpu.enqueue_dma source(%dma_start3A_13 : memref<125x80xi32, #tpu.memory_space<hbm>>) target(%arg7 : memref<125x80xi32, #tpu.memory_space<vmem>>) target_semaphore(%arg12 : memref<!tpu.dma_semaphore, #tpu.memory_space<semaphore_mem>>)
    %broadcast_in_dim3A = arith.constant 0.000000e+00 : f32
    %broadcast_in_dim3A_14 = vector.broadcast %broadcast_in_dim3A : f32 to vector<16xf32>
    %scan3A = arith.constant 0 : i32
    %scan3A_15 = arith.constant 80 : i32
    %scan3A_16 = arith.addi %scan3A, %scan3A_15 : i32
    %scan3A_17 = arith.constant 1 : i32
    scf.for %scan3A_322 = %scan3A to %scan3A_16 step %scan3A_17  : i32 {
      %mul3A_323 = arith.constant 1 : i32
      %mul3A_324 = arith.muli %scan3A_322, %mul3A_323 : i32
      %add3A_325 = arith.constant 0 : i32
      %add3A_326 = arith.addi %add3A_325, %mul3A_324 : i32
      %swap3A = arith.index_cast %add3A_326 : i32 to index
      %swap3A_327 = arith.constant 0 : index
      %swap3A_328 = tpu.vector_load %arg8[%swap3A, %swap3A_327] {strides = array<i32>} : memref<80x128xf32, #tpu.memory_space<vmem>>, vector<1x16xf32>,
      %swap3A_329 = vector.shape_cast %swap3A_328 : vector<1x16xf32> to vector<16xf32>
      %swap3A_330 = vector.shape_cast %broadcast_in_dim3A_14 : vector<16xf32> to vector<1x16xf32>
      tpu.vector_store %arg8[%swap3A, %swap3A_327], %swap3A_330 {strides = array<i32>} : memref<80x128xf32, #tpu.memory_space<vmem>>, vector<1x16xf32>,
      %swap3A_331 = arith.index_cast %add3A_326 : i32 to index
      %swap3A_332 = arith.constant 16 : index
      %swap3A_333 = tpu.vector_load %arg8[%swap3A_331, %swap3A_332] {strides = array<i32>} : memref<80x128xf32, #tpu.memory_space<vmem>>, vector<1x16xf32>,
      %swap3A_334 = vector.shape_cast %swap3A_333 : vector<1x16xf32> to vector<16xf32>
      %swap3A_335 = vector.shape_cast %broadcast_in_dim3A_14 : vector<16xf32> to vector<1x16xf32>
      tpu.vector_store %arg8[%swap3A_331, %swap3A_332], %swap3A_335 {strides = array<i32>} : memref<80x128xf32, #tpu.memory_space<vmem>>, vector<1x16xf32>,
      %swap3A_336 = arith.index_cast %add3A_326 : i32 to index
      %swap3A_337 = arith.constant 32 : index
      %swap3A_338 = tpu.vector_load %arg8[%swap3A_336, %swap3A_337] {strides = array<i32>} : memref<80x128xf32, #tpu.memory_space<vmem>>, vector<1x16xf32>,
      %swap3A_339 = vector.shape_cast %swap3A_338 : vector<1x16xf32> to vector<16xf32>
      %swap3A_340 = vector.shape_cast %broadcast_in_dim3A_14 : vector<16xf32> to vector<1x16xf32>
      tpu.vector_store %arg8[%swap3A_336, %swap3A_337], %swap3A_340 {strides = array<i32>} : memref<80x128xf32, #tpu.memory_space<vmem>>, vector<1x16xf32>,
      %swap3A_341 = arith.index_cast %add3A_326 : i32 to index
      %swap3A_342 = arith.constant 48 : index
      %swap3A_343 = tpu.vector_load %arg8[%swap3A_341, %swap3A_342] {strides = array<i32>} : memref<80x128xf32, #tpu.memory_space<vmem>>, vector<1x16xf32>,
      %swap3A_344 = vector.shape_cast %swap3A_343 : vector<1x16xf32> to vector<16xf32>
      %swap3A_345 = vector.shape_cast %broadcast_in_dim3A_14 : vector<16xf32> to vector<1x16xf32>
      tpu.vector_store %arg8[%swap3A_341, %swap3A_342], %swap3A_345 {strides = array<i32>} : memref<80x128xf32, #tpu.memory_space<vmem>>, vector<1x16xf32>,
      %swap3A_346 = arith.index_cast %add3A_326 : i32 to index
      %swap3A_347 = arith.constant 64 : index
      %swap3A_348 = tpu.vector_load %arg8[%swap3A_346, %swap3A_347] {strides = array<i32>} : memref<80x128xf32, #tpu.memory_space<vmem>>, vector<1x16xf32>,
      %swap3A_349 = vector.shape_cast %swap3A_348 : vector<1x16xf32> to vector<16xf32>
      %swap3A_350 = vector.shape_cast %broadcast_in_dim3A_14 : vector<16xf32> to vector<1x16xf32>
      tpu.vector_store %arg8[%swap3A_346, %swap3A_347], %swap3A_350 {strides = array<i32>} : memref<80x128xf32, #tpu.memory_space<vmem>>, vector<1x16xf32>,
      %swap3A_351 = arith.index_cast %add3A_326 : i32 to index
      %swap3A_352 = arith.constant 80 : index
      %swap3A_353 = tpu.vector_load %arg8[%swap3A_351, %swap3A_352] {strides = array<i32>} : memref<80x128xf32, #tpu.memory_space<vmem>>, vector<1x16xf32>,
      %swap3A_354 = vector.shape_cast %swap3A_353 : vector<1x16xf32> to vector<16xf32>
      %swap3A_355 = vector.shape_cast %broadcast_in_dim3A_14 : vector<16xf32> to vector<1x16xf32>
      tpu.vector_store %arg8[%swap3A_351, %swap3A_352], %swap3A_355 {strides = array<i32>} : memref<80x128xf32, #tpu.memory_space<vmem>>, vector<1x16xf32>,
      %swap3A_356 = arith.index_cast %add3A_326 : i32 to index
      %swap3A_357 = arith.constant 96 : index
      %swap3A_358 = tpu.vector_load %arg8[%swap3A_356, %swap3A_357] {strides = array<i32>} : memref<80x128xf32, #tpu.memory_space<vmem>>, vector<1x16xf32>,
      %swap3A_359 = vector.shape_cast %swap3A_358 : vector<1x16xf32> to vector<16xf32>
      %swap3A_360 = vector.shape_cast %broadcast_in_dim3A_14 : vector<16xf32> to vector<1x16xf32>
      tpu.vector_store %arg8[%swap3A_356, %swap3A_357], %swap3A_360 {strides = array<i32>} : memref<80x128xf32, #tpu.memory_space<vmem>>, vector<1x16xf32>,
      %swap3A_361 = arith.index_cast %add3A_326 : i32 to index
      %swap3A_362 = arith.constant 112 : index
      %swap3A_363 = tpu.vector_load %arg8[%swap3A_361, %swap3A_362] {strides = array<i32>} : memref<80x128xf32, #tpu.memory_space<vmem>>, vector<1x16xf32>,
      %swap3A_364 = vector.shape_cast %swap3A_363 : vector<1x16xf32> to vector<16xf32>
      %swap3A_365 = vector.shape_cast %broadcast_in_dim3A_14 : vector<16xf32> to vector<1x16xf32>
      tpu.vector_store %arg8[%swap3A_361, %swap3A_362], %swap3A_365 {strides = array<i32>} : memref<80x128xf32, #tpu.memory_space<vmem>>, vector<1x16xf32>,
    }
    %scan3A_18 = arith.constant 80 : i32
    %mul3A_19 = arith.constant 640 : i32
    %mul3A_20 = arith.muli %arg1, %mul3A_19 : i32
    %add3A_21 = arith.constant 0 : i32
    %add3A_22 = arith.addi %mul3A_20, %add3A_21 : i32
    %dma_start3A_23 = arith.constant 0 : i32
    %dma_start3A_24 = arith.constant 0 : i32
    %dma_start3A_25 = tpu.memref_slice %arg8[%dma_start3A_23, %dma_start3A_24] : memref<80x128xf32, #tpu.memory_space<vmem>> -> memref<80x128xf32, #tpu.memory_space<vmem>>
    %dma_start3A_26 = arith.constant 0 : i32
    %dma_start3A_27 = tpu.memref_slice %arg10[%add3A_22, %dma_start3A_26] : memref<10240x128xf32, #tpu.memory_space<vmem_shared>> -> memref<80x128xf32, #tpu.memory_space<vmem_shared>>
    %dma_start3A_28 = arith.constant 0 : i32
    %dma_start3A_29 = tpu.memref_slice %arg10[%add3A_22, %dma_start3A_28] : memref<10240x128xf32, #tpu.memory_space<vmem_shared>> -> memref<80x128xf32, #tpu.memory_space<vmem_shared>>
    %dma_start3A_30 = arith.constant 0 : i32
    %dma_start3A_31 = arith.constant 0 : i32
    %dma_start3A_32 = tpu.memref_slice %arg8[%dma_start3A_30, %dma_start3A_31] : memref<80x128xf32, #tpu.memory_space<vmem>> -> memref<80x128xf32, #tpu.memory_space<vmem>>
    tpu.enqueue_dma source(%dma_start3A_32 : memref<80x128xf32, #tpu.memory_space<vmem>>) target(%dma_start3A_29 : memref<80x128xf32, #tpu.memory_space<vmem_shared>>) target_semaphore(%arg13 : memref<!tpu.dma_semaphore, #tpu.memory_space<semaphore_mem>>)
    %add3A_33 = arith.constant 80 : i32
    %add3A_34 = arith.addi %mul3A_20, %add3A_33 : i32
    %dma_start3A_35 = arith.constant 0 : i32
    %dma_start3A_36 = arith.constant 0 : i32
    %dma_start3A_37 = tpu.memref_slice %arg8[%dma_start3A_35, %dma_start3A_36] : memref<80x128xf32, #tpu.memory_space<vmem>> -> memref<80x128xf32, #tpu.memory_space<vmem>>
    %dma_start3A_38 = arith.constant 0 : i32
    %dma_start3A_39 = tpu.memref_slice %arg10[%add3A_34, %dma_start3A_38] : memref<10240x128xf32, #tpu.memory_space<vmem_shared>> -> memref<80x128xf32, #tpu.memory_space<vmem_shared>>
    %dma_start3A_40 = arith.constant 0 : i32
    %dma_start3A_41 = tpu.memref_slice %arg10[%add3A_34, %dma_start3A_40] : memref<10240x128xf32, #tpu.memory_space<vmem_shared>> -> memref<80x128xf32, #tpu.memory_space<vmem_shared>>
    %dma_start3A_42 = arith.constant 0 : i32
    %dma_start3A_43 = arith.constant 0 : i32
    %dma_start3A_44 = tpu.memref_slice %arg8[%dma_start3A_42, %dma_start3A_43] : memref<80x128xf32, #tpu.memory_space<vmem>> -> memref<80x128xf32, #tpu.memory_space<vmem>>
    tpu.enqueue_dma source(%dma_start3A_44 : memref<80x128xf32, #tpu.memory_space<vmem>>) target(%dma_start3A_41 : memref<80x128xf32, #tpu.memory_space<vmem_shared>>) target_semaphore(%arg13 : memref<!tpu.dma_semaphore, #tpu.memory_space<semaphore_mem>>)
    %add3A_45 = arith.constant 160 : i32
    %add3A_46 = arith.addi %mul3A_20, %add3A_45 : i32
    %dma_start3A_47 = arith.constant 0 : i32
    %dma_start3A_48 = arith.constant 0 : i32
    %dma_start3A_49 = tpu.memref_slice %arg8[%dma_start3A_47, %dma_start3A_48] : memref<80x128xf32, #tpu.memory_space<vmem>> -> memref<80x128xf32, #tpu.memory_space<vmem>>
    %dma_start3A_50 = arith.constant 0 : i32
    %dma_start3A_51 = tpu.memref_slice %arg10[%add3A_46, %dma_start3A_50] : memref<10240x128xf32, #tpu.memory_space<vmem_shared>> -> memref<80x128xf32, #tpu.memory_space<vmem_shared>>
    %dma_start3A_52 = arith.constant 0 : i32
    %dma_start3A_53 = tpu.memref_slice %arg10[%add3A_46, %dma_start3A_52] : memref<10240x128xf32, #tpu.memory_space<vmem_shared>> -> memref<80x128xf32, #tpu.memory_space<vmem_shared>>
    %dma_start3A_54 = arith.constant 0 : i32
    %dma_start3A_55 = arith.constant 0 : i32
    %dma_start3A_56 = tpu.memref_slice %arg8[%dma_start3A_54, %dma_start3A_55] : memref<80x128xf32, #tpu.memory_space<vmem>> -> memref<80x128xf32, #tpu.memory_space<vmem>>
    tpu.enqueue_dma source(%dma_start3A_56 : memref<80x128xf32, #tpu.memory_space<vmem>>) target(%dma_start3A_53 : memref<80x128xf32, #tpu.memory_space<vmem_shared>>) target_semaphore(%arg13 : memref<!tpu.dma_semaphore, #tpu.memory_space<semaphore_mem>>)
    %add3A_57 = arith.constant 240 : i32
    %add3A_58 = arith.addi %mul3A_20, %add3A_57 : i32
    %dma_start3A_59 = arith.constant 0 : i32
    %dma_start3A_60 = arith.constant 0 : i32
    %dma_start3A_61 = tpu.memref_slice %arg8[%dma_start3A_59, %dma_start3A_60] : memref<80x128xf32, #tpu.memory_space<vmem>> -> memref<80x128xf32, #tpu.memory_space<vmem>>
    %dma_start3A_62 = arith.constant 0 : i32
    %dma_start3A_63 = tpu.memref_slice %arg10[%add3A_58, %dma_start3A_62] : memref<10240x128xf32, #tpu.memory_space<vmem_shared>> -> memref<80x128xf32, #tpu.memory_space<vmem_shared>>
    %dma_start3A_64 = arith.constant 0 : i32
    %dma_start3A_65 = tpu.memref_slice %arg10[%add3A_58, %dma_start3A_64] : memref<10240x128xf32, #tpu.memory_space<vmem_shared>> -> memref<80x128xf32, #tpu.memory_space<vmem_shared>>
    %dma_start3A_66 = arith.constant 0 : i32
    %dma_start3A_67 = arith.constant 0 : i32
    %dma_start3A_68 = tpu.memref_slice %arg8[%dma_start3A_66, %dma_start3A_67] : memref<80x128xf32, #tpu.memory_space<vmem>> -> memref<80x128xf32, #tpu.memory_space<vmem>>
    tpu.enqueue_dma source(%dma_start3A_68 : memref<80x128xf32, #tpu.memory_space<vmem>>) target(%dma_start3A_65 : memref<80x128xf32, #tpu.memory_space<vmem_shared>>) target_semaphore(%arg13 : memref<!tpu.dma_semaphore, #tpu.memory_space<semaphore_mem>>)
    %add3A_69 = arith.constant 320 : i32
    %add3A_70 = arith.addi %mul3A_20, %add3A_69 : i32
    %dma_start3A_71 = arith.constant 0 : i32
    %dma_start3A_72 = arith.constant 0 : i32
    %dma_start3A_73 = tpu.memref_slice %arg8[%dma_start3A_71, %dma_start3A_72] : memref<80x128xf32, #tpu.memory_space<vmem>> -> memref<80x128xf32, #tpu.memory_space<vmem>>
    %dma_start3A_74 = arith.constant 0 : i32
    %dma_start3A_75 = tpu.memref_slice %arg10[%add3A_70, %dma_start3A_74] : memref<10240x128xf32, #tpu.memory_space<vmem_shared>> -> memref<80x128xf32, #tpu.memory_space<vmem_shared>>
    %dma_start3A_76 = arith.constant 0 : i32
    %dma_start3A_77 = tpu.memref_slice %arg10[%add3A_70, %dma_start3A_76] : memref<10240x128xf32, #tpu.memory_space<vmem_shared>> -> memref<80x128xf32, #tpu.memory_space<vmem_shared>>
    %dma_start3A_78 = arith.constant 0 : i32
    %dma_start3A_79 = arith.constant 0 : i32
    %dma_start3A_80 = tpu.memref_slice %arg8[%dma_start3A_78, %dma_start3A_79] : memref<80x128xf32, #tpu.memory_space<vmem>> -> memref<80x128xf32, #tpu.memory_space<vmem>>
    tpu.enqueue_dma source(%dma_start3A_80 : memref<80x128xf32, #tpu.memory_space<vmem>>) target(%dma_start3A_77 : memref<80x128xf32, #tpu.memory_space<vmem_shared>>) target_semaphore(%arg13 : memref<!tpu.dma_semaphore, #tpu.memory_space<semaphore_mem>>)
    %add3A_81 = arith.constant 400 : i32
    %add3A_82 = arith.addi %mul3A_20, %add3A_81 : i32
    %dma_start3A_83 = arith.constant 0 : i32
    %dma_start3A_84 = arith.constant 0 : i32
    %dma_start3A_85 = tpu.memref_slice %arg8[%dma_start3A_83, %dma_start3A_84] : memref<80x128xf32, #tpu.memory_space<vmem>> -> memref<80x128xf32, #tpu.memory_space<vmem>>
    %dma_start3A_86 = arith.constant 0 : i32
    %dma_start3A_87 = tpu.memref_slice %arg10[%add3A_82, %dma_start3A_86] : memref<10240x128xf32, #tpu.memory_space<vmem_shared>> -> memref<80x128xf32, #tpu.memory_space<vmem_shared>>
    %dma_start3A_88 = arith.constant 0 : i32
    %dma_start3A_89 = tpu.memref_slice %arg10[%add3A_82, %dma_start3A_88] : memref<10240x128xf32, #tpu.memory_space<vmem_shared>> -> memref<80x128xf32, #tpu.memory_space<vmem_shared>>
    %dma_start3A_90 = arith.constant 0 : i32
    %dma_start3A_91 = arith.constant 0 : i32
    %dma_start3A_92 = tpu.memref_slice %arg8[%dma_start3A_90, %dma_start3A_91] : memref<80x128xf32, #tpu.memory_space<vmem>> -> memref<80x128xf32, #tpu.memory_space<vmem>>
    tpu.enqueue_dma source(%dma_start3A_92 : memref<80x128xf32, #tpu.memory_space<vmem>>) target(%dma_start3A_89 : memref<80x128xf32, #tpu.memory_space<vmem_shared>>) target_semaphore(%arg13 : memref<!tpu.dma_semaphore, #tpu.memory_space<semaphore_mem>>)
    %add3A_93 = arith.constant 480 : i32
    %add3A_94 = arith.addi %mul3A_20, %add3A_93 : i32
    %dma_start3A_95 = arith.constant 0 : i32
    %dma_start3A_96 = arith.constant 0 : i32
    %dma_start3A_97 = tpu.memref_slice %arg8[%dma_start3A_95, %dma_start3A_96] : memref<80x128xf32, #tpu.memory_space<vmem>> -> memref<80x128xf32, #tpu.memory_space<vmem>>
    %dma_start3A_98 = arith.constant 0 : i32
    %dma_start3A_99 = tpu.memref_slice %arg10[%add3A_94, %dma_start3A_98] : memref<10240x128xf32, #tpu.memory_space<vmem_shared>> -> memref<80x128xf32, #tpu.memory_space<vmem_shared>>
    %dma_start3A_100 = arith.constant 0 : i32
    %dma_start3A_101 = tpu.memref_slice %arg10[%add3A_94, %dma_start3A_100] : memref<10240x128xf32, #tpu.memory_space<vmem_shared>> -> memref<80x128xf32, #tpu.memory_space<vmem_shared>>
    %dma_start3A_102 = arith.constant 0 : i32
    %dma_start3A_103 = arith.constant 0 : i32
    %dma_start3A_104 = tpu.memref_slice %arg8[%dma_start3A_102, %dma_start3A_103] : memref<80x128xf32, #tpu.memory_space<vmem>> -> memref<80x128xf32, #tpu.memory_space<vmem>>
    tpu.enqueue_dma source(%dma_start3A_104 : memref<80x128xf32, #tpu.memory_space<vmem>>) target(%dma_start3A_101 : memref<80x128xf32, #tpu.memory_space<vmem_shared>>) target_semaphore(%arg13 : memref<!tpu.dma_semaphore, #tpu.memory_space<semaphore_mem>>)
    %add3A_105 = arith.constant 560 : i32
    %add3A_106 = arith.addi %mul3A_20, %add3A_105 : i32
    %dma_start3A_107 = arith.constant 0 : i32
    %dma_start3A_108 = arith.constant 0 : i32
    %dma_start3A_109 = tpu.memref_slice %arg8[%dma_start3A_107, %dma_start3A_108] : memref<80x128xf32, #tpu.memory_space<vmem>> -> memref<80x128xf32, #tpu.memory_space<vmem>>
    %dma_start3A_110 = arith.constant 0 : i32
    %dma_start3A_111 = tpu.memref_slice %arg10[%add3A_106, %dma_start3A_110] : memref<10240x128xf32, #tpu.memory_space<vmem_shared>> -> memref<80x128xf32, #tpu.memory_space<vmem_shared>>
    %dma_start3A_112 = arith.constant 0 : i32
    %dma_start3A_113 = tpu.memref_slice %arg10[%add3A_106, %dma_start3A_112] : memref<10240x128xf32, #tpu.memory_space<vmem_shared>> -> memref<80x128xf32, #tpu.memory_space<vmem_shared>>
    %dma_start3A_114 = arith.constant 0 : i32
    %dma_start3A_115 = arith.constant 0 : i32
    %dma_start3A_116 = tpu.memref_slice %arg8[%dma_start3A_114, %dma_start3A_115] : memref<80x128xf32, #tpu.memory_space<vmem>> -> memref<80x128xf32, #tpu.memory_space<vmem>>
    tpu.enqueue_dma source(%dma_start3A_116 : memref<80x128xf32, #tpu.memory_space<vmem>>) target(%dma_start3A_113 : memref<80x128xf32, #tpu.memory_space<vmem_shared>>) target_semaphore(%arg13 : memref<!tpu.dma_semaphore, #tpu.memory_space<semaphore_mem>>)
    %dma_wait3A = arith.constant 0 : i32
    %dma_wait3A_117 = arith.constant 0 : i32
    %dma_wait3A_118 = tpu.memref_slice %arg8[%dma_wait3A, %dma_wait3A_117] : memref<80x128xf32, #tpu.memory_space<vmem>> -> memref<80x128xf32, #tpu.memory_space<vmem>>
    %dma_wait3A_119 = arith.constant 0 : i32
    %dma_wait3A_120 = tpu.memref_slice %arg10[%mul3A_20, %dma_wait3A_119] : memref<10240x128xf32, #tpu.memory_space<vmem_shared>> -> memref<80x128xf32, #tpu.memory_space<vmem_shared>>
    %dma_wait3A_121 = arith.constant 0 : i32
    %dma_wait3A_122 = tpu.memref_slice %arg10[%mul3A_20, %dma_wait3A_121] : memref<10240x128xf32, #tpu.memory_space<vmem_shared>> -> memref<80x128xf32, #tpu.memory_space<vmem_shared>>
    %dma_wait3A_123 = arith.constant 0 : i32
    %dma_wait3A_124 = arith.constant 0 : i32
    %dma_wait3A_125 = tpu.memref_slice %arg8[%dma_wait3A_123, %dma_wait3A_124] : memref<80x128xf32, #tpu.memory_space<vmem>> -> memref<80x128xf32, #tpu.memory_space<vmem>>
    tpu.wait_dma2 semaphore(%arg13 : memref<!tpu.dma_semaphore, #tpu.memory_space<semaphore_mem>>) src(%dma_wait3A_125 : memref<80x128xf32, #tpu.memory_space<vmem>>) dst(%dma_wait3A_122 : memref<80x128xf32, #tpu.memory_space<vmem_shared>>)
    %dma_wait3A_126 = arith.constant 0 : i32
    %dma_wait3A_127 = arith.constant 0 : i32
    %dma_wait3A_128 = tpu.memref_slice %arg8[%dma_wait3A_126, %dma_wait3A_127] : memref<80x128xf32, #tpu.memory_space<vmem>> -> memref<80x128xf32, #tpu.memory_space<vmem>>
    %dma_wait3A_129 = arith.constant 0 : i32
    %dma_wait3A_130 = tpu.memref_slice %arg10[%mul3A_20, %dma_wait3A_129] : memref<10240x128xf32, #tpu.memory_space<vmem_shared>> -> memref<80x128xf32, #tpu.memory_space<vmem_shared>>
    %dma_wait3A_131 = arith.constant 0 : i32
    %dma_wait3A_132 = tpu.memref_slice %arg10[%mul3A_20, %dma_wait3A_131] : memref<10240x128xf32, #tpu.memory_space<vmem_shared>> -> memref<80x128xf32, #tpu.memory_space<vmem_shared>>
    %dma_wait3A_133 = arith.constant 0 : i32
    %dma_wait3A_134 = arith.constant 0 : i32
    %dma_wait3A_135 = tpu.memref_slice %arg8[%dma_wait3A_133, %dma_wait3A_134] : memref<80x128xf32, #tpu.memory_space<vmem>> -> memref<80x128xf32, #tpu.memory_space<vmem>>
    tpu.wait_dma2 semaphore(%arg13 : memref<!tpu.dma_semaphore, #tpu.memory_space<semaphore_mem>>) src(%dma_wait3A_135 : memref<80x128xf32, #tpu.memory_space<vmem>>) dst(%dma_wait3A_132 : memref<80x128xf32, #tpu.memory_space<vmem_shared>>)
    %dma_wait3A_136 = arith.constant 0 : i32
    %dma_wait3A_137 = arith.constant 0 : i32
    %dma_wait3A_138 = tpu.memref_slice %arg8[%dma_wait3A_136, %dma_wait3A_137] : memref<80x128xf32, #tpu.memory_space<vmem>> -> memref<80x128xf32, #tpu.memory_space<vmem>>
    %dma_wait3A_139 = arith.constant 0 : i32
    %dma_wait3A_140 = tpu.memref_slice %arg10[%mul3A_20, %dma_wait3A_139] : memref<10240x128xf32, #tpu.memory_space<vmem_shared>> -> memref<80x128xf32, #tpu.memory_space<vmem_shared>>
    %dma_wait3A_141 = arith.constant 0 : i32
    %dma_wait3A_142 = tpu.memref_slice %arg10[%mul3A_20, %dma_wait3A_141] : memref<10240x128xf32, #tpu.memory_space<vmem_shared>> -> memref<80x128xf32, #tpu.memory_space<vmem_shared>>
    %dma_wait3A_143 = arith.constant 0 : i32
    %dma_wait3A_144 = arith.constant 0 : i32
    %dma_wait3A_145 = tpu.memref_slice %arg8[%dma_wait3A_143, %dma_wait3A_144] : memref<80x128xf32, #tpu.memory_space<vmem>> -> memref<80x128xf32, #tpu.memory_space<vmem>>
    tpu.wait_dma2 semaphore(%arg13 : memref<!tpu.dma_semaphore, #tpu.memory_space<semaphore_mem>>) src(%dma_wait3A_145 : memref<80x128xf32, #tpu.memory_space<vmem>>) dst(%dma_wait3A_142 : memref<80x128xf32, #tpu.memory_space<vmem_shared>>)
    %dma_wait3A_146 = arith.constant 0 : i32
    %dma_wait3A_147 = arith.constant 0 : i32
    %dma_wait3A_148 = tpu.memref_slice %arg8[%dma_wait3A_146, %dma_wait3A_147] : memref<80x128xf32, #tpu.memory_space<vmem>> -> memref<80x128xf32, #tpu.memory_space<vmem>>
    %dma_wait3A_149 = arith.constant 0 : i32
    %dma_wait3A_150 = tpu.memref_slice %arg10[%mul3A_20, %dma_wait3A_149] : memref<10240x128xf32, #tpu.memory_space<vmem_shared>> -> memref<80x128xf32, #tpu.memory_space<vmem_shared>>
    %dma_wait3A_151 = arith.constant 0 : i32
    %dma_wait3A_152 = tpu.memref_slice %arg10[%mul3A_20, %dma_wait3A_151] : memref<10240x128xf32, #tpu.memory_space<vmem_shared>> -> memref<80x128xf32, #tpu.memory_space<vmem_shared>>
    %dma_wait3A_153 = arith.constant 0 : i32
    %dma_wait3A_154 = arith.constant 0 : i32
    %dma_wait3A_155 = tpu.memref_slice %arg8[%dma_wait3A_153, %dma_wait3A_154] : memref<80x128xf32, #tpu.memory_space<vmem>> -> memref<80x128xf32, #tpu.memory_space<vmem>>
    tpu.wait_dma2 semaphore(%arg13 : memref<!tpu.dma_semaphore, #tpu.memory_space<semaphore_mem>>) src(%dma_wait3A_155 : memref<80x128xf32, #tpu.memory_space<vmem>>) dst(%dma_wait3A_152 : memref<80x128xf32, #tpu.memory_space<vmem_shared>>)
    %dma_wait3A_156 = arith.constant 0 : i32
    %dma_wait3A_157 = arith.constant 0 : i32
    %dma_wait3A_158 = tpu.memref_slice %arg8[%dma_wait3A_156, %dma_wait3A_157] : memref<80x128xf32, #tpu.memory_space<vmem>> -> memref<80x128xf32, #tpu.memory_space<vmem>>
    %dma_wait3A_159 = arith.constant 0 : i32
    %dma_wait3A_160 = tpu.memref_slice %arg10[%mul3A_20, %dma_wait3A_159] : memref<10240x128xf32, #tpu.memory_space<vmem_shared>> -> memref<80x128xf32, #tpu.memory_space<vmem_shared>>
    %dma_wait3A_161 = arith.constant 0 : i32
    %dma_wait3A_162 = tpu.memref_slice %arg10[%mul3A_20, %dma_wait3A_161] : memref<10240x128xf32, #tpu.memory_space<vmem_shared>> -> memref<80x128xf32, #tpu.memory_space<vmem_shared>>
    %dma_wait3A_163 = arith.constant 0 : i32
    %dma_wait3A_164 = arith.constant 0 : i32
    %dma_wait3A_165 = tpu.memref_slice %arg8[%dma_wait3A_163, %dma_wait3A_164] : memref<80x128xf32, #tpu.memory_space<vmem>> -> memref<80x128xf32, #tpu.memory_space<vmem>>
    tpu.wait_dma2 semaphore(%arg13 : memref<!tpu.dma_semaphore, #tpu.memory_space<semaphore_mem>>) src(%dma_wait3A_165 : memref<80x128xf32, #tpu.memory_space<vmem>>) dst(%dma_wait3A_162 : memref<80x128xf32, #tpu.memory_space<vmem_shared>>)
    %dma_wait3A_166 = arith.constant 0 : i32
    %dma_wait3A_167 = arith.constant 0 : i32
    %dma_wait3A_168 = tpu.memref_slice %arg8[%dma_wait3A_166, %dma_wait3A_167] : memref<80x128xf32, #tpu.memory_space<vmem>> -> memref<80x128xf32, #tpu.memory_space<vmem>>
    %dma_wait3A_169 = arith.constant 0 : i32
    %dma_wait3A_170 = tpu.memref_slice %arg10[%mul3A_20, %dma_wait3A_169] : memref<10240x128xf32, #tpu.memory_space<vmem_shared>> -> memref<80x128xf32, #tpu.memory_space<vmem_shared>>
    %dma_wait3A_171 = arith.constant 0 : i32
    %dma_wait3A_172 = tpu.memref_slice %arg10[%mul3A_20, %dma_wait3A_171] : memref<10240x128xf32, #tpu.memory_space<vmem_shared>> -> memref<80x128xf32, #tpu.memory_space<vmem_shared>>
    %dma_wait3A_173 = arith.constant 0 : i32
    %dma_wait3A_174 = arith.constant 0 : i32
    %dma_wait3A_175 = tpu.memref_slice %arg8[%dma_wait3A_173, %dma_wait3A_174] : memref<80x128xf32, #tpu.memory_space<vmem>> -> memref<80x128xf32, #tpu.memory_space<vmem>>
    tpu.wait_dma2 semaphore(%arg13 : memref<!tpu.dma_semaphore, #tpu.memory_space<semaphore_mem>>) src(%dma_wait3A_175 : memref<80x128xf32, #tpu.memory_space<vmem>>) dst(%dma_wait3A_172 : memref<80x128xf32, #tpu.memory_space<vmem_shared>>)
    %dma_wait3A_176 = arith.constant 0 : i32
    %dma_wait3A_177 = arith.constant 0 : i32
    %dma_wait3A_178 = tpu.memref_slice %arg8[%dma_wait3A_176, %dma_wait3A_177] : memref<80x128xf32, #tpu.memory_space<vmem>> -> memref<80x128xf32, #tpu.memory_space<vmem>>
    %dma_wait3A_179 = arith.constant 0 : i32
    %dma_wait3A_180 = tpu.memref_slice %arg10[%mul3A_20, %dma_wait3A_179] : memref<10240x128xf32, #tpu.memory_space<vmem_shared>> -> memref<80x128xf32, #tpu.memory_space<vmem_shared>>
    %dma_wait3A_181 = arith.constant 0 : i32
    %dma_wait3A_182 = tpu.memref_slice %arg10[%mul3A_20, %dma_wait3A_181] : memref<10240x128xf32, #tpu.memory_space<vmem_shared>> -> memref<80x128xf32, #tpu.memory_space<vmem_shared>>
    %dma_wait3A_183 = arith.constant 0 : i32
    %dma_wait3A_184 = arith.constant 0 : i32
    %dma_wait3A_185 = tpu.memref_slice %arg8[%dma_wait3A_183, %dma_wait3A_184] : memref<80x128xf32, #tpu.memory_space<vmem>> -> memref<80x128xf32, #tpu.memory_space<vmem>>
    tpu.wait_dma2 semaphore(%arg13 : memref<!tpu.dma_semaphore, #tpu.memory_space<semaphore_mem>>) src(%dma_wait3A_185 : memref<80x128xf32, #tpu.memory_space<vmem>>) dst(%dma_wait3A_182 : memref<80x128xf32, #tpu.memory_space<vmem_shared>>)
    %dma_wait3A_186 = arith.constant 0 : i32
    %dma_wait3A_187 = arith.constant 0 : i32
    %dma_wait3A_188 = tpu.memref_slice %arg8[%dma_wait3A_186, %dma_wait3A_187] : memref<80x128xf32, #tpu.memory_space<vmem>> -> memref<80x128xf32, #tpu.memory_space<vmem>>
    %dma_wait3A_189 = arith.constant 0 : i32
    %dma_wait3A_190 = tpu.memref_slice %arg10[%mul3A_20, %dma_wait3A_189] : memref<10240x128xf32, #tpu.memory_space<vmem_shared>> -> memref<80x128xf32, #tpu.memory_space<vmem_shared>>
    %dma_wait3A_191 = arith.constant 0 : i32
    %dma_wait3A_192 = tpu.memref_slice %arg10[%mul3A_20, %dma_wait3A_191] : memref<10240x128xf32, #tpu.memory_space<vmem_shared>> -> memref<80x128xf32, #tpu.memory_space<vmem_shared>>
    %dma_wait3A_193 = arith.constant 0 : i32
    %dma_wait3A_194 = arith.constant 0 : i32
    %dma_wait3A_195 = tpu.memref_slice %arg8[%dma_wait3A_193, %dma_wait3A_194] : memref<80x128xf32, #tpu.memory_space<vmem>> -> memref<80x128xf32, #tpu.memory_space<vmem>>
    tpu.wait_dma2 semaphore(%arg13 : memref<!tpu.dma_semaphore, #tpu.memory_space<semaphore_mem>>) src(%dma_wait3A_195 : memref<80x128xf32, #tpu.memory_space<vmem>>) dst(%dma_wait3A_192 : memref<80x128xf32, #tpu.memory_space<vmem_shared>>)
    %dma_wait3A_196 = arith.constant 0 : i32
    %dma_wait3A_197 = tpu.memref_slice %arg2[%add3A, %dma_wait3A_196] : memref<32x10000xi32, #tpu.memory_space<hbm>> -> memref<1x10000xi32, #tpu.memory_space<hbm>>
    %dma_wait3A_198 = tpu.memref_squeeze %dma_wait3A_197 : memref<1x10000xi32, #tpu.memory_space<hbm>> -> memref<10000xi32, #tpu.memory_space<hbm>>
    %dma_wait3A_199 = arith.constant 0 : i32
    %dma_wait3A_200 = tpu.memref_slice %arg2[%add3A, %dma_wait3A_199] : memref<32x10000xi32, #tpu.memory_space<hbm>> -> memref<1x10000xi32, #tpu.memory_space<hbm>>
    %dma_wait3A_201 = tpu.memref_squeeze %dma_wait3A_200 : memref<1x10000xi32, #tpu.memory_space<hbm>> -> memref<10000xi32, #tpu.memory_space<hbm>>
    tpu.wait_dma2 semaphore(%arg11 : memref<!tpu.dma_semaphore, #tpu.memory_space<semaphore_mem>>) src(%dma_wait3A_201 : memref<10000xi32, #tpu.memory_space<hbm>>) dst(%arg6 : memref<10000xi32, #tpu.memory_space<vmem>>)
    %dma_wait3A_202 = arith.constant 0 : i32
    %dma_wait3A_203 = arith.constant 0 : i32
    %dma_wait3A_204 = tpu.memref_slice %arg3[%add3A, %dma_wait3A_202, %dma_wait3A_203] : memref<32x125x80xi32, #tpu.memory_space<hbm>> -> memref<1x125x80xi32, #tpu.memory_space<hbm>>
    %dma_wait3A_205 = tpu.memref_squeeze %dma_wait3A_204 : memref<1x125x80xi32, #tpu.memory_space<hbm>> -> memref<125x80xi32, #tpu.memory_space<hbm>>
    %dma_wait3A_206 = arith.constant 0 : i32
    %dma_wait3A_207 = arith.constant 0 : i32
    %dma_wait3A_208 = tpu.memref_slice %arg3[%add3A, %dma_wait3A_206, %dma_wait3A_207] : memref<32x125x80xi32, #tpu.memory_space<hbm>> -> memref<1x125x80xi32, #tpu.memory_space<hbm>>
    %dma_wait3A_209 = tpu.memref_squeeze %dma_wait3A_208 : memref<1x125x80xi32, #tpu.memory_space<hbm>> -> memref<125x80xi32, #tpu.memory_space<hbm>>
    tpu.wait_dma2 semaphore(%arg12 : memref<!tpu.dma_semaphore, #tpu.memory_space<semaphore_mem>>) src(%dma_wait3A_209 : memref<125x80xi32, #tpu.memory_space<hbm>>) dst(%arg7 : memref<125x80xi32, #tpu.memory_space<vmem>>)
    %barrier3A = arith.constant 0 : index
    tpu.barrier barrier_id(%barrier3A)
    %dma_start3A_210 = arith.constant 0 : i32
    %dma_start3A_211 = tpu.memref_slice %arg6[%dma_start3A_210] : memref<10000xi32, #tpu.memory_space<vmem>> -> memref<80xi32, #tpu.memory_space<vmem>>
    %dma_start3A_212 = arith.constant 0 : i32
    %dma_start3A_213 = arith.constant 0 : i32
    %dma_start3A_214 = tpu.memref_slice %arg4[%dma_start3A_212, %dma_start3A_213] : memref<10000x128xf32, #tpu.memory_space<hbm>> -> memref<10000x128xf32, #tpu.memory_space<hbm>>
    tpu.enqueue_indirect_dma source(%dma_start3A_214 : memref<10000x128xf32, #tpu.memory_space<hbm>>) target(%arg8 : memref<80x128xf32, #tpu.memory_space<vmem>>) offsets(%dma_start3A_211 : memref<80xi32, #tpu.memory_space<vmem>>) semaphore(%arg13 : memref<!tpu.dma_semaphore, #tpu.memory_space<semaphore_mem>>)
    %scan3A_215 = arith.constant 0 : i32
    %scan3A_216 = arith.constant 62 : i32
    %scan3A_217 = arith.addi %scan3A_215, %scan3A_216 : i32
    %scan3A_218 = arith.constant 1 : i32
    scf.for %scan3A_322 = %scan3A_215 to %scan3A_217 step %scan3A_218  : i32 {
      %mul3A_323 = arith.constant 2 : i32
      %mul3A_324 = arith.muli %scan3A_322, %mul3A_323 : i32
      %add3A_325 = arith.constant 0 : i32
      %add3A_326 = arith.addi %add3A_325, %mul3A_324 : i32
      %add3A_327 = arith.constant 1 : i32
      %add3A_328 = arith.addi %add3A_326, %add3A_327 : i32
      %mul3A_329 = arith.constant 80 : i32
      %mul3A_330 = arith.muli %add3A_328, %mul3A_329 : i32
      %dma_start3A_331 = tpu.memref_slice %arg6[%mul3A_330] : memref<10000xi32, #tpu.memory_space<vmem>> -> memref<80xi32, #tpu.memory_space<vmem>>
      %dma_start3A_332 = arith.constant 0 : i32
      %dma_start3A_333 = arith.constant 0 : i32
      %dma_start3A_334 = tpu.memref_slice %arg4[%dma_start3A_332, %dma_start3A_333] : memref<10000x128xf32, #tpu.memory_space<hbm>> -> memref<10000x128xf32, #tpu.memory_space<hbm>>
      tpu.enqueue_indirect_dma source(%dma_start3A_334 : memref<10000x128xf32, #tpu.memory_space<hbm>>) target(%arg9 : memref<80x128xf32, #tpu.memory_space<vmem>>) offsets(%dma_start3A_331 : memref<80xi32, #tpu.memory_space<vmem>>) semaphore(%arg14 : memref<!tpu.dma_semaphore, #tpu.memory_space<semaphore_mem>>)
      %mul3A_335 = arith.constant 80 : i32
      %mul3A_336 = arith.muli %add3A_326, %mul3A_335 : i32
      %dma_wait3A_337 = tpu.memref_slice %arg6[%mul3A_336] : memref<10000xi32, #tpu.memory_space<vmem>> -> memref<80xi32, #tpu.memory_space<vmem>>
      %dma_wait3A_338 = arith.constant 0 : i32
      %dma_wait3A_339 = arith.constant 0 : i32
      %dma_wait3A_340 = tpu.memref_slice %arg4[%dma_wait3A_338, %dma_wait3A_339] : memref<10000x128xf32, #tpu.memory_space<hbm>> -> memref<10000x128xf32, #tpu.memory_space<hbm>>
      tpu.wait_indirect_dma semaphore(%arg13 : memref<!tpu.dma_semaphore, #tpu.memory_space<semaphore_mem>>) src(%dma_wait3A_340 : memref<10000x128xf32, #tpu.memory_space<hbm>>) dst(%arg8 : memref<80x128xf32, #tpu.memory_space<vmem>>)
      "tpu.region"() ({
        %run_scoped3A_355 = tpu.sem_alloc : memref<!tpu.dma_semaphore, #tpu.memory_space<semaphore_mem>>
        %dma_start3A_356 = arith.constant 0 : i32
        %dma_start3A_357 = tpu.memref_slice %arg7[%add3A_326, %dma_start3A_356] : memref<125x80xi32, #tpu.memory_space<vmem>> -> memref<1x80xi32, #tpu.memory_space<vmem>>
        %dma_start3A_358 = tpu.memref_squeeze %dma_start3A_357 : memref<1x80xi32, #tpu.memory_space<vmem>> -> memref<80xi32, #tpu.memory_space<vmem>>
        %dma_start3A_359 = arith.constant 0 : i32
        %dma_start3A_360 = arith.constant 0 : i32
        %dma_start3A_361 = tpu.memref_slice %arg10[%dma_start3A_359, %dma_start3A_360] : memref<10240x128xf32, #tpu.memory_space<vmem_shared>> -> memref<10240x128xf32, #tpu.memory_space<vmem_shared>>
        tpu.enqueue_indirect_dma source(%arg8 : memref<80x128xf32, #tpu.memory_space<vmem>>) target(%dma_start3A_361 : memref<10240x128xf32, #tpu.memory_space<vmem_shared>>) offsets(%dma_start3A_358 : memref<80xi32, #tpu.memory_space<vmem>>) semaphore(%run_scoped3A_355 : memref<!tpu.dma_semaphore, #tpu.memory_space<semaphore_mem>>) {add = true}
        %dma_wait3A_362 = arith.constant 0 : i32
        %dma_wait3A_363 = tpu.memref_slice %arg7[%add3A_326, %dma_wait3A_362] : memref<125x80xi32, #tpu.memory_space<vmem>> -> memref<1x80xi32, #tpu.memory_space<vmem>>
        %dma_wait3A_364 = tpu.memref_squeeze %dma_wait3A_363 : memref<1x80xi32, #tpu.memory_space<vmem>> -> memref<80xi32, #tpu.memory_space<vmem>>
        %dma_wait3A_365 = arith.constant 0 : i32
        %dma_wait3A_366 = arith.constant 0 : i32
        %dma_wait3A_367 = tpu.memref_slice %arg10[%dma_wait3A_365, %dma_wait3A_366] : memref<10240x128xf32, #tpu.memory_space<vmem_shared>> -> memref<10240x128xf32, #tpu.memory_space<vmem_shared>>
        tpu.wait_indirect_dma semaphore(%run_scoped3A_355 : memref<!tpu.dma_semaphore, #tpu.memory_space<semaphore_mem>>) src(%arg8 : memref<80x128xf32, #tpu.memory_space<vmem>>) dst(%dma_wait3A_367 : memref<10240x128xf32, #tpu.memory_space<vmem_shared>>)
        tpu.yield
      }) : () -> ()
      %add3A_341 = arith.constant 2 : i32
      %add3A_342 = arith.addi %add3A_326, %add3A_341 : i32
      %lt3A = arith.constant 125 : i32
      %lt3A_343 = arith.cmpi slt, %add3A_342, %lt3A : i32
      %convert_element_type3A = arith.extui %lt3A_343 : i1 to i32
      %cond3A = arith.constant 0 : i32
      %cond3A_344 = arith.cmpi ne, %convert_element_type3A, %cond3A : i32
      scf.if %cond3A_344 {
        %add3A_355 = arith.constant 2 : i32
        %add3A_356 = arith.addi %add3A_326, %add3A_355 : i32
        %mul3A_357 = arith.constant 80 : i32
        %mul3A_358 = arith.muli %add3A_356, %mul3A_357 : i32
        %dma_start3A_359 = tpu.memref_slice %arg6[%mul3A_358] : memref<10000xi32, #tpu.memory_space<vmem>> -> memref<80xi32, #tpu.memory_space<vmem>>
        %dma_start3A_360 = arith.constant 0 : i32
        %dma_start3A_361 = arith.constant 0 : i32
        %dma_start3A_362 = tpu.memref_slice %arg4[%dma_start3A_360, %dma_start3A_361] : memref<10000x128xf32, #tpu.memory_space<hbm>> -> memref<10000x128xf32, #tpu.memory_space<hbm>>
        tpu.enqueue_indirect_dma source(%dma_start3A_362 : memref<10000x128xf32, #tpu.memory_space<hbm>>) target(%arg8 : memref<80x128xf32, #tpu.memory_space<vmem>>) offsets(%dma_start3A_359 : memref<80xi32, #tpu.memory_space<vmem>>) semaphore(%arg13 : memref<!tpu.dma_semaphore, #tpu.memory_space<semaphore_mem>>)
      } else {
      }
      %add3A_345 = arith.constant 1 : i32
      %add3A_346 = arith.addi %add3A_326, %add3A_345 : i32
      %mul3A_347 = arith.constant 80 : i32
      %mul3A_348 = arith.muli %add3A_346, %mul3A_347 : i32
      %dma_wait3A_349 = tpu.memref_slice %arg6[%mul3A_348] : memref<10000xi32, #tpu.memory_space<vmem>> -> memref<80xi32, #tpu.memory_space<vmem>>
      %dma_wait3A_350 = arith.constant 0 : i32
      %dma_wait3A_351 = arith.constant 0 : i32
      %dma_wait3A_352 = tpu.memref_slice %arg4[%dma_wait3A_350, %dma_wait3A_351] : memref<10000x128xf32, #tpu.memory_space<hbm>> -> memref<10000x128xf32, #tpu.memory_space<hbm>>
      tpu.wait_indirect_dma semaphore(%arg14 : memref<!tpu.dma_semaphore, #tpu.memory_space<semaphore_mem>>) src(%dma_wait3A_352 : memref<10000x128xf32, #tpu.memory_space<hbm>>) dst(%arg9 : memref<80x128xf32, #tpu.memory_space<vmem>>)
      %add3A_353 = arith.constant 1 : i32
      %add3A_354 = arith.addi %add3A_326, %add3A_353 : i32
      "tpu.region"() ({
        %run_scoped3A_355 = tpu.sem_alloc : memref<!tpu.dma_semaphore, #tpu.memory_space<semaphore_mem>>
        %dma_start3A_356 = arith.constant 0 : i32
        %dma_start3A_357 = tpu.memref_slice %arg7[%add3A_354, %dma_start3A_356] : memref<125x80xi32, #tpu.memory_space<vmem>> -> memref<1x80xi32, #tpu.memory_space<vmem>>
        %dma_start3A_358 = tpu.memref_squeeze %dma_start3A_357 : memref<1x80xi32, #tpu.memory_space<vmem>> -> memref<80xi32, #tpu.memory_space<vmem>>
        %dma_start3A_359 = arith.constant 0 : i32
        %dma_start3A_360 = arith.constant 0 : i32
        %dma_start3A_361 = tpu.memref_slice %arg10[%dma_start3A_359, %dma_start3A_360] : memref<10240x128xf32, #tpu.memory_space<vmem_shared>> -> memref<10240x128xf32, #tpu.memory_space<vmem_shared>>
        tpu.enqueue_indirect_dma source(%arg9 : memref<80x128xf32, #tpu.memory_space<vmem>>) target(%dma_start3A_361 : memref<10240x128xf32, #tpu.memory_space<vmem_shared>>) offsets(%dma_start3A_358 : memref<80xi32, #tpu.memory_space<vmem>>) semaphore(%run_scoped3A_355 : memref<!tpu.dma_semaphore, #tpu.memory_space<semaphore_mem>>) {add = true}
        %dma_wait3A_362 = arith.constant 0 : i32
        %dma_wait3A_363 = tpu.memref_slice %arg7[%add3A_354, %dma_wait3A_362] : memref<125x80xi32, #tpu.memory_space<vmem>> -> memref<1x80xi32, #tpu.memory_space<vmem>>
        %dma_wait3A_364 = tpu.memref_squeeze %dma_wait3A_363 : memref<1x80xi32, #tpu.memory_space<vmem>> -> memref<80xi32, #tpu.memory_space<vmem>>
        %dma_wait3A_365 = arith.constant 0 : i32
        %dma_wait3A_366 = arith.constant 0 : i32
        %dma_wait3A_367 = tpu.memref_slice %arg10[%dma_wait3A_365, %dma_wait3A_366] : memref<10240x128xf32, #tpu.memory_space<vmem_shared>> -> memref<10240x128xf32, #tpu.memory_space<vmem_shared>>
        tpu.wait_indirect_dma semaphore(%run_scoped3A_355 : memref<!tpu.dma_semaphore, #tpu.memory_space<semaphore_mem>>) src(%arg9 : memref<80x128xf32, #tpu.memory_space<vmem>>) dst(%dma_wait3A_367 : memref<10240x128xf32, #tpu.memory_space<vmem_shared>>)
        tpu.yield
      }) : () -> ()
    }
    %scan3A_219 = arith.constant 62 : i32
    %dma_wait3A_220 = arith.constant 9920 : i32
    %dma_wait3A_221 = tpu.memref_slice %arg6[%dma_wait3A_220] : memref<10000xi32, #tpu.memory_space<vmem>> -> memref<80xi32, #tpu.memory_space<vmem>>
    %dma_wait3A_222 = arith.constant 0 : i32
    %dma_wait3A_223 = arith.constant 0 : i32
    %dma_wait3A_224 = tpu.memref_slice %arg4[%dma_wait3A_222, %dma_wait3A_223] : memref<10000x128xf32, #tpu.memory_space<hbm>> -> memref<10000x128xf32, #tpu.memory_space<hbm>>
    tpu.wait_indirect_dma semaphore(%arg13 : memref<!tpu.dma_semaphore, #tpu.memory_space<semaphore_mem>>) src(%dma_wait3A_224 : memref<10000x128xf32, #tpu.memory_space<hbm>>) dst(%arg8 : memref<80x128xf32, #tpu.memory_space<vmem>>)
    %run_scoped3A = arith.constant 124 : i32
    "tpu.region"() ({
      %run_scoped3A_322 = tpu.sem_alloc : memref<!tpu.dma_semaphore, #tpu.memory_space<semaphore_mem>>
      %dma_start3A_323 = arith.constant 0 : i32
      %dma_start3A_324 = tpu.memref_slice %arg7[%run_scoped3A, %dma_start3A_323] : memref<125x80xi32, #tpu.memory_space<vmem>> -> memref<1x80xi32, #tpu.memory_space<vmem>>
      %dma_start3A_325 = tpu.memref_squeeze %dma_start3A_324 : memref<1x80xi32, #tpu.memory_space<vmem>> -> memref<80xi32, #tpu.memory_space<vmem>>
      %dma_start3A_326 = arith.constant 0 : i32
      %dma_start3A_327 = arith.constant 0 : i32
      %dma_start3A_328 = tpu.memref_slice %arg10[%dma_start3A_326, %dma_start3A_327] : memref<10240x128xf32, #tpu.memory_space<vmem_shared>> -> memref<10240x128xf32, #tpu.memory_space<vmem_shared>>
      tpu.enqueue_indirect_dma source(%arg8 : memref<80x128xf32, #tpu.memory_space<vmem>>) target(%dma_start3A_328 : memref<10240x128xf32, #tpu.memory_space<vmem_shared>>) offsets(%dma_start3A_325 : memref<80xi32, #tpu.memory_space<vmem>>) semaphore(%run_scoped3A_322 : memref<!tpu.dma_semaphore, #tpu.memory_space<semaphore_mem>>) {add = true}
      %dma_wait3A_329 = arith.constant 0 : i32
      %dma_wait3A_330 = tpu.memref_slice %arg7[%run_scoped3A, %dma_wait3A_329] : memref<125x80xi32, #tpu.memory_space<vmem>> -> memref<1x80xi32, #tpu.memory_space<vmem>>
      %dma_wait3A_331 = tpu.memref_squeeze %dma_wait3A_330 : memref<1x80xi32, #tpu.memory_space<vmem>> -> memref<80xi32, #tpu.memory_space<vmem>>
      %dma_wait3A_332 = arith.constant 0 : i32
      %dma_wait3A_333 = arith.constant 0 : i32
      %dma_wait3A_334 = tpu.memref_slice %arg10[%dma_wait3A_332, %dma_wait3A_333] : memref<10240x128xf32, #tpu.memory_space<vmem_shared>> -> memref<10240x128xf32, #tpu.memory_space<vmem_shared>>
      tpu.wait_indirect_dma semaphore(%run_scoped3A_322 : memref<!tpu.dma_semaphore, #tpu.memory_space<semaphore_mem>>) src(%arg8 : memref<80x128xf32, #tpu.memory_space<vmem>>) dst(%dma_wait3A_334 : memref<10240x128xf32, #tpu.memory_space<vmem_shared>>)
      tpu.yield
    }) : () -> ()
    %barrier3A_225 = arith.constant 0 : index
    tpu.barrier barrier_id(%barrier3A_225)
    %add3A_226 = arith.constant 0 : i32
    %add3A_227 = arith.addi %mul3A_20, %add3A_226 : i32
    %dma_start3A_228 = arith.constant 0 : i32
    %dma_start3A_229 = tpu.memref_slice %arg5[%arg0, %add3A_227, %dma_start3A_228] : memref<2x10240x128xf32, #tpu.memory_space<hbm>> -> memref<1x80x128xf32, #tpu.memory_space<hbm>>
    %dma_start3A_230 = tpu.memref_squeeze %dma_start3A_229 : memref<1x80x128xf32, #tpu.memory_space<hbm>> -> memref<80x128xf32, #tpu.memory_space<hbm>>
    %dma_start3A_231 = arith.constant 0 : i32
    %dma_start3A_232 = tpu.memref_slice %arg10[%add3A_227, %dma_start3A_231] : memref<10240x128xf32, #tpu.memory_space<vmem_shared>> -> memref<80x128xf32, #tpu.memory_space<vmem_shared>>
    tpu.enqueue_dma source(%dma_start3A_232 : memref<80x128xf32, #tpu.memory_space<vmem_shared>>) target(%dma_start3A_230 : memref<80x128xf32, #tpu.memory_space<hbm>>) target_semaphore(%arg11 : memref<!tpu.dma_semaphore, #tpu.memory_space<semaphore_mem>>)
    %add3A_233 = arith.constant 80 : i32
    %add3A_234 = arith.addi %mul3A_20, %add3A_233 : i32
    %dma_start3A_235 = arith.constant 0 : i32
    %dma_start3A_236 = tpu.memref_slice %arg5[%arg0, %add3A_234, %dma_start3A_235] : memref<2x10240x128xf32, #tpu.memory_space<hbm>> -> memref<1x80x128xf32, #tpu.memory_space<hbm>>
    %dma_start3A_237 = tpu.memref_squeeze %dma_start3A_236 : memref<1x80x128xf32, #tpu.memory_space<hbm>> -> memref<80x128xf32, #tpu.memory_space<hbm>>
    %dma_start3A_238 = arith.constant 0 : i32
    %dma_start3A_239 = tpu.memref_slice %arg10[%add3A_234, %dma_start3A_238] : memref<10240x128xf32, #tpu.memory_space<vmem_shared>> -> memref<80x128xf32, #tpu.memory_space<vmem_shared>>
    tpu.enqueue_dma source(%dma_start3A_239 : memref<80x128xf32, #tpu.memory_space<vmem_shared>>) target(%dma_start3A_237 : memref<80x128xf32, #tpu.memory_space<hbm>>) target_semaphore(%arg11 : memref<!tpu.dma_semaphore, #tpu.memory_space<semaphore_mem>>)
    %add3A_240 = arith.constant 160 : i32
    %add3A_241 = arith.addi %mul3A_20, %add3A_240 : i32
    %dma_start3A_242 = arith.constant 0 : i32
    %dma_start3A_243 = tpu.memref_slice %arg5[%arg0, %add3A_241, %dma_start3A_242] : memref<2x10240x128xf32, #tpu.memory_space<hbm>> -> memref<1x80x128xf32, #tpu.memory_space<hbm>>
    %dma_start3A_244 = tpu.memref_squeeze %dma_start3A_243 : memref<1x80x128xf32, #tpu.memory_space<hbm>> -> memref<80x128xf32, #tpu.memory_space<hbm>>
    %dma_start3A_245 = arith.constant 0 : i32
    %dma_start3A_246 = tpu.memref_slice %arg10[%add3A_241, %dma_start3A_245] : memref<10240x128xf32, #tpu.memory_space<vmem_shared>> -> memref<80x128xf32, #tpu.memory_space<vmem_shared>>
    tpu.enqueue_dma source(%dma_start3A_246 : memref<80x128xf32, #tpu.memory_space<vmem_shared>>) target(%dma_start3A_244 : memref<80x128xf32, #tpu.memory_space<hbm>>) target_semaphore(%arg11 : memref<!tpu.dma_semaphore, #tpu.memory_space<semaphore_mem>>)
    %add3A_247 = arith.constant 240 : i32
    %add3A_248 = arith.addi %mul3A_20, %add3A_247 : i32
    %dma_start3A_249 = arith.constant 0 : i32
    %dma_start3A_250 = tpu.memref_slice %arg5[%arg0, %add3A_248, %dma_start3A_249] : memref<2x10240x128xf32, #tpu.memory_space<hbm>> -> memref<1x80x128xf32, #tpu.memory_space<hbm>>
    %dma_start3A_251 = tpu.memref_squeeze %dma_start3A_250 : memref<1x80x128xf32, #tpu.memory_space<hbm>> -> memref<80x128xf32, #tpu.memory_space<hbm>>
    %dma_start3A_252 = arith.constant 0 : i32
    %dma_start3A_253 = tpu.memref_slice %arg10[%add3A_248, %dma_start3A_252] : memref<10240x128xf32, #tpu.memory_space<vmem_shared>> -> memref<80x128xf32, #tpu.memory_space<vmem_shared>>
    tpu.enqueue_dma source(%dma_start3A_253 : memref<80x128xf32, #tpu.memory_space<vmem_shared>>) target(%dma_start3A_251 : memref<80x128xf32, #tpu.memory_space<hbm>>) target_semaphore(%arg11 : memref<!tpu.dma_semaphore, #tpu.memory_space<semaphore_mem>>)
    %add3A_254 = arith.constant 320 : i32
    %add3A_255 = arith.addi %mul3A_20, %add3A_254 : i32
    %dma_start3A_256 = arith.constant 0 : i32
    %dma_start3A_257 = tpu.memref_slice %arg5[%arg0, %add3A_255, %dma_start3A_256] : memref<2x10240x128xf32, #tpu.memory_space<hbm>> -> memref<1x80x128xf32, #tpu.memory_space<hbm>>
    %dma_start3A_258 = tpu.memref_squeeze %dma_start3A_257 : memref<1x80x128xf32, #tpu.memory_space<hbm>> -> memref<80x128xf32, #tpu.memory_space<hbm>>
    %dma_start3A_259 = arith.constant 0 : i32
    %dma_start3A_260 = tpu.memref_slice %arg10[%add3A_255, %dma_start3A_259] : memref<10240x128xf32, #tpu.memory_space<vmem_shared>> -> memref<80x128xf32, #tpu.memory_space<vmem_shared>>
    tpu.enqueue_dma source(%dma_start3A_260 : memref<80x128xf32, #tpu.memory_space<vmem_shared>>) target(%dma_start3A_258 : memref<80x128xf32, #tpu.memory_space<hbm>>) target_semaphore(%arg11 : memref<!tpu.dma_semaphore, #tpu.memory_space<semaphore_mem>>)
    %add3A_261 = arith.constant 400 : i32
    %add3A_262 = arith.addi %mul3A_20, %add3A_261 : i32
    %dma_start3A_263 = arith.constant 0 : i32
    %dma_start3A_264 = tpu.memref_slice %arg5[%arg0, %add3A_262, %dma_start3A_263] : memref<2x10240x128xf32, #tpu.memory_space<hbm>> -> memref<1x80x128xf32, #tpu.memory_space<hbm>>
    %dma_start3A_265 = tpu.memref_squeeze %dma_start3A_264 : memref<1x80x128xf32, #tpu.memory_space<hbm>> -> memref<80x128xf32, #tpu.memory_space<hbm>>
    %dma_start3A_266 = arith.constant 0 : i32
    %dma_start3A_267 = tpu.memref_slice %arg10[%add3A_262, %dma_start3A_266] : memref<10240x128xf32, #tpu.memory_space<vmem_shared>> -> memref<80x128xf32, #tpu.memory_space<vmem_shared>>
    tpu.enqueue_dma source(%dma_start3A_267 : memref<80x128xf32, #tpu.memory_space<vmem_shared>>) target(%dma_start3A_265 : memref<80x128xf32, #tpu.memory_space<hbm>>) target_semaphore(%arg11 : memref<!tpu.dma_semaphore, #tpu.memory_space<semaphore_mem>>)
    %add3A_268 = arith.constant 480 : i32
    %add3A_269 = arith.addi %mul3A_20, %add3A_268 : i32
    %dma_start3A_270 = arith.constant 0 : i32
    %dma_start3A_271 = tpu.memref_slice %arg5[%arg0, %add3A_269, %dma_start3A_270] : memref<2x10240x128xf32, #tpu.memory_space<hbm>> -> memref<1x80x128xf32, #tpu.memory_space<hbm>>
    %dma_start3A_272 = tpu.memref_squeeze %dma_start3A_271 : memref<1x80x128xf32, #tpu.memory_space<hbm>> -> memref<80x128xf32, #tpu.memory_space<hbm>>
    %dma_start3A_273 = arith.constant 0 : i32
    %dma_start3A_274 = tpu.memref_slice %arg10[%add3A_269, %dma_start3A_273] : memref<10240x128xf32, #tpu.memory_space<vmem_shared>> -> memref<80x128xf32, #tpu.memory_space<vmem_shared>>
    tpu.enqueue_dma source(%dma_start3A_274 : memref<80x128xf32, #tpu.memory_space<vmem_shared>>) target(%dma_start3A_272 : memref<80x128xf32, #tpu.memory_space<hbm>>) target_semaphore(%arg11 : memref<!tpu.dma_semaphore, #tpu.memory_space<semaphore_mem>>)
    %add3A_275 = arith.constant 560 : i32
    %add3A_276 = arith.addi %mul3A_20, %add3A_275 : i32
    %dma_start3A_277 = arith.constant 0 : i32
    %dma_start3A_278 = tpu.memref_slice %arg5[%arg0, %add3A_276, %dma_start3A_277] : memref<2x10240x128xf32, #tpu.memory_space<hbm>> -> memref<1x80x128xf32, #tpu.memory_space<hbm>>
    %dma_start3A_279 = tpu.memref_squeeze %dma_start3A_278 : memref<1x80x128xf32, #tpu.memory_space<hbm>> -> memref<80x128xf32, #tpu.memory_space<hbm>>
    %dma_start3A_280 = arith.constant 0 : i32
    %dma_start3A_281 = tpu.memref_slice %arg10[%add3A_276, %dma_start3A_280] : memref<10240x128xf32, #tpu.memory_space<vmem_shared>> -> memref<80x128xf32, #tpu.memory_space<vmem_shared>>
    tpu.enqueue_dma source(%dma_start3A_281 : memref<80x128xf32, #tpu.memory_space<vmem_shared>>) target(%dma_start3A_279 : memref<80x128xf32, #tpu.memory_space<hbm>>) target_semaphore(%arg11 : memref<!tpu.dma_semaphore, #tpu.memory_space<semaphore_mem>>)
    %dma_wait3A_282 = arith.constant 0 : i32
    %dma_wait3A_283 = tpu.memref_slice %arg5[%arg0, %mul3A_20, %dma_wait3A_282] : memref<2x10240x128xf32, #tpu.memory_space<hbm>> -> memref<1x80x128xf32, #tpu.memory_space<hbm>>
    %dma_wait3A_284 = tpu.memref_squeeze %dma_wait3A_283 : memref<1x80x128xf32, #tpu.memory_space<hbm>> -> memref<80x128xf32, #tpu.memory_space<hbm>>
    %dma_wait3A_285 = arith.constant 0 : i32
    %dma_wait3A_286 = tpu.memref_slice %arg10[%mul3A_20, %dma_wait3A_285] : memref<10240x128xf32, #tpu.memory_space<vmem_shared>> -> memref<80x128xf32, #tpu.memory_space<vmem_shared>>
    tpu.wait_dma2 semaphore(%arg11 : memref<!tpu.dma_semaphore, #tpu.memory_space<semaphore_mem>>) src(%dma_wait3A_286 : memref<80x128xf32, #tpu.memory_space<vmem_shared>>) dst(%dma_wait3A_284 : memref<80x128xf32, #tpu.memory_space<hbm>>)
    %dma_wait3A_287 = arith.constant 0 : i32
    %dma_wait3A_288 = tpu.memref_slice %arg5[%arg0, %mul3A_20, %dma_wait3A_287] : memref<2x10240x128xf32, #tpu.memory_space<hbm>> -> memref<1x80x128xf32, #tpu.memory_space<hbm>>
    %dma_wait3A_289 = tpu.memref_squeeze %dma_wait3A_288 : memref<1x80x128xf32, #tpu.memory_space<hbm>> -> memref<80x128xf32, #tpu.memory_space<hbm>>
    %dma_wait3A_290 = arith.constant 0 : i32
    %dma_wait3A_291 = tpu.memref_slice %arg10[%mul3A_20, %dma_wait3A_290] : memref<10240x128xf32, #tpu.memory_space<vmem_shared>> -> memref<80x128xf32, #tpu.memory_space<vmem_shared>>
    tpu.wait_dma2 semaphore(%arg11 : memref<!tpu.dma_semaphore, #tpu.memory_space<semaphore_mem>>) src(%dma_wait3A_291 : memref<80x128xf32, #tpu.memory_space<vmem_shared>>) dst(%dma_wait3A_289 : memref<80x128xf32, #tpu.memory_space<hbm>>)
    %dma_wait3A_292 = arith.constant 0 : i32
    %dma_wait3A_293 = tpu.memref_slice %arg5[%arg0, %mul3A_20, %dma_wait3A_292] : memref<2x10240x128xf32, #tpu.memory_space<hbm>> -> memref<1x80x128xf32, #tpu.memory_space<hbm>>
    %dma_wait3A_294 = tpu.memref_squeeze %dma_wait3A_293 : memref<1x80x128xf32, #tpu.memory_space<hbm>> -> memref<80x128xf32, #tpu.memory_space<hbm>>
    %dma_wait3A_295 = arith.constant 0 : i32
    %dma_wait3A_296 = tpu.memref_slice %arg10[%mul3A_20, %dma_wait3A_295] : memref<10240x128xf32, #tpu.memory_space<vmem_shared>> -> memref<80x128xf32, #tpu.memory_space<vmem_shared>>
    tpu.wait_dma2 semaphore(%arg11 : memref<!tpu.dma_semaphore, #tpu.memory_space<semaphore_mem>>) src(%dma_wait3A_296 : memref<80x128xf32, #tpu.memory_space<vmem_shared>>) dst(%dma_wait3A_294 : memref<80x128xf32, #tpu.memory_space<hbm>>)
    %dma_wait3A_297 = arith.constant 0 : i32
    %dma_wait3A_298 = tpu.memref_slice %arg5[%arg0, %mul3A_20, %dma_wait3A_297] : memref<2x10240x128xf32, #tpu.memory_space<hbm>> -> memref<1x80x128xf32, #tpu.memory_space<hbm>>
    %dma_wait3A_299 = tpu.memref_squeeze %dma_wait3A_298 : memref<1x80x128xf32, #tpu.memory_space<hbm>> -> memref<80x128xf32, #tpu.memory_space<hbm>>
    %dma_wait3A_300 = arith.constant 0 : i32
    %dma_wait3A_301 = tpu.memref_slice %arg10[%mul3A_20, %dma_wait3A_300] : memref<10240x128xf32, #tpu.memory_space<vmem_shared>> -> memref<80x128xf32, #tpu.memory_space<vmem_shared>>
    tpu.wait_dma2 semaphore(%arg11 : memref<!tpu.dma_semaphore, #tpu.memory_space<semaphore_mem>>) src(%dma_wait3A_301 : memref<80x128xf32, #tpu.memory_space<vmem_shared>>) dst(%dma_wait3A_299 : memref<80x128xf32, #tpu.memory_space<hbm>>)
    %dma_wait3A_302 = arith.constant 0 : i32
    %dma_wait3A_303 = tpu.memref_slice %arg5[%arg0, %mul3A_20, %dma_wait3A_302] : memref<2x10240x128xf32, #tpu.memory_space<hbm>> -> memref<1x80x128xf32, #tpu.memory_space<hbm>>
    %dma_wait3A_304 = tpu.memref_squeeze %dma_wait3A_303 : memref<1x80x128xf32, #tpu.memory_space<hbm>> -> memref<80x128xf32, #tpu.memory_space<hbm>>
    %dma_wait3A_305 = arith.constant 0 : i32
    %dma_wait3A_306 = tpu.memref_slice %arg10[%mul3A_20, %dma_wait3A_305] : memref<10240x128xf32, #tpu.memory_space<vmem_shared>> -> memref<80x128xf32, #tpu.memory_space<vmem_shared>>
    tpu.wait_dma2 semaphore(%arg11 : memref<!tpu.dma_semaphore, #tpu.memory_space<semaphore_mem>>) src(%dma_wait3A_306 : memref<80x128xf32, #tpu.memory_space<vmem_shared>>) dst(%dma_wait3A_304 : memref<80x128xf32, #tpu.memory_space<hbm>>)
    %dma_wait3A_307 = arith.constant 0 : i32
    %dma_wait3A_308 = tpu.memref_slice %arg5[%arg0, %mul3A_20, %dma_wait3A_307] : memref<2x10240x128xf32, #tpu.memory_space<hbm>> -> memref<1x80x128xf32, #tpu.memory_space<hbm>>
    %dma_wait3A_309 = tpu.memref_squeeze %dma_wait3A_308 : memref<1x80x128xf32, #tpu.memory_space<hbm>> -> memref<80x128xf32, #tpu.memory_space<hbm>>
    %dma_wait3A_310 = arith.constant 0 : i32
    %dma_wait3A_311 = tpu.memref_slice %arg10[%mul3A_20, %dma_wait3A_310] : memref<10240x128xf32, #tpu.memory_space<vmem_shared>> -> memref<80x128xf32, #tpu.memory_space<vmem_shared>>
    tpu.wait_dma2 semaphore(%arg11 : memref<!tpu.dma_semaphore, #tpu.memory_space<semaphore_mem>>) src(%dma_wait3A_311 : memref<80x128xf32, #tpu.memory_space<vmem_shared>>) dst(%dma_wait3A_309 : memref<80x128xf32, #tpu.memory_space<hbm>>)
    %dma_wait3A_312 = arith.constant 0 : i32
    %dma_wait3A_313 = tpu.memref_slice %arg5[%arg0, %mul3A_20, %dma_wait3A_312] : memref<2x10240x128xf32, #tpu.memory_space<hbm>> -> memref<1x80x128xf32, #tpu.memory_space<hbm>>
    %dma_wait3A_314 = tpu.memref_squeeze %dma_wait3A_313 : memref<1x80x128xf32, #tpu.memory_space<hbm>> -> memref<80x128xf32, #tpu.memory_space<hbm>>
    %dma_wait3A_315 = arith.constant 0 : i32
    %dma_wait3A_316 = tpu.memref_slice %arg10[%mul3A_20, %dma_wait3A_315] : memref<10240x128xf32, #tpu.memory_space<vmem_shared>> -> memref<80x128xf32, #tpu.memory_space<vmem_shared>>
    tpu.wait_dma2 semaphore(%arg11 : memref<!tpu.dma_semaphore, #tpu.memory_space<semaphore_mem>>) src(%dma_wait3A_316 : memref<80x128xf32, #tpu.memory_space<vmem_shared>>) dst(%dma_wait3A_314 : memref<80x128xf32, #tpu.memory_space<hbm>>)
    %dma_wait3A_317 = arith.constant 0 : i32
    %dma_wait3A_318 = tpu.memref_slice %arg5[%arg0, %mul3A_20, %dma_wait3A_317] : memref<2x10240x128xf32, #tpu.memory_space<hbm>> -> memref<1x80x128xf32, #tpu.memory_space<hbm>>
    %dma_wait3A_319 = tpu.memref_squeeze %dma_wait3A_318 : memref<1x80x128xf32, #tpu.memory_space<hbm>> -> memref<80x128xf32, #tpu.memory_space<hbm>>
    %dma_wait3A_320 = arith.constant 0 : i32
    %dma_wait3A_321 = tpu.memref_slice %arg10[%mul3A_20, %dma_wait3A_320] : memref<10240x128xf32, #tpu.memory_space<vmem_shared>> -> memref<80x128xf32, #tpu.memory_space<vmem_shared>>
    tpu.wait_dma2 semaphore(%arg11 : memref<!tpu.dma_semaphore, #tpu.memory_space<semaphore_mem>>) src(%dma_wait3A_321 : memref<80x128xf32, #tpu.memory_space<vmem_shared>>) dst(%dma_wait3A_319 : memref<80x128xf32, #tpu.memory_space<hbm>>)
    return
  }
}

#map = affine_map<(d0, d1) -> (0, 0)>
#map1 = affine_map<(d0, d1) -> (0, 0, 0)>
module attributes {stable_mosaic.version = 14 : i64} {
  func.func @agg(%arg0: i32, %arg1: i32, %arg2: memref<32x10000xi32, #tpu.memory_space<hbm>>, %arg3: memref<32x125x80xi32, #tpu.memory_space<hbm>>, %arg4: memref<10000x128xf32, #tpu.memory_space<hbm>>, %arg5: memref<2x10240x128xf32, #tpu.memory_space<hbm>>, %arg6: memref<10000xi32, #tpu.memory_space<vmem>>, %arg7: memref<125x80xi32, #tpu.memory_space<vmem>>, %arg8: memref<80x128xf32, #tpu.memory_space<vmem>>, %arg9: memref<80x128xf32, #tpu.memory_space<vmem>>, %arg10: memref<10240x128xf32, #tpu.memory_space<vmem_shared>>, %arg11: memref<!tpu.dma_semaphore, #tpu.memory_space<semaphore_mem>>, %arg12: memref<!tpu.dma_semaphore, #tpu.memory_space<semaphore_mem>>, %arg13: memref<!tpu.dma_semaphore, #tpu.memory_space<semaphore_mem>>, %arg14: memref<!tpu.dma_semaphore, #tpu.memory_space<semaphore_mem>>) attributes {dimension_semantics = [#tpu.dimension_semantics<core_parallel>, #tpu.dimension_semantics<subcore_parallel>], iteration_bounds = array<i64: 2, 16>, scalar_prefetch = 0 : i64, scratch_operands = 9 : i64, tpu.core_type = #tpu.core_type<sc_vector_subcore>, window_params = [{transform_indices = #map}, {transform_indices = #map1}, {transform_indices = #map}, {transform_indices = #map1}]} {
    %mul3A = arith.constant 16 : i32
    %mul3A_0 = arith.muli %arg0, %mul3A : i32
    %add3A = arith.addi %mul3A_0, %arg1 : i32
    %dma_start3A = arith.constant 0 : i32
    %dma_start3A_1 = tpu.memref_slice %arg2[%add3A, %dma_start3A] : memref<32x10000xi32, #tpu.memory_space<hbm>> -> memref<1x10000xi32, #tpu.memory_space<hbm>>
    %dma_start3A_2 = tpu.memref_squeeze %dma_start3A_1 : memref<1x10000xi32, #tpu.memory_space<hbm>> -> memref<10000xi32, #tpu.memory_space<hbm>>
    %dma_start3A_3 = arith.constant 0 : i32
    %dma_start3A_4 = tpu.memref_slice %arg2[%add3A, %dma_start3A_3] : memref<32x10000xi32, #tpu.memory_space<hbm>> -> memref<1x10000xi32, #tpu.memory_space<hbm>>
    %dma_start3A_5 = tpu.memref_squeeze %dma_start3A_4 : memref<1x10000xi32, #tpu.memory_space<hbm>> -> memref<10000xi32, #tpu.memory_space<hbm>>
    tpu.enqueue_dma source(%dma_start3A_5 : memref<10000xi32, #tpu.memory_space<hbm>>) target(%arg6 : memref<10000xi32, #tpu.memory_space<vmem>>) target_semaphore(%arg11 : memref<!tpu.dma_semaphore, #tpu.memory_space<semaphore_mem>>)
    %dma_start3A_6 = arith.constant 0 : i32
    %dma_start3A_7 = arith.constant 0 : i32
    %dma_start3A_8 = tpu.memref_slice %arg3[%add3A, %dma_start3A_6, %dma_start3A_7] : memref<32x125x80xi32, #tpu.memory_space<hbm>> -> memref<1x125x80xi32, #tpu.memory_space<hbm>>
    %dma_start3A_9 = tpu.memref_squeeze %dma_start3A_8 : memref<1x125x80xi32, #tpu.memory_space<hbm>> -> memref<125x80xi32, #tpu.memory_space<hbm>>
    %dma_start3A_10 = arith.constant 0 : i32
    %dma_start3A_11 = arith.constant 0 : i32
    %dma_start3A_12 = tpu.memref_slice %arg3[%add3A, %dma_start3A_10, %dma_start3A_11] : memref<32x125x80xi32, #tpu.memory_space<hbm>> -> memref<1x125x80xi32, #tpu.memory_space<hbm>>
    %dma_start3A_13 = tpu.memref_squeeze %dma_start3A_12 : memref<1x125x80xi32, #tpu.memory_space<hbm>> -> memref<125x80xi32, #tpu.memory_space<hbm>>
    tpu.enqueue_dma source(%dma_start3A_13 : memref<125x80xi32, #tpu.memory_space<hbm>>) target(%arg7 : memref<125x80xi32, #tpu.memory_space<vmem>>) target_semaphore(%arg12 : memref<!tpu.dma_semaphore, #tpu.memory_space<semaphore_mem>>)
    %broadcast_in_dim3A = arith.constant 0.000000e+00 : f32
    %broadcast_in_dim3A_14 = vector.broadcast %broadcast_in_dim3A : f32 to vector<16xf32>
    %scan3A = arith.constant 0 : i32
    %scan3A_15 = arith.constant 80 : i32
    %scan3A_16 = arith.addi %scan3A, %scan3A_15 : i32
    %scan3A_17 = arith.constant 1 : i32
    scf.for %scan3A_322 = %scan3A to %scan3A_16 step %scan3A_17  : i32 {
      %mul3A_323 = arith.constant 1 : i32
      %mul3A_324 = arith.muli %scan3A_322, %mul3A_323 : i32
      %add3A_325 = arith.constant 0 : i32
      %add3A_326 = arith.addi %add3A_325, %mul3A_324 : i32
      %swap3A = arith.index_cast %add3A_326 : i32 to index
      %swap3A_327 = arith.constant 0 : index
      %swap3A_328 = tpu.vector_load %arg8[%swap3A, %swap3A_327] {strides = array<i32>} : memref<80x128xf32, #tpu.memory_space<vmem>>, vector<1x16xf32>,
      %swap3A_329 = vector.shape_cast %swap3A_328 : vector<1x16xf32> to vector<16xf32>
      %swap3A_330 = vector.shape_cast %broadcast_in_dim3A_14 : vector<16xf32> to vector<1x16xf32>
      tpu.vector_store %arg8[%swap3A, %swap3A_327], %swap3A_330 {strides = array<i32>} : memref<80x128xf32, #tpu.memory_space<vmem>>, vector<1x16xf32>,
      %swap3A_331 = arith.index_cast %add3A_326 : i32 to index
      %swap3A_332 = arith.constant 16 : index
      %swap3A_333 = tpu.vector_load %arg8[%swap3A_331, %swap3A_332] {strides = array<i32>} : memref<80x128xf32, #tpu.memory_space<vmem>>, vector<1x16xf32>,
      %swap3A_334 = vector.shape_cast %swap3A_333 : vector<1x16xf32> to vector<16xf32>
      %swap3A_335 = vector.shape_cast %broadcast_in_dim3A_14 : vector<16xf32> to vector<1x16xf32>
      tpu.vector_store %arg8[%swap3A_331, %swap3A_332], %swap3A_335 {strides = array<i32>} : memref<80x128xf32, #tpu.memory_space<vmem>>, vector<1x16xf32>,
      %swap3A_336 = arith.index_cast %add3A_326 : i32 to index
      %swap3A_337 = arith.constant 32 : index
      %swap3A_338 = tpu.vector_load %arg8[%swap3A_336, %swap3A_337] {strides = array<i32>} : memref<80x128xf32, #tpu.memory_space<vmem>>, vector<1x16xf32>,
      %swap3A_339 = vector.shape_cast %swap3A_338 : vector<1x16xf32> to vector<16xf32>
      %swap3A_340 = vector.shape_cast %broadcast_in_dim3A_14 : vector<16xf32> to vector<1x16xf32>
      tpu.vector_store %arg8[%swap3A_336, %swap3A_337], %swap3A_340 {strides = array<i32>} : memref<80x128xf32, #tpu.memory_space<vmem>>, vector<1x16xf32>,
      %swap3A_341 = arith.index_cast %add3A_326 : i32 to index
      %swap3A_342 = arith.constant 48 : index
      %swap3A_343 = tpu.vector_load %arg8[%swap3A_341, %swap3A_342] {strides = array<i32>} : memref<80x128xf32, #tpu.memory_space<vmem>>, vector<1x16xf32>,
      %swap3A_344 = vector.shape_cast %swap3A_343 : vector<1x16xf32> to vector<16xf32>
      %swap3A_345 = vector.shape_cast %broadcast_in_dim3A_14 : vector<16xf32> to vector<1x16xf32>
      tpu.vector_store %arg8[%swap3A_341, %swap3A_342], %swap3A_345 {strides = array<i32>} : memref<80x128xf32, #tpu.memory_space<vmem>>, vector<1x16xf32>,
      %swap3A_346 = arith.index_cast %add3A_326 : i32 to index
      %swap3A_347 = arith.constant 64 : index
      %swap3A_348 = tpu.vector_load %arg8[%swap3A_346, %swap3A_347] {strides = array<i32>} : memref<80x128xf32, #tpu.memory_space<vmem>>, vector<1x16xf32>,
      %swap3A_349 = vector.shape_cast %swap3A_348 : vector<1x16xf32> to vector<16xf32>
      %swap3A_350 = vector.shape_cast %broadcast_in_dim3A_14 : vector<16xf32> to vector<1x16xf32>
      tpu.vector_store %arg8[%swap3A_346, %swap3A_347], %swap3A_350 {strides = array<i32>} : memref<80x128xf32, #tpu.memory_space<vmem>>, vector<1x16xf32>,
      %swap3A_351 = arith.index_cast %add3A_326 : i32 to index
      %swap3A_352 = arith.constant 80 : index
      %swap3A_353 = tpu.vector_load %arg8[%swap3A_351, %swap3A_352] {strides = array<i32>} : memref<80x128xf32, #tpu.memory_space<vmem>>, vector<1x16xf32>,
      %swap3A_354 = vector.shape_cast %swap3A_353 : vector<1x16xf32> to vector<16xf32>
      %swap3A_355 = vector.shape_cast %broadcast_in_dim3A_14 : vector<16xf32> to vector<1x16xf32>
      tpu.vector_store %arg8[%swap3A_351, %swap3A_352], %swap3A_355 {strides = array<i32>} : memref<80x128xf32, #tpu.memory_space<vmem>>, vector<1x16xf32>,
      %swap3A_356 = arith.index_cast %add3A_326 : i32 to index
      %swap3A_357 = arith.constant 96 : index
      %swap3A_358 = tpu.vector_load %arg8[%swap3A_356, %swap3A_357] {strides = array<i32>} : memref<80x128xf32, #tpu.memory_space<vmem>>, vector<1x16xf32>,
      %swap3A_359 = vector.shape_cast %swap3A_358 : vector<1x16xf32> to vector<16xf32>
      %swap3A_360 = vector.shape_cast %broadcast_in_dim3A_14 : vector<16xf32> to vector<1x16xf32>
      tpu.vector_store %arg8[%swap3A_356, %swap3A_357], %swap3A_360 {strides = array<i32>} : memref<80x128xf32, #tpu.memory_space<vmem>>, vector<1x16xf32>,
      %swap3A_361 = arith.index_cast %add3A_326 : i32 to index
      %swap3A_362 = arith.constant 112 : index
      %swap3A_363 = tpu.vector_load %arg8[%swap3A_361, %swap3A_362] {strides = array<i32>} : memref<80x128xf32, #tpu.memory_space<vmem>>, vector<1x16xf32>,
      %swap3A_364 = vector.shape_cast %swap3A_363 : vector<1x16xf32> to vector<16xf32>
      %swap3A_365 = vector.shape_cast %broadcast_in_dim3A_14 : vector<16xf32> to vector<1x16xf32>
      tpu.vector_store %arg8[%swap3A_361, %swap3A_362], %swap3A_365 {strides = array<i32>} : memref<80x128xf32, #tpu.memory_space<vmem>>, vector<1x16xf32>,
    }
    %scan3A_18 = arith.constant 80 : i32
    %mul3A_19 = arith.constant 640 : i32
    %mul3A_20 = arith.muli %arg1, %mul3A_19 : i32
    %add3A_21 = arith.constant 0 : i32
    %add3A_22 = arith.addi %mul3A_20, %add3A_21 : i32
    %dma_start3A_23 = arith.constant 0 : i32
    %dma_start3A_24 = arith.constant 0 : i32
    %dma_start3A_25 = tpu.memref_slice %arg8[%dma_start3A_23, %dma_start3A_24] : memref<80x128xf32, #tpu.memory_space<vmem>> -> memref<80x128xf32, #tpu.memory_space<vmem>>
    %dma_start3A_26 = arith.constant 0 : i32
    %dma_start3A_27 = tpu.memref_slice %arg10[%add3A_22, %dma_start3A_26] : memref<10240x128xf32, #tpu.memory_space<vmem_shared>> -> memref<80x128xf32, #tpu.memory_space<vmem_shared>>
    %dma_start3A_28 = arith.constant 0 : i32
    %dma_start3A_29 = tpu.memref_slice %arg10[%add3A_22, %dma_start3A_28] : memref<10240x128xf32, #tpu.memory_space<vmem_shared>> -> memref<80x128xf32, #tpu.memory_space<vmem_shared>>
    %dma_start3A_30 = arith.constant 0 : i32
    %dma_start3A_31 = arith.constant 0 : i32
    %dma_start3A_32 = tpu.memref_slice %arg8[%dma_start3A_30, %dma_start3A_31] : memref<80x128xf32, #tpu.memory_space<vmem>> -> memref<80x128xf32, #tpu.memory_space<vmem>>
    tpu.enqueue_dma source(%dma_start3A_32 : memref<80x128xf32, #tpu.memory_space<vmem>>) target(%dma_start3A_29 : memref<80x128xf32, #tpu.memory_space<vmem_shared>>) target_semaphore(%arg13 : memref<!tpu.dma_semaphore, #tpu.memory_space<semaphore_mem>>)
    %add3A_33 = arith.constant 80 : i32
    %add3A_34 = arith.addi %mul3A_20, %add3A_33 : i32
    %dma_start3A_35 = arith.constant 0 : i32
    %dma_start3A_36 = arith.constant 0 : i32
    %dma_start3A_37 = tpu.memref_slice %arg8[%dma_start3A_35, %dma_start3A_36] : memref<80x128xf32, #tpu.memory_space<vmem>> -> memref<80x128xf32, #tpu.memory_space<vmem>>
    %dma_start3A_38 = arith.constant 0 : i32
    %dma_start3A_39 = tpu.memref_slice %arg10[%add3A_34, %dma_start3A_38] : memref<10240x128xf32, #tpu.memory_space<vmem_shared>> -> memref<80x128xf32, #tpu.memory_space<vmem_shared>>
    %dma_start3A_40 = arith.constant 0 : i32
    %dma_start3A_41 = tpu.memref_slice %arg10[%add3A_34, %dma_start3A_40] : memref<10240x128xf32, #tpu.memory_space<vmem_shared>> -> memref<80x128xf32, #tpu.memory_space<vmem_shared>>
    %dma_start3A_42 = arith.constant 0 : i32
    %dma_start3A_43 = arith.constant 0 : i32
    %dma_start3A_44 = tpu.memref_slice %arg8[%dma_start3A_42, %dma_start3A_43] : memref<80x128xf32, #tpu.memory_space<vmem>> -> memref<80x128xf32, #tpu.memory_space<vmem>>
    tpu.enqueue_dma source(%dma_start3A_44 : memref<80x128xf32, #tpu.memory_space<vmem>>) target(%dma_start3A_41 : memref<80x128xf32, #tpu.memory_space<vmem_shared>>) target_semaphore(%arg13 : memref<!tpu.dma_semaphore, #tpu.memory_space<semaphore_mem>>)
    %add3A_45 = arith.constant 160 : i32
    %add3A_46 = arith.addi %mul3A_20, %add3A_45 : i32
    %dma_start3A_47 = arith.constant 0 : i32
    %dma_start3A_48 = arith.constant 0 : i32
    %dma_start3A_49 = tpu.memref_slice %arg8[%dma_start3A_47, %dma_start3A_48] : memref<80x128xf32, #tpu.memory_space<vmem>> -> memref<80x128xf32, #tpu.memory_space<vmem>>
    %dma_start3A_50 = arith.constant 0 : i32
    %dma_start3A_51 = tpu.memref_slice %arg10[%add3A_46, %dma_start3A_50] : memref<10240x128xf32, #tpu.memory_space<vmem_shared>> -> memref<80x128xf32, #tpu.memory_space<vmem_shared>>
    %dma_start3A_52 = arith.constant 0 : i32
    %dma_start3A_53 = tpu.memref_slice %arg10[%add3A_46, %dma_start3A_52] : memref<10240x128xf32, #tpu.memory_space<vmem_shared>> -> memref<80x128xf32, #tpu.memory_space<vmem_shared>>
    %dma_start3A_54 = arith.constant 0 : i32
    %dma_start3A_55 = arith.constant 0 : i32
    %dma_start3A_56 = tpu.memref_slice %arg8[%dma_start3A_54, %dma_start3A_55] : memref<80x128xf32, #tpu.memory_space<vmem>> -> memref<80x128xf32, #tpu.memory_space<vmem>>
    tpu.enqueue_dma source(%dma_start3A_56 : memref<80x128xf32, #tpu.memory_space<vmem>>) target(%dma_start3A_53 : memref<80x128xf32, #tpu.memory_space<vmem_shared>>) target_semaphore(%arg13 : memref<!tpu.dma_semaphore, #tpu.memory_space<semaphore_mem>>)
    %add3A_57 = arith.constant 240 : i32
    %add3A_58 = arith.addi %mul3A_20, %add3A_57 : i32
    %dma_start3A_59 = arith.constant 0 : i32
    %dma_start3A_60 = arith.constant 0 : i32
    %dma_start3A_61 = tpu.memref_slice %arg8[%dma_start3A_59, %dma_start3A_60] : memref<80x128xf32, #tpu.memory_space<vmem>> -> memref<80x128xf32, #tpu.memory_space<vmem>>
    %dma_start3A_62 = arith.constant 0 : i32
    %dma_start3A_63 = tpu.memref_slice %arg10[%add3A_58, %dma_start3A_62] : memref<10240x128xf32, #tpu.memory_space<vmem_shared>> -> memref<80x128xf32, #tpu.memory_space<vmem_shared>>
    %dma_start3A_64 = arith.constant 0 : i32
    %dma_start3A_65 = tpu.memref_slice %arg10[%add3A_58, %dma_start3A_64] : memref<10240x128xf32, #tpu.memory_space<vmem_shared>> -> memref<80x128xf32, #tpu.memory_space<vmem_shared>>
    %dma_start3A_66 = arith.constant 0 : i32
    %dma_start3A_67 = arith.constant 0 : i32
    %dma_start3A_68 = tpu.memref_slice %arg8[%dma_start3A_66, %dma_start3A_67] : memref<80x128xf32, #tpu.memory_space<vmem>> -> memref<80x128xf32, #tpu.memory_space<vmem>>
    tpu.enqueue_dma source(%dma_start3A_68 : memref<80x128xf32, #tpu.memory_space<vmem>>) target(%dma_start3A_65 : memref<80x128xf32, #tpu.memory_space<vmem_shared>>) target_semaphore(%arg13 : memref<!tpu.dma_semaphore, #tpu.memory_space<semaphore_mem>>)
    %add3A_69 = arith.constant 320 : i32
    %add3A_70 = arith.addi %mul3A_20, %add3A_69 : i32
    %dma_start3A_71 = arith.constant 0 : i32
    %dma_start3A_72 = arith.constant 0 : i32
    %dma_start3A_73 = tpu.memref_slice %arg8[%dma_start3A_71, %dma_start3A_72] : memref<80x128xf32, #tpu.memory_space<vmem>> -> memref<80x128xf32, #tpu.memory_space<vmem>>
    %dma_start3A_74 = arith.constant 0 : i32
    %dma_start3A_75 = tpu.memref_slice %arg10[%add3A_70, %dma_start3A_74] : memref<10240x128xf32, #tpu.memory_space<vmem_shared>> -> memref<80x128xf32, #tpu.memory_space<vmem_shared>>
    %dma_start3A_76 = arith.constant 0 : i32
    %dma_start3A_77 = tpu.memref_slice %arg10[%add3A_70, %dma_start3A_76] : memref<10240x128xf32, #tpu.memory_space<vmem_shared>> -> memref<80x128xf32, #tpu.memory_space<vmem_shared>>
    %dma_start3A_78 = arith.constant 0 : i32
    %dma_start3A_79 = arith.constant 0 : i32
    %dma_start3A_80 = tpu.memref_slice %arg8[%dma_start3A_78, %dma_start3A_79] : memref<80x128xf32, #tpu.memory_space<vmem>> -> memref<80x128xf32, #tpu.memory_space<vmem>>
    tpu.enqueue_dma source(%dma_start3A_80 : memref<80x128xf32, #tpu.memory_space<vmem>>) target(%dma_start3A_77 : memref<80x128xf32, #tpu.memory_space<vmem_shared>>) target_semaphore(%arg13 : memref<!tpu.dma_semaphore, #tpu.memory_space<semaphore_mem>>)
    %add3A_81 = arith.constant 400 : i32
    %add3A_82 = arith.addi %mul3A_20, %add3A_81 : i32
    %dma_start3A_83 = arith.constant 0 : i32
    %dma_start3A_84 = arith.constant 0 : i32
    %dma_start3A_85 = tpu.memref_slice %arg8[%dma_start3A_83, %dma_start3A_84] : memref<80x128xf32, #tpu.memory_space<vmem>> -> memref<80x128xf32, #tpu.memory_space<vmem>>
    %dma_start3A_86 = arith.constant 0 : i32
    %dma_start3A_87 = tpu.memref_slice %arg10[%add3A_82, %dma_start3A_86] : memref<10240x128xf32, #tpu.memory_space<vmem_shared>> -> memref<80x128xf32, #tpu.memory_space<vmem_shared>>
    %dma_start3A_88 = arith.constant 0 : i32
    %dma_start3A_89 = tpu.memref_slice %arg10[%add3A_82, %dma_start3A_88] : memref<10240x128xf32, #tpu.memory_space<vmem_shared>> -> memref<80x128xf32, #tpu.memory_space<vmem_shared>>
    %dma_start3A_90 = arith.constant 0 : i32
    %dma_start3A_91 = arith.constant 0 : i32
    %dma_start3A_92 = tpu.memref_slice %arg8[%dma_start3A_90, %dma_start3A_91] : memref<80x128xf32, #tpu.memory_space<vmem>> -> memref<80x128xf32, #tpu.memory_space<vmem>>
    tpu.enqueue_dma source(%dma_start3A_92 : memref<80x128xf32, #tpu.memory_space<vmem>>) target(%dma_start3A_89 : memref<80x128xf32, #tpu.memory_space<vmem_shared>>) target_semaphore(%arg13 : memref<!tpu.dma_semaphore, #tpu.memory_space<semaphore_mem>>)
    %add3A_93 = arith.constant 480 : i32
    %add3A_94 = arith.addi %mul3A_20, %add3A_93 : i32
    %dma_start3A_95 = arith.constant 0 : i32
    %dma_start3A_96 = arith.constant 0 : i32
    %dma_start3A_97 = tpu.memref_slice %arg8[%dma_start3A_95, %dma_start3A_96] : memref<80x128xf32, #tpu.memory_space<vmem>> -> memref<80x128xf32, #tpu.memory_space<vmem>>
    %dma_start3A_98 = arith.constant 0 : i32
    %dma_start3A_99 = tpu.memref_slice %arg10[%add3A_94, %dma_start3A_98] : memref<10240x128xf32, #tpu.memory_space<vmem_shared>> -> memref<80x128xf32, #tpu.memory_space<vmem_shared>>
    %dma_start3A_100 = arith.constant 0 : i32
    %dma_start3A_101 = tpu.memref_slice %arg10[%add3A_94, %dma_start3A_100] : memref<10240x128xf32, #tpu.memory_space<vmem_shared>> -> memref<80x128xf32, #tpu.memory_space<vmem_shared>>
    %dma_start3A_102 = arith.constant 0 : i32
    %dma_start3A_103 = arith.constant 0 : i32
    %dma_start3A_104 = tpu.memref_slice %arg8[%dma_start3A_102, %dma_start3A_103] : memref<80x128xf32, #tpu.memory_space<vmem>> -> memref<80x128xf32, #tpu.memory_space<vmem>>
    tpu.enqueue_dma source(%dma_start3A_104 : memref<80x128xf32, #tpu.memory_space<vmem>>) target(%dma_start3A_101 : memref<80x128xf32, #tpu.memory_space<vmem_shared>>) target_semaphore(%arg13 : memref<!tpu.dma_semaphore, #tpu.memory_space<semaphore_mem>>)
    %add3A_105 = arith.constant 560 : i32
    %add3A_106 = arith.addi %mul3A_20, %add3A_105 : i32
    %dma_start3A_107 = arith.constant 0 : i32
    %dma_start3A_108 = arith.constant 0 : i32
    %dma_start3A_109 = tpu.memref_slice %arg8[%dma_start3A_107, %dma_start3A_108] : memref<80x128xf32, #tpu.memory_space<vmem>> -> memref<80x128xf32, #tpu.memory_space<vmem>>
    %dma_start3A_110 = arith.constant 0 : i32
    %dma_start3A_111 = tpu.memref_slice %arg10[%add3A_106, %dma_start3A_110] : memref<10240x128xf32, #tpu.memory_space<vmem_shared>> -> memref<80x128xf32, #tpu.memory_space<vmem_shared>>
    %dma_start3A_112 = arith.constant 0 : i32
    %dma_start3A_113 = tpu.memref_slice %arg10[%add3A_106, %dma_start3A_112] : memref<10240x128xf32, #tpu.memory_space<vmem_shared>> -> memref<80x128xf32, #tpu.memory_space<vmem_shared>>
    %dma_start3A_114 = arith.constant 0 : i32
    %dma_start3A_115 = arith.constant 0 : i32
    %dma_start3A_116 = tpu.memref_slice %arg8[%dma_start3A_114, %dma_start3A_115] : memref<80x128xf32, #tpu.memory_space<vmem>> -> memref<80x128xf32, #tpu.memory_space<vmem>>
    tpu.enqueue_dma source(%dma_start3A_116 : memref<80x128xf32, #tpu.memory_space<vmem>>) target(%dma_start3A_113 : memref<80x128xf32, #tpu.memory_space<vmem_shared>>) target_semaphore(%arg13 : memref<!tpu.dma_semaphore, #tpu.memory_space<semaphore_mem>>)
    %dma_wait3A = arith.constant 0 : i32
    %dma_wait3A_117 = arith.constant 0 : i32
    %dma_wait3A_118 = tpu.memref_slice %arg8[%dma_wait3A, %dma_wait3A_117] : memref<80x128xf32, #tpu.memory_space<vmem>> -> memref<80x128xf32, #tpu.memory_space<vmem>>
    %dma_wait3A_119 = arith.constant 0 : i32
    %dma_wait3A_120 = tpu.memref_slice %arg10[%mul3A_20, %dma_wait3A_119] : memref<10240x128xf32, #tpu.memory_space<vmem_shared>> -> memref<80x128xf32, #tpu.memory_space<vmem_shared>>
    %dma_wait3A_121 = arith.constant 0 : i32
    %dma_wait3A_122 = tpu.memref_slice %arg10[%mul3A_20, %dma_wait3A_121] : memref<10240x128xf32, #tpu.memory_space<vmem_shared>> -> memref<80x128xf32, #tpu.memory_space<vmem_shared>>
    %dma_wait3A_123 = arith.constant 0 : i32
    %dma_wait3A_124 = arith.constant 0 : i32
    %dma_wait3A_125 = tpu.memref_slice %arg8[%dma_wait3A_123, %dma_wait3A_124] : memref<80x128xf32, #tpu.memory_space<vmem>> -> memref<80x128xf32, #tpu.memory_space<vmem>>
    tpu.wait_dma2 semaphore(%arg13 : memref<!tpu.dma_semaphore, #tpu.memory_space<semaphore_mem>>) src(%dma_wait3A_125 : memref<80x128xf32, #tpu.memory_space<vmem>>) dst(%dma_wait3A_122 : memref<80x128xf32, #tpu.memory_space<vmem_shared>>)
    %dma_wait3A_126 = arith.constant 0 : i32
    %dma_wait3A_127 = arith.constant 0 : i32
    %dma_wait3A_128 = tpu.memref_slice %arg8[%dma_wait3A_126, %dma_wait3A_127] : memref<80x128xf32, #tpu.memory_space<vmem>> -> memref<80x128xf32, #tpu.memory_space<vmem>>
    %dma_wait3A_129 = arith.constant 0 : i32
    %dma_wait3A_130 = tpu.memref_slice %arg10[%mul3A_20, %dma_wait3A_129] : memref<10240x128xf32, #tpu.memory_space<vmem_shared>> -> memref<80x128xf32, #tpu.memory_space<vmem_shared>>
    %dma_wait3A_131 = arith.constant 0 : i32
    %dma_wait3A_132 = tpu.memref_slice %arg10[%mul3A_20, %dma_wait3A_131] : memref<10240x128xf32, #tpu.memory_space<vmem_shared>> -> memref<80x128xf32, #tpu.memory_space<vmem_shared>>
    %dma_wait3A_133 = arith.constant 0 : i32
    %dma_wait3A_134 = arith.constant 0 : i32
    %dma_wait3A_135 = tpu.memref_slice %arg8[%dma_wait3A_133, %dma_wait3A_134] : memref<80x128xf32, #tpu.memory_space<vmem>> -> memref<80x128xf32, #tpu.memory_space<vmem>>
    tpu.wait_dma2 semaphore(%arg13 : memref<!tpu.dma_semaphore, #tpu.memory_space<semaphore_mem>>) src(%dma_wait3A_135 : memref<80x128xf32, #tpu.memory_space<vmem>>) dst(%dma_wait3A_132 : memref<80x128xf32, #tpu.memory_space<vmem_shared>>)
    %dma_wait3A_136 = arith.constant 0 : i32
    %dma_wait3A_137 = arith.constant 0 : i32
    %dma_wait3A_138 = tpu.memref_slice %arg8[%dma_wait3A_136, %dma_wait3A_137] : memref<80x128xf32, #tpu.memory_space<vmem>> -> memref<80x128xf32, #tpu.memory_space<vmem>>
    %dma_wait3A_139 = arith.constant 0 : i32
    %dma_wait3A_140 = tpu.memref_slice %arg10[%mul3A_20, %dma_wait3A_139] : memref<10240x128xf32, #tpu.memory_space<vmem_shared>> -> memref<80x128xf32, #tpu.memory_space<vmem_shared>>
    %dma_wait3A_141 = arith.constant 0 : i32
    %dma_wait3A_142 = tpu.memref_slice %arg10[%mul3A_20, %dma_wait3A_141] : memref<10240x128xf32, #tpu.memory_space<vmem_shared>> -> memref<80x128xf32, #tpu.memory_space<vmem_shared>>
    %dma_wait3A_143 = arith.constant 0 : i32
    %dma_wait3A_144 = arith.constant 0 : i32
    %dma_wait3A_145 = tpu.memref_slice %arg8[%dma_wait3A_143, %dma_wait3A_144] : memref<80x128xf32, #tpu.memory_space<vmem>> -> memref<80x128xf32, #tpu.memory_space<vmem>>
    tpu.wait_dma2 semaphore(%arg13 : memref<!tpu.dma_semaphore, #tpu.memory_space<semaphore_mem>>) src(%dma_wait3A_145 : memref<80x128xf32, #tpu.memory_space<vmem>>) dst(%dma_wait3A_142 : memref<80x128xf32, #tpu.memory_space<vmem_shared>>)
    %dma_wait3A_146 = arith.constant 0 : i32
    %dma_wait3A_147 = arith.constant 0 : i32
    %dma_wait3A_148 = tpu.memref_slice %arg8[%dma_wait3A_146, %dma_wait3A_147] : memref<80x128xf32, #tpu.memory_space<vmem>> -> memref<80x128xf32, #tpu.memory_space<vmem>>
    %dma_wait3A_149 = arith.constant 0 : i32
    %dma_wait3A_150 = tpu.memref_slice %arg10[%mul3A_20, %dma_wait3A_149] : memref<10240x128xf32, #tpu.memory_space<vmem_shared>> -> memref<80x128xf32, #tpu.memory_space<vmem_shared>>
    %dma_wait3A_151 = arith.constant 0 : i32
    %dma_wait3A_152 = tpu.memref_slice %arg10[%mul3A_20, %dma_wait3A_151] : memref<10240x128xf32, #tpu.memory_space<vmem_shared>> -> memref<80x128xf32, #tpu.memory_space<vmem_shared>>
    %dma_wait3A_153 = arith.constant 0 : i32
    %dma_wait3A_154 = arith.constant 0 : i32
    %dma_wait3A_155 = tpu.memref_slice %arg8[%dma_wait3A_153, %dma_wait3A_154] : memref<80x128xf32, #tpu.memory_space<vmem>> -> memref<80x128xf32, #tpu.memory_space<vmem>>
    tpu.wait_dma2 semaphore(%arg13 : memref<!tpu.dma_semaphore, #tpu.memory_space<semaphore_mem>>) src(%dma_wait3A_155 : memref<80x128xf32, #tpu.memory_space<vmem>>) dst(%dma_wait3A_152 : memref<80x128xf32, #tpu.memory_space<vmem_shared>>)
    %dma_wait3A_156 = arith.constant 0 : i32
    %dma_wait3A_157 = arith.constant 0 : i32
    %dma_wait3A_158 = tpu.memref_slice %arg8[%dma_wait3A_156, %dma_wait3A_157] : memref<80x128xf32, #tpu.memory_space<vmem>> -> memref<80x128xf32, #tpu.memory_space<vmem>>
    %dma_wait3A_159 = arith.constant 0 : i32
    %dma_wait3A_160 = tpu.memref_slice %arg10[%mul3A_20, %dma_wait3A_159] : memref<10240x128xf32, #tpu.memory_space<vmem_shared>> -> memref<80x128xf32, #tpu.memory_space<vmem_shared>>
    %dma_wait3A_161 = arith.constant 0 : i32
    %dma_wait3A_162 = tpu.memref_slice %arg10[%mul3A_20, %dma_wait3A_161] : memref<10240x128xf32, #tpu.memory_space<vmem_shared>> -> memref<80x128xf32, #tpu.memory_space<vmem_shared>>
    %dma_wait3A_163 = arith.constant 0 : i32
    %dma_wait3A_164 = arith.constant 0 : i32
    %dma_wait3A_165 = tpu.memref_slice %arg8[%dma_wait3A_163, %dma_wait3A_164] : memref<80x128xf32, #tpu.memory_space<vmem>> -> memref<80x128xf32, #tpu.memory_space<vmem>>
    tpu.wait_dma2 semaphore(%arg13 : memref<!tpu.dma_semaphore, #tpu.memory_space<semaphore_mem>>) src(%dma_wait3A_165 : memref<80x128xf32, #tpu.memory_space<vmem>>) dst(%dma_wait3A_162 : memref<80x128xf32, #tpu.memory_space<vmem_shared>>)
    %dma_wait3A_166 = arith.constant 0 : i32
    %dma_wait3A_167 = arith.constant 0 : i32
    %dma_wait3A_168 = tpu.memref_slice %arg8[%dma_wait3A_166, %dma_wait3A_167] : memref<80x128xf32, #tpu.memory_space<vmem>> -> memref<80x128xf32, #tpu.memory_space<vmem>>
    %dma_wait3A_169 = arith.constant 0 : i32
    %dma_wait3A_170 = tpu.memref_slice %arg10[%mul3A_20, %dma_wait3A_169] : memref<10240x128xf32, #tpu.memory_space<vmem_shared>> -> memref<80x128xf32, #tpu.memory_space<vmem_shared>>
    %dma_wait3A_171 = arith.constant 0 : i32
    %dma_wait3A_172 = tpu.memref_slice %arg10[%mul3A_20, %dma_wait3A_171] : memref<10240x128xf32, #tpu.memory_space<vmem_shared>> -> memref<80x128xf32, #tpu.memory_space<vmem_shared>>
    %dma_wait3A_173 = arith.constant 0 : i32
    %dma_wait3A_174 = arith.constant 0 : i32
    %dma_wait3A_175 = tpu.memref_slice %arg8[%dma_wait3A_173, %dma_wait3A_174] : memref<80x128xf32, #tpu.memory_space<vmem>> -> memref<80x128xf32, #tpu.memory_space<vmem>>
    tpu.wait_dma2 semaphore(%arg13 : memref<!tpu.dma_semaphore, #tpu.memory_space<semaphore_mem>>) src(%dma_wait3A_175 : memref<80x128xf32, #tpu.memory_space<vmem>>) dst(%dma_wait3A_172 : memref<80x128xf32, #tpu.memory_space<vmem_shared>>)
    %dma_wait3A_176 = arith.constant 0 : i32
    %dma_wait3A_177 = arith.constant 0 : i32
    %dma_wait3A_178 = tpu.memref_slice %arg8[%dma_wait3A_176, %dma_wait3A_177] : memref<80x128xf32, #tpu.memory_space<vmem>> -> memref<80x128xf32, #tpu.memory_space<vmem>>
    %dma_wait3A_179 = arith.constant 0 : i32
    %dma_wait3A_180 = tpu.memref_slice %arg10[%mul3A_20, %dma_wait3A_179] : memref<10240x128xf32, #tpu.memory_space<vmem_shared>> -> memref<80x128xf32, #tpu.memory_space<vmem_shared>>
    %dma_wait3A_181 = arith.constant 0 : i32
    %dma_wait3A_182 = tpu.memref_slice %arg10[%mul3A_20, %dma_wait3A_181] : memref<10240x128xf32, #tpu.memory_space<vmem_shared>> -> memref<80x128xf32, #tpu.memory_space<vmem_shared>>
    %dma_wait3A_183 = arith.constant 0 : i32
    %dma_wait3A_184 = arith.constant 0 : i32
    %dma_wait3A_185 = tpu.memref_slice %arg8[%dma_wait3A_183, %dma_wait3A_184] : memref<80x128xf32, #tpu.memory_space<vmem>> -> memref<80x128xf32, #tpu.memory_space<vmem>>
    tpu.wait_dma2 semaphore(%arg13 : memref<!tpu.dma_semaphore, #tpu.memory_space<semaphore_mem>>) src(%dma_wait3A_185 : memref<80x128xf32, #tpu.memory_space<vmem>>) dst(%dma_wait3A_182 : memref<80x128xf32, #tpu.memory_space<vmem_shared>>)
    %dma_wait3A_186 = arith.constant 0 : i32
    %dma_wait3A_187 = arith.constant 0 : i32
    %dma_wait3A_188 = tpu.memref_slice %arg8[%dma_wait3A_186, %dma_wait3A_187] : memref<80x128xf32, #tpu.memory_space<vmem>> -> memref<80x128xf32, #tpu.memory_space<vmem>>
    %dma_wait3A_189 = arith.constant 0 : i32
    %dma_wait3A_190 = tpu.memref_slice %arg10[%mul3A_20, %dma_wait3A_189] : memref<10240x128xf32, #tpu.memory_space<vmem_shared>> -> memref<80x128xf32, #tpu.memory_space<vmem_shared>>
    %dma_wait3A_191 = arith.constant 0 : i32
    %dma_wait3A_192 = tpu.memref_slice %arg10[%mul3A_20, %dma_wait3A_191] : memref<10240x128xf32, #tpu.memory_space<vmem_shared>> -> memref<80x128xf32, #tpu.memory_space<vmem_shared>>
    %dma_wait3A_193 = arith.constant 0 : i32
    %dma_wait3A_194 = arith.constant 0 : i32
    %dma_wait3A_195 = tpu.memref_slice %arg8[%dma_wait3A_193, %dma_wait3A_194] : memref<80x128xf32, #tpu.memory_space<vmem>> -> memref<80x128xf32, #tpu.memory_space<vmem>>
    tpu.wait_dma2 semaphore(%arg13 : memref<!tpu.dma_semaphore, #tpu.memory_space<semaphore_mem>>) src(%dma_wait3A_195 : memref<80x128xf32, #tpu.memory_space<vmem>>) dst(%dma_wait3A_192 : memref<80x128xf32, #tpu.memory_space<vmem_shared>>)
    %dma_wait3A_196 = arith.constant 0 : i32
    %dma_wait3A_197 = tpu.memref_slice %arg2[%add3A, %dma_wait3A_196] : memref<32x10000xi32, #tpu.memory_space<hbm>> -> memref<1x10000xi32, #tpu.memory_space<hbm>>
    %dma_wait3A_198 = tpu.memref_squeeze %dma_wait3A_197 : memref<1x10000xi32, #tpu.memory_space<hbm>> -> memref<10000xi32, #tpu.memory_space<hbm>>
    %dma_wait3A_199 = arith.constant 0 : i32
    %dma_wait3A_200 = tpu.memref_slice %arg2[%add3A, %dma_wait3A_199] : memref<32x10000xi32, #tpu.memory_space<hbm>> -> memref<1x10000xi32, #tpu.memory_space<hbm>>
    %dma_wait3A_201 = tpu.memref_squeeze %dma_wait3A_200 : memref<1x10000xi32, #tpu.memory_space<hbm>> -> memref<10000xi32, #tpu.memory_space<hbm>>
    tpu.wait_dma2 semaphore(%arg11 : memref<!tpu.dma_semaphore, #tpu.memory_space<semaphore_mem>>) src(%dma_wait3A_201 : memref<10000xi32, #tpu.memory_space<hbm>>) dst(%arg6 : memref<10000xi32, #tpu.memory_space<vmem>>)
    %dma_wait3A_202 = arith.constant 0 : i32
    %dma_wait3A_203 = arith.constant 0 : i32
    %dma_wait3A_204 = tpu.memref_slice %arg3[%add3A, %dma_wait3A_202, %dma_wait3A_203] : memref<32x125x80xi32, #tpu.memory_space<hbm>> -> memref<1x125x80xi32, #tpu.memory_space<hbm>>
    %dma_wait3A_205 = tpu.memref_squeeze %dma_wait3A_204 : memref<1x125x80xi32, #tpu.memory_space<hbm>> -> memref<125x80xi32, #tpu.memory_space<hbm>>
    %dma_wait3A_206 = arith.constant 0 : i32
    %dma_wait3A_207 = arith.constant 0 : i32
    %dma_wait3A_208 = tpu.memref_slice %arg3[%add3A, %dma_wait3A_206, %dma_wait3A_207] : memref<32x125x80xi32, #tpu.memory_space<hbm>> -> memref<1x125x80xi32, #tpu.memory_space<hbm>>
    %dma_wait3A_209 = tpu.memref_squeeze %dma_wait3A_208 : memref<1x125x80xi32, #tpu.memory_space<hbm>> -> memref<125x80xi32, #tpu.memory_space<hbm>>
    tpu.wait_dma2 semaphore(%arg12 : memref<!tpu.dma_semaphore, #tpu.memory_space<semaphore_mem>>) src(%dma_wait3A_209 : memref<125x80xi32, #tpu.memory_space<hbm>>) dst(%arg7 : memref<125x80xi32, #tpu.memory_space<vmem>>)
    %barrier3A = arith.constant 0 : index
    tpu.barrier barrier_id(%barrier3A)
    %dma_start3A_210 = arith.constant 0 : i32
    %dma_start3A_211 = tpu.memref_slice %arg6[%dma_start3A_210] : memref<10000xi32, #tpu.memory_space<vmem>> -> memref<80xi32, #tpu.memory_space<vmem>>
    %dma_start3A_212 = arith.constant 0 : i32
    %dma_start3A_213 = arith.constant 0 : i32
    %dma_start3A_214 = tpu.memref_slice %arg4[%dma_start3A_212, %dma_start3A_213] : memref<10000x128xf32, #tpu.memory_space<hbm>> -> memref<10000x128xf32, #tpu.memory_space<hbm>>
    tpu.enqueue_indirect_dma source(%dma_start3A_214 : memref<10000x128xf32, #tpu.memory_space<hbm>>) target(%arg8 : memref<80x128xf32, #tpu.memory_space<vmem>>) offsets(%dma_start3A_211 : memref<80xi32, #tpu.memory_space<vmem>>) semaphore(%arg13 : memref<!tpu.dma_semaphore, #tpu.memory_space<semaphore_mem>>)
    %scan3A_215 = arith.constant 0 : i32
    %scan3A_216 = arith.constant 62 : i32
    %scan3A_217 = arith.addi %scan3A_215, %scan3A_216 : i32
    %scan3A_218 = arith.constant 1 : i32
    scf.for %scan3A_322 = %scan3A_215 to %scan3A_217 step %scan3A_218  : i32 {
      %mul3A_323 = arith.constant 2 : i32
      %mul3A_324 = arith.muli %scan3A_322, %mul3A_323 : i32
      %add3A_325 = arith.constant 0 : i32
      %add3A_326 = arith.addi %add3A_325, %mul3A_324 : i32
      %add3A_327 = arith.constant 1 : i32
      %add3A_328 = arith.addi %add3A_326, %add3A_327 : i32
      %mul3A_329 = arith.constant 80 : i32
      %mul3A_330 = arith.muli %add3A_328, %mul3A_329 : i32
      %dma_start3A_331 = tpu.memref_slice %arg6[%mul3A_330] : memref<10000xi32, #tpu.memory_space<vmem>> -> memref<80xi32, #tpu.memory_space<vmem>>
      %dma_start3A_332 = arith.constant 0 : i32
      %dma_start3A_333 = arith.constant 0 : i32
      %dma_start3A_334 = tpu.memref_slice %arg4[%dma_start3A_332, %dma_start3A_333] : memref<10000x128xf32, #tpu.memory_space<hbm>> -> memref<10000x128xf32, #tpu.memory_space<hbm>>
      tpu.enqueue_indirect_dma source(%dma_start3A_334 : memref<10000x128xf32, #tpu.memory_space<hbm>>) target(%arg9 : memref<80x128xf32, #tpu.memory_space<vmem>>) offsets(%dma_start3A_331 : memref<80xi32, #tpu.memory_space<vmem>>) semaphore(%arg14 : memref<!tpu.dma_semaphore, #tpu.memory_space<semaphore_mem>>)
      %mul3A_335 = arith.constant 80 : i32
      %mul3A_336 = arith.muli %add3A_326, %mul3A_335 : i32
      %dma_wait3A_337 = tpu.memref_slice %arg6[%mul3A_336] : memref<10000xi32, #tpu.memory_space<vmem>> -> memref<80xi32, #tpu.memory_space<vmem>>
      %dma_wait3A_338 = arith.constant 0 : i32
      %dma_wait3A_339 = arith.constant 0 : i32
      %dma_wait3A_340 = tpu.memref_slice %arg4[%dma_wait3A_338, %dma_wait3A_339] : memref<10000x128xf32, #tpu.memory_space<hbm>> -> memref<10000x128xf32, #tpu.memory_space<hbm>>
      tpu.wait_indirect_dma semaphore(%arg13 : memref<!tpu.dma_semaphore, #tpu.memory_space<semaphore_mem>>) src(%dma_wait3A_340 : memref<10000x128xf32, #tpu.memory_space<hbm>>) dst(%arg8 : memref<80x128xf32, #tpu.memory_space<vmem>>)
      "tpu.region"() ({
        %run_scoped3A_355 = tpu.sem_alloc : memref<!tpu.dma_semaphore, #tpu.memory_space<semaphore_mem>>
        %dma_start3A_356 = arith.constant 0 : i32
        %dma_start3A_357 = tpu.memref_slice %arg7[%add3A_326, %dma_start3A_356] : memref<125x80xi32, #tpu.memory_space<vmem>> -> memref<1x80xi32, #tpu.memory_space<vmem>>
        %dma_start3A_358 = tpu.memref_squeeze %dma_start3A_357 : memref<1x80xi32, #tpu.memory_space<vmem>> -> memref<80xi32, #tpu.memory_space<vmem>>
        %dma_start3A_359 = arith.constant 0 : i32
        %dma_start3A_360 = arith.constant 0 : i32
        %dma_start3A_361 = tpu.memref_slice %arg10[%dma_start3A_359, %dma_start3A_360] : memref<10240x128xf32, #tpu.memory_space<vmem_shared>> -> memref<10240x128xf32, #tpu.memory_space<vmem_shared>>
        tpu.enqueue_indirect_dma source(%arg8 : memref<80x128xf32, #tpu.memory_space<vmem>>) target(%dma_start3A_361 : memref<10240x128xf32, #tpu.memory_space<vmem_shared>>) offsets(%dma_start3A_358 : memref<80xi32, #tpu.memory_space<vmem>>) semaphore(%run_scoped3A_355 : memref<!tpu.dma_semaphore, #tpu.memory_space<semaphore_mem>>) {add = true}
        %dma_wait3A_362 = arith.constant 0 : i32
        %dma_wait3A_363 = tpu.memref_slice %arg7[%add3A_326, %dma_wait3A_362] : memref<125x80xi32, #tpu.memory_space<vmem>> -> memref<1x80xi32, #tpu.memory_space<vmem>>
        %dma_wait3A_364 = tpu.memref_squeeze %dma_wait3A_363 : memref<1x80xi32, #tpu.memory_space<vmem>> -> memref<80xi32, #tpu.memory_space<vmem>>
        %dma_wait3A_365 = arith.constant 0 : i32
        %dma_wait3A_366 = arith.constant 0 : i32
        %dma_wait3A_367 = tpu.memref_slice %arg10[%dma_wait3A_365, %dma_wait3A_366] : memref<10240x128xf32, #tpu.memory_space<vmem_shared>> -> memref<10240x128xf32, #tpu.memory_space<vmem_shared>>
        tpu.wait_indirect_dma semaphore(%run_scoped3A_355 : memref<!tpu.dma_semaphore, #tpu.memory_space<semaphore_mem>>) src(%arg8 : memref<80x128xf32, #tpu.memory_space<vmem>>) dst(%dma_wait3A_367 : memref<10240x128xf32, #tpu.memory_space<vmem_shared>>)
        tpu.yield
      }) : () -> ()
      %add3A_341 = arith.constant 2 : i32
      %add3A_342 = arith.addi %add3A_326, %add3A_341 : i32
      %lt3A = arith.constant 125 : i32
      %lt3A_343 = arith.cmpi slt, %add3A_342, %lt3A : i32
      %convert_element_type3A = arith.extui %lt3A_343 : i1 to i32
      %cond3A = arith.constant 0 : i32
      %cond3A_344 = arith.cmpi ne, %convert_element_type3A, %cond3A : i32
      scf.if %cond3A_344 {
        %add3A_355 = arith.constant 2 : i32
        %add3A_356 = arith.addi %add3A_326, %add3A_355 : i32
        %mul3A_357 = arith.constant 80 : i32
        %mul3A_358 = arith.muli %add3A_356, %mul3A_357 : i32
        %dma_start3A_359 = tpu.memref_slice %arg6[%mul3A_358] : memref<10000xi32, #tpu.memory_space<vmem>> -> memref<80xi32, #tpu.memory_space<vmem>>
        %dma_start3A_360 = arith.constant 0 : i32
        %dma_start3A_361 = arith.constant 0 : i32
        %dma_start3A_362 = tpu.memref_slice %arg4[%dma_start3A_360, %dma_start3A_361] : memref<10000x128xf32, #tpu.memory_space<hbm>> -> memref<10000x128xf32, #tpu.memory_space<hbm>>
        tpu.enqueue_indirect_dma source(%dma_start3A_362 : memref<10000x128xf32, #tpu.memory_space<hbm>>) target(%arg8 : memref<80x128xf32, #tpu.memory_space<vmem>>) offsets(%dma_start3A_359 : memref<80xi32, #tpu.memory_space<vmem>>) semaphore(%arg13 : memref<!tpu.dma_semaphore, #tpu.memory_space<semaphore_mem>>)
      } else {
      }
      %add3A_345 = arith.constant 1 : i32
      %add3A_346 = arith.addi %add3A_326, %add3A_345 : i32
      %mul3A_347 = arith.constant 80 : i32
      %mul3A_348 = arith.muli %add3A_346, %mul3A_347 : i32
      %dma_wait3A_349 = tpu.memref_slice %arg6[%mul3A_348] : memref<10000xi32, #tpu.memory_space<vmem>> -> memref<80xi32, #tpu.memory_space<vmem>>
      %dma_wait3A_350 = arith.constant 0 : i32
      %dma_wait3A_351 = arith.constant 0 : i32
      %dma_wait3A_352 = tpu.memref_slice %arg4[%dma_wait3A_350, %dma_wait3A_351] : memref<10000x128xf32, #tpu.memory_space<hbm>> -> memref<10000x128xf32, #tpu.memory_space<hbm>>
      tpu.wait_indirect_dma semaphore(%arg14 : memref<!tpu.dma_semaphore, #tpu.memory_space<semaphore_mem>>) src(%dma_wait3A_352 : memref<10000x128xf32, #tpu.memory_space<hbm>>) dst(%arg9 : memref<80x128xf32, #tpu.memory_space<vmem>>)
      %add3A_353 = arith.constant 1 : i32
      %add3A_354 = arith.addi %add3A_326, %add3A_353 : i32
      "tpu.region"() ({
        %run_scoped3A_355 = tpu.sem_alloc : memref<!tpu.dma_semaphore, #tpu.memory_space<semaphore_mem>>
        %dma_start3A_356 = arith.constant 0 : i32
        %dma_start3A_357 = tpu.memref_slice %arg7[%add3A_354, %dma_start3A_356] : memref<125x80xi32, #tpu.memory_space<vmem>> -> memref<1x80xi32, #tpu.memory_space<vmem>>
        %dma_start3A_358 = tpu.memref_squeeze %dma_start3A_357 : memref<1x80xi32, #tpu.memory_space<vmem>> -> memref<80xi32, #tpu.memory_space<vmem>>
        %dma_start3A_359 = arith.constant 0 : i32
        %dma_start3A_360 = arith.constant 0 : i32
        %dma_start3A_361 = tpu.memref_slice %arg10[%dma_start3A_359, %dma_start3A_360] : memref<10240x128xf32, #tpu.memory_space<vmem_shared>> -> memref<10240x128xf32, #tpu.memory_space<vmem_shared>>
        tpu.enqueue_indirect_dma source(%arg9 : memref<80x128xf32, #tpu.memory_space<vmem>>) target(%dma_start3A_361 : memref<10240x128xf32, #tpu.memory_space<vmem_shared>>) offsets(%dma_start3A_358 : memref<80xi32, #tpu.memory_space<vmem>>) semaphore(%run_scoped3A_355 : memref<!tpu.dma_semaphore, #tpu.memory_space<semaphore_mem>>) {add = true}
        %dma_wait3A_362 = arith.constant 0 : i32
        %dma_wait3A_363 = tpu.memref_slice %arg7[%add3A_354, %dma_wait3A_362] : memref<125x80xi32, #tpu.memory_space<vmem>> -> memref<1x80xi32, #tpu.memory_space<vmem>>
        %dma_wait3A_364 = tpu.memref_squeeze %dma_wait3A_363 : memref<1x80xi32, #tpu.memory_space<vmem>> -> memref<80xi32, #tpu.memory_space<vmem>>
        %dma_wait3A_365 = arith.constant 0 : i32
        %dma_wait3A_366 = arith.constant 0 : i32
        %dma_wait3A_367 = tpu.memref_slice %arg10[%dma_wait3A_365, %dma_wait3A_366] : memref<10240x128xf32, #tpu.memory_space<vmem_shared>> -> memref<10240x128xf32, #tpu.memory_space<vmem_shared>>
        tpu.wait_indirect_dma semaphore(%run_scoped3A_355 : memref<!tpu.dma_semaphore, #tpu.memory_space<semaphore_mem>>) src(%arg9 : memref<80x128xf32, #tpu.memory_space<vmem>>) dst(%dma_wait3A_367 : memref<10240x128xf32, #tpu.memory_space<vmem_shared>>)
        tpu.yield
      }) : () -> ()
    }
    %scan3A_219 = arith.constant 62 : i32
    %dma_wait3A_220 = arith.constant 9920 : i32
    %dma_wait3A_221 = tpu.memref_slice %arg6[%dma_wait3A_220] : memref<10000xi32, #tpu.memory_space<vmem>> -> memref<80xi32, #tpu.memory_space<vmem>>
    %dma_wait3A_222 = arith.constant 0 : i32
    %dma_wait3A_223 = arith.constant 0 : i32
    %dma_wait3A_224 = tpu.memref_slice %arg4[%dma_wait3A_222, %dma_wait3A_223] : memref<10000x128xf32, #tpu.memory_space<hbm>> -> memref<10000x128xf32, #tpu.memory_space<hbm>>
    tpu.wait_indirect_dma semaphore(%arg13 : memref<!tpu.dma_semaphore, #tpu.memory_space<semaphore_mem>>) src(%dma_wait3A_224 : memref<10000x128xf32, #tpu.memory_space<hbm>>) dst(%arg8 : memref<80x128xf32, #tpu.memory_space<vmem>>)
    %run_scoped3A = arith.constant 124 : i32
    "tpu.region"() ({
      %run_scoped3A_322 = tpu.sem_alloc : memref<!tpu.dma_semaphore, #tpu.memory_space<semaphore_mem>>
      %dma_start3A_323 = arith.constant 0 : i32
      %dma_start3A_324 = tpu.memref_slice %arg7[%run_scoped3A, %dma_start3A_323] : memref<125x80xi32, #tpu.memory_space<vmem>> -> memref<1x80xi32, #tpu.memory_space<vmem>>
      %dma_start3A_325 = tpu.memref_squeeze %dma_start3A_324 : memref<1x80xi32, #tpu.memory_space<vmem>> -> memref<80xi32, #tpu.memory_space<vmem>>
      %dma_start3A_326 = arith.constant 0 : i32
      %dma_start3A_327 = arith.constant 0 : i32
      %dma_start3A_328 = tpu.memref_slice %arg10[%dma_start3A_326, %dma_start3A_327] : memref<10240x128xf32, #tpu.memory_space<vmem_shared>> -> memref<10240x128xf32, #tpu.memory_space<vmem_shared>>
      tpu.enqueue_indirect_dma source(%arg8 : memref<80x128xf32, #tpu.memory_space<vmem>>) target(%dma_start3A_328 : memref<10240x128xf32, #tpu.memory_space<vmem_shared>>) offsets(%dma_start3A_325 : memref<80xi32, #tpu.memory_space<vmem>>) semaphore(%run_scoped3A_322 : memref<!tpu.dma_semaphore, #tpu.memory_space<semaphore_mem>>) {add = true}
      %dma_wait3A_329 = arith.constant 0 : i32
      %dma_wait3A_330 = tpu.memref_slice %arg7[%run_scoped3A, %dma_wait3A_329] : memref<125x80xi32, #tpu.memory_space<vmem>> -> memref<1x80xi32, #tpu.memory_space<vmem>>
      %dma_wait3A_331 = tpu.memref_squeeze %dma_wait3A_330 : memref<1x80xi32, #tpu.memory_space<vmem>> -> memref<80xi32, #tpu.memory_space<vmem>>
      %dma_wait3A_332 = arith.constant 0 : i32
      %dma_wait3A_333 = arith.constant 0 : i32
      %dma_wait3A_334 = tpu.memref_slice %arg10[%dma_wait3A_332, %dma_wait3A_333] : memref<10240x128xf32, #tpu.memory_space<vmem_shared>> -> memref<10240x128xf32, #tpu.memory_space<vmem_shared>>
      tpu.wait_indirect_dma semaphore(%run_scoped3A_322 : memref<!tpu.dma_semaphore, #tpu.memory_space<semaphore_mem>>) src(%arg8 : memref<80x128xf32, #tpu.memory_space<vmem>>) dst(%dma_wait3A_334 : memref<10240x128xf32, #tpu.memory_space<vmem_shared>>)
      tpu.yield
    }) : () -> ()
    %barrier3A_225 = arith.constant 0 : index
    tpu.barrier barrier_id(%barrier3A_225)
    %add3A_226 = arith.constant 0 : i32
    %add3A_227 = arith.addi %mul3A_20, %add3A_226 : i32
    %dma_start3A_228 = arith.constant 0 : i32
    %dma_start3A_229 = tpu.memref_slice %arg5[%arg0, %add3A_227, %dma_start3A_228] : memref<2x10240x128xf32, #tpu.memory_space<hbm>> -> memref<1x80x128xf32, #tpu.memory_space<hbm>>
    %dma_start3A_230 = tpu.memref_squeeze %dma_start3A_229 : memref<1x80x128xf32, #tpu.memory_space<hbm>> -> memref<80x128xf32, #tpu.memory_space<hbm>>
    %dma_start3A_231 = arith.constant 0 : i32
    %dma_start3A_232 = tpu.memref_slice %arg10[%add3A_227, %dma_start3A_231] : memref<10240x128xf32, #tpu.memory_space<vmem_shared>> -> memref<80x128xf32, #tpu.memory_space<vmem_shared>>
    tpu.enqueue_dma source(%dma_start3A_232 : memref<80x128xf32, #tpu.memory_space<vmem_shared>>) target(%dma_start3A_230 : memref<80x128xf32, #tpu.memory_space<hbm>>) target_semaphore(%arg11 : memref<!tpu.dma_semaphore, #tpu.memory_space<semaphore_mem>>)
    %add3A_233 = arith.constant 80 : i32
    %add3A_234 = arith.addi %mul3A_20, %add3A_233 : i32
    %dma_start3A_235 = arith.constant 0 : i32
    %dma_start3A_236 = tpu.memref_slice %arg5[%arg0, %add3A_234, %dma_start3A_235] : memref<2x10240x128xf32, #tpu.memory_space<hbm>> -> memref<1x80x128xf32, #tpu.memory_space<hbm>>
    %dma_start3A_237 = tpu.memref_squeeze %dma_start3A_236 : memref<1x80x128xf32, #tpu.memory_space<hbm>> -> memref<80x128xf32, #tpu.memory_space<hbm>>
    %dma_start3A_238 = arith.constant 0 : i32
    %dma_start3A_239 = tpu.memref_slice %arg10[%add3A_234, %dma_start3A_238] : memref<10240x128xf32, #tpu.memory_space<vmem_shared>> -> memref<80x128xf32, #tpu.memory_space<vmem_shared>>
    tpu.enqueue_dma source(%dma_start3A_239 : memref<80x128xf32, #tpu.memory_space<vmem_shared>>) target(%dma_start3A_237 : memref<80x128xf32, #tpu.memory_space<hbm>>) target_semaphore(%arg11 : memref<!tpu.dma_semaphore, #tpu.memory_space<semaphore_mem>>)
    %add3A_240 = arith.constant 160 : i32
    %add3A_241 = arith.addi %mul3A_20, %add3A_240 : i32
    %dma_start3A_242 = arith.constant 0 : i32
    %dma_start3A_243 = tpu.memref_slice %arg5[%arg0, %add3A_241, %dma_start3A_242] : memref<2x10240x128xf32, #tpu.memory_space<hbm>> -> memref<1x80x128xf32, #tpu.memory_space<hbm>>
    %dma_start3A_244 = tpu.memref_squeeze %dma_start3A_243 : memref<1x80x128xf32, #tpu.memory_space<hbm>> -> memref<80x128xf32, #tpu.memory_space<hbm>>
    %dma_start3A_245 = arith.constant 0 : i32
    %dma_start3A_246 = tpu.memref_slice %arg10[%add3A_241, %dma_start3A_245] : memref<10240x128xf32, #tpu.memory_space<vmem_shared>> -> memref<80x128xf32, #tpu.memory_space<vmem_shared>>
    tpu.enqueue_dma source(%dma_start3A_246 : memref<80x128xf32, #tpu.memory_space<vmem_shared>>) target(%dma_start3A_244 : memref<80x128xf32, #tpu.memory_space<hbm>>) target_semaphore(%arg11 : memref<!tpu.dma_semaphore, #tpu.memory_space<semaphore_mem>>)
    %add3A_247 = arith.constant 240 : i32
    %add3A_248 = arith.addi %mul3A_20, %add3A_247 : i32
    %dma_start3A_249 = arith.constant 0 : i32
    %dma_start3A_250 = tpu.memref_slice %arg5[%arg0, %add3A_248, %dma_start3A_249] : memref<2x10240x128xf32, #tpu.memory_space<hbm>> -> memref<1x80x128xf32, #tpu.memory_space<hbm>>
    %dma_start3A_251 = tpu.memref_squeeze %dma_start3A_250 : memref<1x80x128xf32, #tpu.memory_space<hbm>> -> memref<80x128xf32, #tpu.memory_space<hbm>>
    %dma_start3A_252 = arith.constant 0 : i32
    %dma_start3A_253 = tpu.memref_slice %arg10[%add3A_248, %dma_start3A_252] : memref<10240x128xf32, #tpu.memory_space<vmem_shared>> -> memref<80x128xf32, #tpu.memory_space<vmem_shared>>
    tpu.enqueue_dma source(%dma_start3A_253 : memref<80x128xf32, #tpu.memory_space<vmem_shared>>) target(%dma_start3A_251 : memref<80x128xf32, #tpu.memory_space<hbm>>) target_semaphore(%arg11 : memref<!tpu.dma_semaphore, #tpu.memory_space<semaphore_mem>>)
    %add3A_254 = arith.constant 320 : i32
    %add3A_255 = arith.addi %mul3A_20, %add3A_254 : i32
    %dma_start3A_256 = arith.constant 0 : i32
    %dma_start3A_257 = tpu.memref_slice %arg5[%arg0, %add3A_255, %dma_start3A_256] : memref<2x10240x128xf32, #tpu.memory_space<hbm>> -> memref<1x80x128xf32, #tpu.memory_space<hbm>>
    %dma_start3A_258 = tpu.memref_squeeze %dma_start3A_257 : memref<1x80x128xf32, #tpu.memory_space<hbm>> -> memref<80x128xf32, #tpu.memory_space<hbm>>
    %dma_start3A_259 = arith.constant 0 : i32
    %dma_start3A_260 = tpu.memref_slice %arg10[%add3A_255, %dma_start3A_259] : memref<10240x128xf32, #tpu.memory_space<vmem_shared>> -> memref<80x128xf32, #tpu.memory_space<vmem_shared>>
    tpu.enqueue_dma source(%dma_start3A_260 : memref<80x128xf32, #tpu.memory_space<vmem_shared>>) target(%dma_start3A_258 : memref<80x128xf32, #tpu.memory_space<hbm>>) target_semaphore(%arg11 : memref<!tpu.dma_semaphore, #tpu.memory_space<semaphore_mem>>)
    %add3A_261 = arith.constant 400 : i32
    %add3A_262 = arith.addi %mul3A_20, %add3A_261 : i32
    %dma_start3A_263 = arith.constant 0 : i32
    %dma_start3A_264 = tpu.memref_slice %arg5[%arg0, %add3A_262, %dma_start3A_263] : memref<2x10240x128xf32, #tpu.memory_space<hbm>> -> memref<1x80x128xf32, #tpu.memory_space<hbm>>
    %dma_start3A_265 = tpu.memref_squeeze %dma_start3A_264 : memref<1x80x128xf32, #tpu.memory_space<hbm>> -> memref<80x128xf32, #tpu.memory_space<hbm>>
    %dma_start3A_266 = arith.constant 0 : i32
    %dma_start3A_267 = tpu.memref_slice %arg10[%add3A_262, %dma_start3A_266] : memref<10240x128xf32, #tpu.memory_space<vmem_shared>> -> memref<80x128xf32, #tpu.memory_space<vmem_shared>>
    tpu.enqueue_dma source(%dma_start3A_267 : memref<80x128xf32, #tpu.memory_space<vmem_shared>>) target(%dma_start3A_265 : memref<80x128xf32, #tpu.memory_space<hbm>>) target_semaphore(%arg11 : memref<!tpu.dma_semaphore, #tpu.memory_space<semaphore_mem>>)
    %add3A_268 = arith.constant 480 : i32
    %add3A_269 = arith.addi %mul3A_20, %add3A_268 : i32
    %dma_start3A_270 = arith.constant 0 : i32
    %dma_start3A_271 = tpu.memref_slice %arg5[%arg0, %add3A_269, %dma_start3A_270] : memref<2x10240x128xf32, #tpu.memory_space<hbm>> -> memref<1x80x128xf32, #tpu.memory_space<hbm>>
    %dma_start3A_272 = tpu.memref_squeeze %dma_start3A_271 : memref<1x80x128xf32, #tpu.memory_space<hbm>> -> memref<80x128xf32, #tpu.memory_space<hbm>>
    %dma_start3A_273 = arith.constant 0 : i32
    %dma_start3A_274 = tpu.memref_slice %arg10[%add3A_269, %dma_start3A_273] : memref<10240x128xf32, #tpu.memory_space<vmem_shared>> -> memref<80x128xf32, #tpu.memory_space<vmem_shared>>
    tpu.enqueue_dma source(%dma_start3A_274 : memref<80x128xf32, #tpu.memory_space<vmem_shared>>) target(%dma_start3A_272 : memref<80x128xf32, #tpu.memory_space<hbm>>) target_semaphore(%arg11 : memref<!tpu.dma_semaphore, #tpu.memory_space<semaphore_mem>>)
    %add3A_275 = arith.constant 560 : i32
    %add3A_276 = arith.addi %mul3A_20, %add3A_275 : i32
    %dma_start3A_277 = arith.constant 0 : i32
    %dma_start3A_278 = tpu.memref_slice %arg5[%arg0, %add3A_276, %dma_start3A_277] : memref<2x10240x128xf32, #tpu.memory_space<hbm>> -> memref<1x80x128xf32, #tpu.memory_space<hbm>>
    %dma_start3A_279 = tpu.memref_squeeze %dma_start3A_278 : memref<1x80x128xf32, #tpu.memory_space<hbm>> -> memref<80x128xf32, #tpu.memory_space<hbm>>
    %dma_start3A_280 = arith.constant 0 : i32
    %dma_start3A_281 = tpu.memref_slice %arg10[%add3A_276, %dma_start3A_280] : memref<10240x128xf32, #tpu.memory_space<vmem_shared>> -> memref<80x128xf32, #tpu.memory_space<vmem_shared>>
    tpu.enqueue_dma source(%dma_start3A_281 : memref<80x128xf32, #tpu.memory_space<vmem_shared>>) target(%dma_start3A_279 : memref<80x128xf32, #tpu.memory_space<hbm>>) target_semaphore(%arg11 : memref<!tpu.dma_semaphore, #tpu.memory_space<semaphore_mem>>)
    %dma_wait3A_282 = arith.constant 0 : i32
    %dma_wait3A_283 = tpu.memref_slice %arg5[%arg0, %mul3A_20, %dma_wait3A_282] : memref<2x10240x128xf32, #tpu.memory_space<hbm>> -> memref<1x80x128xf32, #tpu.memory_space<hbm>>
    %dma_wait3A_284 = tpu.memref_squeeze %dma_wait3A_283 : memref<1x80x128xf32, #tpu.memory_space<hbm>> -> memref<80x128xf32, #tpu.memory_space<hbm>>
    %dma_wait3A_285 = arith.constant 0 : i32
    %dma_wait3A_286 = tpu.memref_slice %arg10[%mul3A_20, %dma_wait3A_285] : memref<10240x128xf32, #tpu.memory_space<vmem_shared>> -> memref<80x128xf32, #tpu.memory_space<vmem_shared>>
    tpu.wait_dma2 semaphore(%arg11 : memref<!tpu.dma_semaphore, #tpu.memory_space<semaphore_mem>>) src(%dma_wait3A_286 : memref<80x128xf32, #tpu.memory_space<vmem_shared>>) dst(%dma_wait3A_284 : memref<80x128xf32, #tpu.memory_space<hbm>>)
    %dma_wait3A_287 = arith.constant 0 : i32
    %dma_wait3A_288 = tpu.memref_slice %arg5[%arg0, %mul3A_20, %dma_wait3A_287] : memref<2x10240x128xf32, #tpu.memory_space<hbm>> -> memref<1x80x128xf32, #tpu.memory_space<hbm>>
    %dma_wait3A_289 = tpu.memref_squeeze %dma_wait3A_288 : memref<1x80x128xf32, #tpu.memory_space<hbm>> -> memref<80x128xf32, #tpu.memory_space<hbm>>
    %dma_wait3A_290 = arith.constant 0 : i32
    %dma_wait3A_291 = tpu.memref_slice %arg10[%mul3A_20, %dma_wait3A_290] : memref<10240x128xf32, #tpu.memory_space<vmem_shared>> -> memref<80x128xf32, #tpu.memory_space<vmem_shared>>
    tpu.wait_dma2 semaphore(%arg11 : memref<!tpu.dma_semaphore, #tpu.memory_space<semaphore_mem>>) src(%dma_wait3A_291 : memref<80x128xf32, #tpu.memory_space<vmem_shared>>) dst(%dma_wait3A_289 : memref<80x128xf32, #tpu.memory_space<hbm>>)
    %dma_wait3A_292 = arith.constant 0 : i32
    %dma_wait3A_293 = tpu.memref_slice %arg5[%arg0, %mul3A_20, %dma_wait3A_292] : memref<2x10240x128xf32, #tpu.memory_space<hbm>> -> memref<1x80x128xf32, #tpu.memory_space<hbm>>
    %dma_wait3A_294 = tpu.memref_squeeze %dma_wait3A_293 : memref<1x80x128xf32, #tpu.memory_space<hbm>> -> memref<80x128xf32, #tpu.memory_space<hbm>>
    %dma_wait3A_295 = arith.constant 0 : i32
    %dma_wait3A_296 = tpu.memref_slice %arg10[%mul3A_20, %dma_wait3A_295] : memref<10240x128xf32, #tpu.memory_space<vmem_shared>> -> memref<80x128xf32, #tpu.memory_space<vmem_shared>>
    tpu.wait_dma2 semaphore(%arg11 : memref<!tpu.dma_semaphore, #tpu.memory_space<semaphore_mem>>) src(%dma_wait3A_296 : memref<80x128xf32, #tpu.memory_space<vmem_shared>>) dst(%dma_wait3A_294 : memref<80x128xf32, #tpu.memory_space<hbm>>)
    %dma_wait3A_297 = arith.constant 0 : i32
    %dma_wait3A_298 = tpu.memref_slice %arg5[%arg0, %mul3A_20, %dma_wait3A_297] : memref<2x10240x128xf32, #tpu.memory_space<hbm>> -> memref<1x80x128xf32, #tpu.memory_space<hbm>>
    %dma_wait3A_299 = tpu.memref_squeeze %dma_wait3A_298 : memref<1x80x128xf32, #tpu.memory_space<hbm>> -> memref<80x128xf32, #tpu.memory_space<hbm>>
    %dma_wait3A_300 = arith.constant 0 : i32
    %dma_wait3A_301 = tpu.memref_slice %arg10[%mul3A_20, %dma_wait3A_300] : memref<10240x128xf32, #tpu.memory_space<vmem_shared>> -> memref<80x128xf32, #tpu.memory_space<vmem_shared>>
    tpu.wait_dma2 semaphore(%arg11 : memref<!tpu.dma_semaphore, #tpu.memory_space<semaphore_mem>>) src(%dma_wait3A_301 : memref<80x128xf32, #tpu.memory_space<vmem_shared>>) dst(%dma_wait3A_299 : memref<80x128xf32, #tpu.memory_space<hbm>>)
    %dma_wait3A_302 = arith.constant 0 : i32
    %dma_wait3A_303 = tpu.memref_slice %arg5[%arg0, %mul3A_20, %dma_wait3A_302] : memref<2x10240x128xf32, #tpu.memory_space<hbm>> -> memref<1x80x128xf32, #tpu.memory_space<hbm>>
    %dma_wait3A_304 = tpu.memref_squeeze %dma_wait3A_303 : memref<1x80x128xf32, #tpu.memory_space<hbm>> -> memref<80x128xf32, #tpu.memory_space<hbm>>
    %dma_wait3A_305 = arith.constant 0 : i32
    %dma_wait3A_306 = tpu.memref_slice %arg10[%mul3A_20, %dma_wait3A_305] : memref<10240x128xf32, #tpu.memory_space<vmem_shared>> -> memref<80x128xf32, #tpu.memory_space<vmem_shared>>
    tpu.wait_dma2 semaphore(%arg11 : memref<!tpu.dma_semaphore, #tpu.memory_space<semaphore_mem>>) src(%dma_wait3A_306 : memref<80x128xf32, #tpu.memory_space<vmem_shared>>) dst(%dma_wait3A_304 : memref<80x128xf32, #tpu.memory_space<hbm>>)
    %dma_wait3A_307 = arith.constant 0 : i32
    %dma_wait3A_308 = tpu.memref_slice %arg5[%arg0, %mul3A_20, %dma_wait3A_307] : memref<2x10240x128xf32, #tpu.memory_space<hbm>> -> memref<1x80x128xf32, #tpu.memory_space<hbm>>
    %dma_wait3A_309 = tpu.memref_squeeze %dma_wait3A_308 : memref<1x80x128xf32, #tpu.memory_space<hbm>> -> memref<80x128xf32, #tpu.memory_space<hbm>>
    %dma_wait3A_310 = arith.constant 0 : i32
    %dma_wait3A_311 = tpu.memref_slice %arg10[%mul3A_20, %dma_wait3A_310] : memref<10240x128xf32, #tpu.memory_space<vmem_shared>> -> memref<80x128xf32, #tpu.memory_space<vmem_shared>>
    tpu.wait_dma2 semaphore(%arg11 : memref<!tpu.dma_semaphore, #tpu.memory_space<semaphore_mem>>) src(%dma_wait3A_311 : memref<80x128xf32, #tpu.memory_space<vmem_shared>>) dst(%dma_wait3A_309 : memref<80x128xf32, #tpu.memory_space<hbm>>)
    %dma_wait3A_312 = arith.constant 0 : i32
    %dma_wait3A_313 = tpu.memref_slice %arg5[%arg0, %mul3A_20, %dma_wait3A_312] : memref<2x10240x128xf32, #tpu.memory_space<hbm>> -> memref<1x80x128xf32, #tpu.memory_space<hbm>>
    %dma_wait3A_314 = tpu.memref_squeeze %dma_wait3A_313 : memref<1x80x128xf32, #tpu.memory_space<hbm>> -> memref<80x128xf32, #tpu.memory_space<hbm>>
    %dma_wait3A_315 = arith.constant 0 : i32
    %dma_wait3A_316 = tpu.memref_slice %arg10[%mul3A_20, %dma_wait3A_315] : memref<10240x128xf32, #tpu.memory_space<vmem_shared>> -> memref<80x128xf32, #tpu.memory_space<vmem_shared>>
    tpu.wait_dma2 semaphore(%arg11 : memref<!tpu.dma_semaphore, #tpu.memory_space<semaphore_mem>>) src(%dma_wait3A_316 : memref<80x128xf32, #tpu.memory_space<vmem_shared>>) dst(%dma_wait3A_314 : memref<80x128xf32, #tpu.memory_space<hbm>>)
    %dma_wait3A_317 = arith.constant 0 : i32
    %dma_wait3A_318 = tpu.memref_slice %arg5[%arg0, %mul3A_20, %dma_wait3A_317] : memref<2x10240x128xf32, #tpu.memory_space<hbm>> -> memref<1x80x128xf32, #tpu.memory_space<hbm>>
    %dma_wait3A_319 = tpu.memref_squeeze %dma_wait3A_318 : memref<1x80x128xf32, #tpu.memory_space<hbm>> -> memref<80x128xf32, #tpu.memory_space<hbm>>
    %dma_wait3A_320 = arith.constant 0 : i32
    %dma_wait3A_321 = tpu.memref_slice %arg10[%mul3A_20, %dma_wait3A_320] : memref<10240x128xf32, #tpu.memory_space<vmem_shared>> -> memref<80x128xf32, #tpu.memory_space<vmem_shared>>
    tpu.wait_dma2 semaphore(%arg11 : memref<!tpu.dma_semaphore, #tpu.memory_space<semaphore_mem>>) src(%dma_wait3A_321 : memref<80x128xf32, #tpu.memory_space<vmem_shared>>) dst(%dma_wait3A_319 : memref<80x128xf32, #tpu.memory_space<hbm>>)
    return
  }
}

#map = affine_map<(d0, d1) -> (0, 0)>
#map1 = affine_map<(d0, d1) -> (0, 0, 0)>
module attributes {stable_mosaic.version = 14 : i64} {
  func.func @agg(%arg0: i32, %arg1: i32, %arg2: memref<32x10000xi32, #tpu.memory_space<hbm>>, %arg3: memref<32x125x80xi32, #tpu.memory_space<hbm>>, %arg4: memref<10000x128xf32, #tpu.memory_space<hbm>>, %arg5: memref<2x10240x128xf32, #tpu.memory_space<hbm>>, %arg6: memref<10000xi32, #tpu.memory_space<vmem>>, %arg7: memref<125x80xi32, #tpu.memory_space<vmem>>, %arg8: memref<80x128xf32, #tpu.memory_space<vmem>>, %arg9: memref<80x128xf32, #tpu.memory_space<vmem>>, %arg10: memref<10240x128xf32, #tpu.memory_space<vmem_shared>>, %arg11: memref<!tpu.dma_semaphore, #tpu.memory_space<semaphore_mem>>, %arg12: memref<!tpu.dma_semaphore, #tpu.memory_space<semaphore_mem>>, %arg13: memref<!tpu.dma_semaphore, #tpu.memory_space<semaphore_mem>>, %arg14: memref<!tpu.dma_semaphore, #tpu.memory_space<semaphore_mem>>) attributes {dimension_semantics = [#tpu.dimension_semantics<core_parallel>, #tpu.dimension_semantics<subcore_parallel>], iteration_bounds = array<i64: 2, 16>, scalar_prefetch = 0 : i64, scratch_operands = 9 : i64, tpu.core_type = #tpu.core_type<sc_vector_subcore>, window_params = [{transform_indices = #map}, {transform_indices = #map1}, {transform_indices = #map}, {transform_indices = #map1}]} {
    %mul3A = arith.constant 16 : i32
    %mul3A_0 = arith.muli %arg0, %mul3A : i32
    %add3A = arith.addi %mul3A_0, %arg1 : i32
    %dma_start3A = arith.constant 0 : i32
    %dma_start3A_1 = tpu.memref_slice %arg2[%add3A, %dma_start3A] : memref<32x10000xi32, #tpu.memory_space<hbm>> -> memref<1x10000xi32, #tpu.memory_space<hbm>>
    %dma_start3A_2 = tpu.memref_squeeze %dma_start3A_1 : memref<1x10000xi32, #tpu.memory_space<hbm>> -> memref<10000xi32, #tpu.memory_space<hbm>>
    %dma_start3A_3 = arith.constant 0 : i32
    %dma_start3A_4 = tpu.memref_slice %arg2[%add3A, %dma_start3A_3] : memref<32x10000xi32, #tpu.memory_space<hbm>> -> memref<1x10000xi32, #tpu.memory_space<hbm>>
    %dma_start3A_5 = tpu.memref_squeeze %dma_start3A_4 : memref<1x10000xi32, #tpu.memory_space<hbm>> -> memref<10000xi32, #tpu.memory_space<hbm>>
    tpu.enqueue_dma source(%dma_start3A_5 : memref<10000xi32, #tpu.memory_space<hbm>>) target(%arg6 : memref<10000xi32, #tpu.memory_space<vmem>>) target_semaphore(%arg11 : memref<!tpu.dma_semaphore, #tpu.memory_space<semaphore_mem>>)
    %dma_start3A_6 = arith.constant 0 : i32
    %dma_start3A_7 = arith.constant 0 : i32
    %dma_start3A_8 = tpu.memref_slice %arg3[%add3A, %dma_start3A_6, %dma_start3A_7] : memref<32x125x80xi32, #tpu.memory_space<hbm>> -> memref<1x125x80xi32, #tpu.memory_space<hbm>>
    %dma_start3A_9 = tpu.memref_squeeze %dma_start3A_8 : memref<1x125x80xi32, #tpu.memory_space<hbm>> -> memref<125x80xi32, #tpu.memory_space<hbm>>
    %dma_start3A_10 = arith.constant 0 : i32
    %dma_start3A_11 = arith.constant 0 : i32
    %dma_start3A_12 = tpu.memref_slice %arg3[%add3A, %dma_start3A_10, %dma_start3A_11] : memref<32x125x80xi32, #tpu.memory_space<hbm>> -> memref<1x125x80xi32, #tpu.memory_space<hbm>>
    %dma_start3A_13 = tpu.memref_squeeze %dma_start3A_12 : memref<1x125x80xi32, #tpu.memory_space<hbm>> -> memref<125x80xi32, #tpu.memory_space<hbm>>
    tpu.enqueue_dma source(%dma_start3A_13 : memref<125x80xi32, #tpu.memory_space<hbm>>) target(%arg7 : memref<125x80xi32, #tpu.memory_space<vmem>>) target_semaphore(%arg12 : memref<!tpu.dma_semaphore, #tpu.memory_space<semaphore_mem>>)
    %broadcast_in_dim3A = arith.constant 0.000000e+00 : f32
    %broadcast_in_dim3A_14 = vector.broadcast %broadcast_in_dim3A : f32 to vector<16xf32>
    %scan3A = arith.constant 0 : i32
    %scan3A_15 = arith.constant 80 : i32
    %scan3A_16 = arith.addi %scan3A, %scan3A_15 : i32
    %scan3A_17 = arith.constant 1 : i32
    scf.for %scan3A_322 = %scan3A to %scan3A_16 step %scan3A_17  : i32 {
      %mul3A_323 = arith.constant 1 : i32
      %mul3A_324 = arith.muli %scan3A_322, %mul3A_323 : i32
      %add3A_325 = arith.constant 0 : i32
      %add3A_326 = arith.addi %add3A_325, %mul3A_324 : i32
      %swap3A = arith.index_cast %add3A_326 : i32 to index
      %swap3A_327 = arith.constant 0 : index
      %swap3A_328 = tpu.vector_load %arg8[%swap3A, %swap3A_327] {strides = array<i32>} : memref<80x128xf32, #tpu.memory_space<vmem>>, vector<1x16xf32>,
      %swap3A_329 = vector.shape_cast %swap3A_328 : vector<1x16xf32> to vector<16xf32>
      %swap3A_330 = vector.shape_cast %broadcast_in_dim3A_14 : vector<16xf32> to vector<1x16xf32>
      tpu.vector_store %arg8[%swap3A, %swap3A_327], %swap3A_330 {strides = array<i32>} : memref<80x128xf32, #tpu.memory_space<vmem>>, vector<1x16xf32>,
      %swap3A_331 = arith.index_cast %add3A_326 : i32 to index
      %swap3A_332 = arith.constant 16 : index
      %swap3A_333 = tpu.vector_load %arg8[%swap3A_331, %swap3A_332] {strides = array<i32>} : memref<80x128xf32, #tpu.memory_space<vmem>>, vector<1x16xf32>,
      %swap3A_334 = vector.shape_cast %swap3A_333 : vector<1x16xf32> to vector<16xf32>
      %swap3A_335 = vector.shape_cast %broadcast_in_dim3A_14 : vector<16xf32> to vector<1x16xf32>
      tpu.vector_store %arg8[%swap3A_331, %swap3A_332], %swap3A_335 {strides = array<i32>} : memref<80x128xf32, #tpu.memory_space<vmem>>, vector<1x16xf32>,
      %swap3A_336 = arith.index_cast %add3A_326 : i32 to index
      %swap3A_337 = arith.constant 32 : index
      %swap3A_338 = tpu.vector_load %arg8[%swap3A_336, %swap3A_337] {strides = array<i32>} : memref<80x128xf32, #tpu.memory_space<vmem>>, vector<1x16xf32>,
      %swap3A_339 = vector.shape_cast %swap3A_338 : vector<1x16xf32> to vector<16xf32>
      %swap3A_340 = vector.shape_cast %broadcast_in_dim3A_14 : vector<16xf32> to vector<1x16xf32>
      tpu.vector_store %arg8[%swap3A_336, %swap3A_337], %swap3A_340 {strides = array<i32>} : memref<80x128xf32, #tpu.memory_space<vmem>>, vector<1x16xf32>,
      %swap3A_341 = arith.index_cast %add3A_326 : i32 to index
      %swap3A_342 = arith.constant 48 : index
      %swap3A_343 = tpu.vector_load %arg8[%swap3A_341, %swap3A_342] {strides = array<i32>} : memref<80x128xf32, #tpu.memory_space<vmem>>, vector<1x16xf32>,
      %swap3A_344 = vector.shape_cast %swap3A_343 : vector<1x16xf32> to vector<16xf32>
      %swap3A_345 = vector.shape_cast %broadcast_in_dim3A_14 : vector<16xf32> to vector<1x16xf32>
      tpu.vector_store %arg8[%swap3A_341, %swap3A_342], %swap3A_345 {strides = array<i32>} : memref<80x128xf32, #tpu.memory_space<vmem>>, vector<1x16xf32>,
      %swap3A_346 = arith.index_cast %add3A_326 : i32 to index
      %swap3A_347 = arith.constant 64 : index
      %swap3A_348 = tpu.vector_load %arg8[%swap3A_346, %swap3A_347] {strides = array<i32>} : memref<80x128xf32, #tpu.memory_space<vmem>>, vector<1x16xf32>,
      %swap3A_349 = vector.shape_cast %swap3A_348 : vector<1x16xf32> to vector<16xf32>
      %swap3A_350 = vector.shape_cast %broadcast_in_dim3A_14 : vector<16xf32> to vector<1x16xf32>
      tpu.vector_store %arg8[%swap3A_346, %swap3A_347], %swap3A_350 {strides = array<i32>} : memref<80x128xf32, #tpu.memory_space<vmem>>, vector<1x16xf32>,
      %swap3A_351 = arith.index_cast %add3A_326 : i32 to index
      %swap3A_352 = arith.constant 80 : index
      %swap3A_353 = tpu.vector_load %arg8[%swap3A_351, %swap3A_352] {strides = array<i32>} : memref<80x128xf32, #tpu.memory_space<vmem>>, vector<1x16xf32>,
      %swap3A_354 = vector.shape_cast %swap3A_353 : vector<1x16xf32> to vector<16xf32>
      %swap3A_355 = vector.shape_cast %broadcast_in_dim3A_14 : vector<16xf32> to vector<1x16xf32>
      tpu.vector_store %arg8[%swap3A_351, %swap3A_352], %swap3A_355 {strides = array<i32>} : memref<80x128xf32, #tpu.memory_space<vmem>>, vector<1x16xf32>,
      %swap3A_356 = arith.index_cast %add3A_326 : i32 to index
      %swap3A_357 = arith.constant 96 : index
      %swap3A_358 = tpu.vector_load %arg8[%swap3A_356, %swap3A_357] {strides = array<i32>} : memref<80x128xf32, #tpu.memory_space<vmem>>, vector<1x16xf32>,
      %swap3A_359 = vector.shape_cast %swap3A_358 : vector<1x16xf32> to vector<16xf32>
      %swap3A_360 = vector.shape_cast %broadcast_in_dim3A_14 : vector<16xf32> to vector<1x16xf32>
      tpu.vector_store %arg8[%swap3A_356, %swap3A_357], %swap3A_360 {strides = array<i32>} : memref<80x128xf32, #tpu.memory_space<vmem>>, vector<1x16xf32>,
      %swap3A_361 = arith.index_cast %add3A_326 : i32 to index
      %swap3A_362 = arith.constant 112 : index
      %swap3A_363 = tpu.vector_load %arg8[%swap3A_361, %swap3A_362] {strides = array<i32>} : memref<80x128xf32, #tpu.memory_space<vmem>>, vector<1x16xf32>,
      %swap3A_364 = vector.shape_cast %swap3A_363 : vector<1x16xf32> to vector<16xf32>
      %swap3A_365 = vector.shape_cast %broadcast_in_dim3A_14 : vector<16xf32> to vector<1x16xf32>
      tpu.vector_store %arg8[%swap3A_361, %swap3A_362], %swap3A_365 {strides = array<i32>} : memref<80x128xf32, #tpu.memory_space<vmem>>, vector<1x16xf32>,
    }
    %scan3A_18 = arith.constant 80 : i32
    %mul3A_19 = arith.constant 640 : i32
    %mul3A_20 = arith.muli %arg1, %mul3A_19 : i32
    %add3A_21 = arith.constant 0 : i32
    %add3A_22 = arith.addi %mul3A_20, %add3A_21 : i32
    %dma_start3A_23 = arith.constant 0 : i32
    %dma_start3A_24 = arith.constant 0 : i32
    %dma_start3A_25 = tpu.memref_slice %arg8[%dma_start3A_23, %dma_start3A_24] : memref<80x128xf32, #tpu.memory_space<vmem>> -> memref<80x128xf32, #tpu.memory_space<vmem>>
    %dma_start3A_26 = arith.constant 0 : i32
    %dma_start3A_27 = tpu.memref_slice %arg10[%add3A_22, %dma_start3A_26] : memref<10240x128xf32, #tpu.memory_space<vmem_shared>> -> memref<80x128xf32, #tpu.memory_space<vmem_shared>>
    %dma_start3A_28 = arith.constant 0 : i32
    %dma_start3A_29 = tpu.memref_slice %arg10[%add3A_22, %dma_start3A_28] : memref<10240x128xf32, #tpu.memory_space<vmem_shared>> -> memref<80x128xf32, #tpu.memory_space<vmem_shared>>
    %dma_start3A_30 = arith.constant 0 : i32
    %dma_start3A_31 = arith.constant 0 : i32
    %dma_start3A_32 = tpu.memref_slice %arg8[%dma_start3A_30, %dma_start3A_31] : memref<80x128xf32, #tpu.memory_space<vmem>> -> memref<80x128xf32, #tpu.memory_space<vmem>>
    tpu.enqueue_dma source(%dma_start3A_32 : memref<80x128xf32, #tpu.memory_space<vmem>>) target(%dma_start3A_29 : memref<80x128xf32, #tpu.memory_space<vmem_shared>>) target_semaphore(%arg13 : memref<!tpu.dma_semaphore, #tpu.memory_space<semaphore_mem>>)
    %add3A_33 = arith.constant 80 : i32
    %add3A_34 = arith.addi %mul3A_20, %add3A_33 : i32
    %dma_start3A_35 = arith.constant 0 : i32
    %dma_start3A_36 = arith.constant 0 : i32
    %dma_start3A_37 = tpu.memref_slice %arg8[%dma_start3A_35, %dma_start3A_36] : memref<80x128xf32, #tpu.memory_space<vmem>> -> memref<80x128xf32, #tpu.memory_space<vmem>>
    %dma_start3A_38 = arith.constant 0 : i32
    %dma_start3A_39 = tpu.memref_slice %arg10[%add3A_34, %dma_start3A_38] : memref<10240x128xf32, #tpu.memory_space<vmem_shared>> -> memref<80x128xf32, #tpu.memory_space<vmem_shared>>
    %dma_start3A_40 = arith.constant 0 : i32
    %dma_start3A_41 = tpu.memref_slice %arg10[%add3A_34, %dma_start3A_40] : memref<10240x128xf32, #tpu.memory_space<vmem_shared>> -> memref<80x128xf32, #tpu.memory_space<vmem_shared>>
    %dma_start3A_42 = arith.constant 0 : i32
    %dma_start3A_43 = arith.constant 0 : i32
    %dma_start3A_44 = tpu.memref_slice %arg8[%dma_start3A_42, %dma_start3A_43] : memref<80x128xf32, #tpu.memory_space<vmem>> -> memref<80x128xf32, #tpu.memory_space<vmem>>
    tpu.enqueue_dma source(%dma_start3A_44 : memref<80x128xf32, #tpu.memory_space<vmem>>) target(%dma_start3A_41 : memref<80x128xf32, #tpu.memory_space<vmem_shared>>) target_semaphore(%arg13 : memref<!tpu.dma_semaphore, #tpu.memory_space<semaphore_mem>>)
    %add3A_45 = arith.constant 160 : i32
    %add3A_46 = arith.addi %mul3A_20, %add3A_45 : i32
    %dma_start3A_47 = arith.constant 0 : i32
    %dma_start3A_48 = arith.constant 0 : i32
    %dma_start3A_49 = tpu.memref_slice %arg8[%dma_start3A_47, %dma_start3A_48] : memref<80x128xf32, #tpu.memory_space<vmem>> -> memref<80x128xf32, #tpu.memory_space<vmem>>
    %dma_start3A_50 = arith.constant 0 : i32
    %dma_start3A_51 = tpu.memref_slice %arg10[%add3A_46, %dma_start3A_50] : memref<10240x128xf32, #tpu.memory_space<vmem_shared>> -> memref<80x128xf32, #tpu.memory_space<vmem_shared>>
    %dma_start3A_52 = arith.constant 0 : i32
    %dma_start3A_53 = tpu.memref_slice %arg10[%add3A_46, %dma_start3A_52] : memref<10240x128xf32, #tpu.memory_space<vmem_shared>> -> memref<80x128xf32, #tpu.memory_space<vmem_shared>>
    %dma_start3A_54 = arith.constant 0 : i32
    %dma_start3A_55 = arith.constant 0 : i32
    %dma_start3A_56 = tpu.memref_slice %arg8[%dma_start3A_54, %dma_start3A_55] : memref<80x128xf32, #tpu.memory_space<vmem>> -> memref<80x128xf32, #tpu.memory_space<vmem>>
    tpu.enqueue_dma source(%dma_start3A_56 : memref<80x128xf32, #tpu.memory_space<vmem>>) target(%dma_start3A_53 : memref<80x128xf32, #tpu.memory_space<vmem_shared>>) target_semaphore(%arg13 : memref<!tpu.dma_semaphore, #tpu.memory_space<semaphore_mem>>)
    %add3A_57 = arith.constant 240 : i32
    %add3A_58 = arith.addi %mul3A_20, %add3A_57 : i32
    %dma_start3A_59 = arith.constant 0 : i32
    %dma_start3A_60 = arith.constant 0 : i32
    %dma_start3A_61 = tpu.memref_slice %arg8[%dma_start3A_59, %dma_start3A_60] : memref<80x128xf32, #tpu.memory_space<vmem>> -> memref<80x128xf32, #tpu.memory_space<vmem>>
    %dma_start3A_62 = arith.constant 0 : i32
    %dma_start3A_63 = tpu.memref_slice %arg10[%add3A_58, %dma_start3A_62] : memref<10240x128xf32, #tpu.memory_space<vmem_shared>> -> memref<80x128xf32, #tpu.memory_space<vmem_shared>>
    %dma_start3A_64 = arith.constant 0 : i32
    %dma_start3A_65 = tpu.memref_slice %arg10[%add3A_58, %dma_start3A_64] : memref<10240x128xf32, #tpu.memory_space<vmem_shared>> -> memref<80x128xf32, #tpu.memory_space<vmem_shared>>
    %dma_start3A_66 = arith.constant 0 : i32
    %dma_start3A_67 = arith.constant 0 : i32
    %dma_start3A_68 = tpu.memref_slice %arg8[%dma_start3A_66, %dma_start3A_67] : memref<80x128xf32, #tpu.memory_space<vmem>> -> memref<80x128xf32, #tpu.memory_space<vmem>>
    tpu.enqueue_dma source(%dma_start3A_68 : memref<80x128xf32, #tpu.memory_space<vmem>>) target(%dma_start3A_65 : memref<80x128xf32, #tpu.memory_space<vmem_shared>>) target_semaphore(%arg13 : memref<!tpu.dma_semaphore, #tpu.memory_space<semaphore_mem>>)
    %add3A_69 = arith.constant 320 : i32
    %add3A_70 = arith.addi %mul3A_20, %add3A_69 : i32
    %dma_start3A_71 = arith.constant 0 : i32
    %dma_start3A_72 = arith.constant 0 : i32
    %dma_start3A_73 = tpu.memref_slice %arg8[%dma_start3A_71, %dma_start3A_72] : memref<80x128xf32, #tpu.memory_space<vmem>> -> memref<80x128xf32, #tpu.memory_space<vmem>>
    %dma_start3A_74 = arith.constant 0 : i32
    %dma_start3A_75 = tpu.memref_slice %arg10[%add3A_70, %dma_start3A_74] : memref<10240x128xf32, #tpu.memory_space<vmem_shared>> -> memref<80x128xf32, #tpu.memory_space<vmem_shared>>
    %dma_start3A_76 = arith.constant 0 : i32
    %dma_start3A_77 = tpu.memref_slice %arg10[%add3A_70, %dma_start3A_76] : memref<10240x128xf32, #tpu.memory_space<vmem_shared>> -> memref<80x128xf32, #tpu.memory_space<vmem_shared>>
    %dma_start3A_78 = arith.constant 0 : i32
    %dma_start3A_79 = arith.constant 0 : i32
    %dma_start3A_80 = tpu.memref_slice %arg8[%dma_start3A_78, %dma_start3A_79] : memref<80x128xf32, #tpu.memory_space<vmem>> -> memref<80x128xf32, #tpu.memory_space<vmem>>
    tpu.enqueue_dma source(%dma_start3A_80 : memref<80x128xf32, #tpu.memory_space<vmem>>) target(%dma_start3A_77 : memref<80x128xf32, #tpu.memory_space<vmem_shared>>) target_semaphore(%arg13 : memref<!tpu.dma_semaphore, #tpu.memory_space<semaphore_mem>>)
    %add3A_81 = arith.constant 400 : i32
    %add3A_82 = arith.addi %mul3A_20, %add3A_81 : i32
    %dma_start3A_83 = arith.constant 0 : i32
    %dma_start3A_84 = arith.constant 0 : i32
    %dma_start3A_85 = tpu.memref_slice %arg8[%dma_start3A_83, %dma_start3A_84] : memref<80x128xf32, #tpu.memory_space<vmem>> -> memref<80x128xf32, #tpu.memory_space<vmem>>
    %dma_start3A_86 = arith.constant 0 : i32
    %dma_start3A_87 = tpu.memref_slice %arg10[%add3A_82, %dma_start3A_86] : memref<10240x128xf32, #tpu.memory_space<vmem_shared>> -> memref<80x128xf32, #tpu.memory_space<vmem_shared>>
    %dma_start3A_88 = arith.constant 0 : i32
    %dma_start3A_89 = tpu.memref_slice %arg10[%add3A_82, %dma_start3A_88] : memref<10240x128xf32, #tpu.memory_space<vmem_shared>> -> memref<80x128xf32, #tpu.memory_space<vmem_shared>>
    %dma_start3A_90 = arith.constant 0 : i32
    %dma_start3A_91 = arith.constant 0 : i32
    %dma_start3A_92 = tpu.memref_slice %arg8[%dma_start3A_90, %dma_start3A_91] : memref<80x128xf32, #tpu.memory_space<vmem>> -> memref<80x128xf32, #tpu.memory_space<vmem>>
    tpu.enqueue_dma source(%dma_start3A_92 : memref<80x128xf32, #tpu.memory_space<vmem>>) target(%dma_start3A_89 : memref<80x128xf32, #tpu.memory_space<vmem_shared>>) target_semaphore(%arg13 : memref<!tpu.dma_semaphore, #tpu.memory_space<semaphore_mem>>)
    %add3A_93 = arith.constant 480 : i32
    %add3A_94 = arith.addi %mul3A_20, %add3A_93 : i32
    %dma_start3A_95 = arith.constant 0 : i32
    %dma_start3A_96 = arith.constant 0 : i32
    %dma_start3A_97 = tpu.memref_slice %arg8[%dma_start3A_95, %dma_start3A_96] : memref<80x128xf32, #tpu.memory_space<vmem>> -> memref<80x128xf32, #tpu.memory_space<vmem>>
    %dma_start3A_98 = arith.constant 0 : i32
    %dma_start3A_99 = tpu.memref_slice %arg10[%add3A_94, %dma_start3A_98] : memref<10240x128xf32, #tpu.memory_space<vmem_shared>> -> memref<80x128xf32, #tpu.memory_space<vmem_shared>>
    %dma_start3A_100 = arith.constant 0 : i32
    %dma_start3A_101 = tpu.memref_slice %arg10[%add3A_94, %dma_start3A_100] : memref<10240x128xf32, #tpu.memory_space<vmem_shared>> -> memref<80x128xf32, #tpu.memory_space<vmem_shared>>
    %dma_start3A_102 = arith.constant 0 : i32
    %dma_start3A_103 = arith.constant 0 : i32
    %dma_start3A_104 = tpu.memref_slice %arg8[%dma_start3A_102, %dma_start3A_103] : memref<80x128xf32, #tpu.memory_space<vmem>> -> memref<80x128xf32, #tpu.memory_space<vmem>>
    tpu.enqueue_dma source(%dma_start3A_104 : memref<80x128xf32, #tpu.memory_space<vmem>>) target(%dma_start3A_101 : memref<80x128xf32, #tpu.memory_space<vmem_shared>>) target_semaphore(%arg13 : memref<!tpu.dma_semaphore, #tpu.memory_space<semaphore_mem>>)
    %add3A_105 = arith.constant 560 : i32
    %add3A_106 = arith.addi %mul3A_20, %add3A_105 : i32
    %dma_start3A_107 = arith.constant 0 : i32
    %dma_start3A_108 = arith.constant 0 : i32
    %dma_start3A_109 = tpu.memref_slice %arg8[%dma_start3A_107, %dma_start3A_108] : memref<80x128xf32, #tpu.memory_space<vmem>> -> memref<80x128xf32, #tpu.memory_space<vmem>>
    %dma_start3A_110 = arith.constant 0 : i32
    %dma_start3A_111 = tpu.memref_slice %arg10[%add3A_106, %dma_start3A_110] : memref<10240x128xf32, #tpu.memory_space<vmem_shared>> -> memref<80x128xf32, #tpu.memory_space<vmem_shared>>
    %dma_start3A_112 = arith.constant 0 : i32
    %dma_start3A_113 = tpu.memref_slice %arg10[%add3A_106, %dma_start3A_112] : memref<10240x128xf32, #tpu.memory_space<vmem_shared>> -> memref<80x128xf32, #tpu.memory_space<vmem_shared>>
    %dma_start3A_114 = arith.constant 0 : i32
    %dma_start3A_115 = arith.constant 0 : i32
    %dma_start3A_116 = tpu.memref_slice %arg8[%dma_start3A_114, %dma_start3A_115] : memref<80x128xf32, #tpu.memory_space<vmem>> -> memref<80x128xf32, #tpu.memory_space<vmem>>
    tpu.enqueue_dma source(%dma_start3A_116 : memref<80x128xf32, #tpu.memory_space<vmem>>) target(%dma_start3A_113 : memref<80x128xf32, #tpu.memory_space<vmem_shared>>) target_semaphore(%arg13 : memref<!tpu.dma_semaphore, #tpu.memory_space<semaphore_mem>>)
    %dma_wait3A = arith.constant 0 : i32
    %dma_wait3A_117 = arith.constant 0 : i32
    %dma_wait3A_118 = tpu.memref_slice %arg8[%dma_wait3A, %dma_wait3A_117] : memref<80x128xf32, #tpu.memory_space<vmem>> -> memref<80x128xf32, #tpu.memory_space<vmem>>
    %dma_wait3A_119 = arith.constant 0 : i32
    %dma_wait3A_120 = tpu.memref_slice %arg10[%mul3A_20, %dma_wait3A_119] : memref<10240x128xf32, #tpu.memory_space<vmem_shared>> -> memref<80x128xf32, #tpu.memory_space<vmem_shared>>
    %dma_wait3A_121 = arith.constant 0 : i32
    %dma_wait3A_122 = tpu.memref_slice %arg10[%mul3A_20, %dma_wait3A_121] : memref<10240x128xf32, #tpu.memory_space<vmem_shared>> -> memref<80x128xf32, #tpu.memory_space<vmem_shared>>
    %dma_wait3A_123 = arith.constant 0 : i32
    %dma_wait3A_124 = arith.constant 0 : i32
    %dma_wait3A_125 = tpu.memref_slice %arg8[%dma_wait3A_123, %dma_wait3A_124] : memref<80x128xf32, #tpu.memory_space<vmem>> -> memref<80x128xf32, #tpu.memory_space<vmem>>
    tpu.wait_dma2 semaphore(%arg13 : memref<!tpu.dma_semaphore, #tpu.memory_space<semaphore_mem>>) src(%dma_wait3A_125 : memref<80x128xf32, #tpu.memory_space<vmem>>) dst(%dma_wait3A_122 : memref<80x128xf32, #tpu.memory_space<vmem_shared>>)
    %dma_wait3A_126 = arith.constant 0 : i32
    %dma_wait3A_127 = arith.constant 0 : i32
    %dma_wait3A_128 = tpu.memref_slice %arg8[%dma_wait3A_126, %dma_wait3A_127] : memref<80x128xf32, #tpu.memory_space<vmem>> -> memref<80x128xf32, #tpu.memory_space<vmem>>
    %dma_wait3A_129 = arith.constant 0 : i32
    %dma_wait3A_130 = tpu.memref_slice %arg10[%mul3A_20, %dma_wait3A_129] : memref<10240x128xf32, #tpu.memory_space<vmem_shared>> -> memref<80x128xf32, #tpu.memory_space<vmem_shared>>
    %dma_wait3A_131 = arith.constant 0 : i32
    %dma_wait3A_132 = tpu.memref_slice %arg10[%mul3A_20, %dma_wait3A_131] : memref<10240x128xf32, #tpu.memory_space<vmem_shared>> -> memref<80x128xf32, #tpu.memory_space<vmem_shared>>
    %dma_wait3A_133 = arith.constant 0 : i32
    %dma_wait3A_134 = arith.constant 0 : i32
    %dma_wait3A_135 = tpu.memref_slice %arg8[%dma_wait3A_133, %dma_wait3A_134] : memref<80x128xf32, #tpu.memory_space<vmem>> -> memref<80x128xf32, #tpu.memory_space<vmem>>
    tpu.wait_dma2 semaphore(%arg13 : memref<!tpu.dma_semaphore, #tpu.memory_space<semaphore_mem>>) src(%dma_wait3A_135 : memref<80x128xf32, #tpu.memory_space<vmem>>) dst(%dma_wait3A_132 : memref<80x128xf32, #tpu.memory_space<vmem_shared>>)
    %dma_wait3A_136 = arith.constant 0 : i32
    %dma_wait3A_137 = arith.constant 0 : i32
    %dma_wait3A_138 = tpu.memref_slice %arg8[%dma_wait3A_136, %dma_wait3A_137] : memref<80x128xf32, #tpu.memory_space<vmem>> -> memref<80x128xf32, #tpu.memory_space<vmem>>
    %dma_wait3A_139 = arith.constant 0 : i32
    %dma_wait3A_140 = tpu.memref_slice %arg10[%mul3A_20, %dma_wait3A_139] : memref<10240x128xf32, #tpu.memory_space<vmem_shared>> -> memref<80x128xf32, #tpu.memory_space<vmem_shared>>
    %dma_wait3A_141 = arith.constant 0 : i32
    %dma_wait3A_142 = tpu.memref_slice %arg10[%mul3A_20, %dma_wait3A_141] : memref<10240x128xf32, #tpu.memory_space<vmem_shared>> -> memref<80x128xf32, #tpu.memory_space<vmem_shared>>
    %dma_wait3A_143 = arith.constant 0 : i32
    %dma_wait3A_144 = arith.constant 0 : i32
    %dma_wait3A_145 = tpu.memref_slice %arg8[%dma_wait3A_143, %dma_wait3A_144] : memref<80x128xf32, #tpu.memory_space<vmem>> -> memref<80x128xf32, #tpu.memory_space<vmem>>
    tpu.wait_dma2 semaphore(%arg13 : memref<!tpu.dma_semaphore, #tpu.memory_space<semaphore_mem>>) src(%dma_wait3A_145 : memref<80x128xf32, #tpu.memory_space<vmem>>) dst(%dma_wait3A_142 : memref<80x128xf32, #tpu.memory_space<vmem_shared>>)
    %dma_wait3A_146 = arith.constant 0 : i32
    %dma_wait3A_147 = arith.constant 0 : i32
    %dma_wait3A_148 = tpu.memref_slice %arg8[%dma_wait3A_146, %dma_wait3A_147] : memref<80x128xf32, #tpu.memory_space<vmem>> -> memref<80x128xf32, #tpu.memory_space<vmem>>
    %dma_wait3A_149 = arith.constant 0 : i32
    %dma_wait3A_150 = tpu.memref_slice %arg10[%mul3A_20, %dma_wait3A_149] : memref<10240x128xf32, #tpu.memory_space<vmem_shared>> -> memref<80x128xf32, #tpu.memory_space<vmem_shared>>
    %dma_wait3A_151 = arith.constant 0 : i32
    %dma_wait3A_152 = tpu.memref_slice %arg10[%mul3A_20, %dma_wait3A_151] : memref<10240x128xf32, #tpu.memory_space<vmem_shared>> -> memref<80x128xf32, #tpu.memory_space<vmem_shared>>
    %dma_wait3A_153 = arith.constant 0 : i32
    %dma_wait3A_154 = arith.constant 0 : i32
    %dma_wait3A_155 = tpu.memref_slice %arg8[%dma_wait3A_153, %dma_wait3A_154] : memref<80x128xf32, #tpu.memory_space<vmem>> -> memref<80x128xf32, #tpu.memory_space<vmem>>
    tpu.wait_dma2 semaphore(%arg13 : memref<!tpu.dma_semaphore, #tpu.memory_space<semaphore_mem>>) src(%dma_wait3A_155 : memref<80x128xf32, #tpu.memory_space<vmem>>) dst(%dma_wait3A_152 : memref<80x128xf32, #tpu.memory_space<vmem_shared>>)
    %dma_wait3A_156 = arith.constant 0 : i32
    %dma_wait3A_157 = arith.constant 0 : i32
    %dma_wait3A_158 = tpu.memref_slice %arg8[%dma_wait3A_156, %dma_wait3A_157] : memref<80x128xf32, #tpu.memory_space<vmem>> -> memref<80x128xf32, #tpu.memory_space<vmem>>
    %dma_wait3A_159 = arith.constant 0 : i32
    %dma_wait3A_160 = tpu.memref_slice %arg10[%mul3A_20, %dma_wait3A_159] : memref<10240x128xf32, #tpu.memory_space<vmem_shared>> -> memref<80x128xf32, #tpu.memory_space<vmem_shared>>
    %dma_wait3A_161 = arith.constant 0 : i32
    %dma_wait3A_162 = tpu.memref_slice %arg10[%mul3A_20, %dma_wait3A_161] : memref<10240x128xf32, #tpu.memory_space<vmem_shared>> -> memref<80x128xf32, #tpu.memory_space<vmem_shared>>
    %dma_wait3A_163 = arith.constant 0 : i32
    %dma_wait3A_164 = arith.constant 0 : i32
    %dma_wait3A_165 = tpu.memref_slice %arg8[%dma_wait3A_163, %dma_wait3A_164] : memref<80x128xf32, #tpu.memory_space<vmem>> -> memref<80x128xf32, #tpu.memory_space<vmem>>
    tpu.wait_dma2 semaphore(%arg13 : memref<!tpu.dma_semaphore, #tpu.memory_space<semaphore_mem>>) src(%dma_wait3A_165 : memref<80x128xf32, #tpu.memory_space<vmem>>) dst(%dma_wait3A_162 : memref<80x128xf32, #tpu.memory_space<vmem_shared>>)
    %dma_wait3A_166 = arith.constant 0 : i32
    %dma_wait3A_167 = arith.constant 0 : i32
    %dma_wait3A_168 = tpu.memref_slice %arg8[%dma_wait3A_166, %dma_wait3A_167] : memref<80x128xf32, #tpu.memory_space<vmem>> -> memref<80x128xf32, #tpu.memory_space<vmem>>
    %dma_wait3A_169 = arith.constant 0 : i32
    %dma_wait3A_170 = tpu.memref_slice %arg10[%mul3A_20, %dma_wait3A_169] : memref<10240x128xf32, #tpu.memory_space<vmem_shared>> -> memref<80x128xf32, #tpu.memory_space<vmem_shared>>
    %dma_wait3A_171 = arith.constant 0 : i32
    %dma_wait3A_172 = tpu.memref_slice %arg10[%mul3A_20, %dma_wait3A_171] : memref<10240x128xf32, #tpu.memory_space<vmem_shared>> -> memref<80x128xf32, #tpu.memory_space<vmem_shared>>
    %dma_wait3A_173 = arith.constant 0 : i32
    %dma_wait3A_174 = arith.constant 0 : i32
    %dma_wait3A_175 = tpu.memref_slice %arg8[%dma_wait3A_173, %dma_wait3A_174] : memref<80x128xf32, #tpu.memory_space<vmem>> -> memref<80x128xf32, #tpu.memory_space<vmem>>
    tpu.wait_dma2 semaphore(%arg13 : memref<!tpu.dma_semaphore, #tpu.memory_space<semaphore_mem>>) src(%dma_wait3A_175 : memref<80x128xf32, #tpu.memory_space<vmem>>) dst(%dma_wait3A_172 : memref<80x128xf32, #tpu.memory_space<vmem_shared>>)
    %dma_wait3A_176 = arith.constant 0 : i32
    %dma_wait3A_177 = arith.constant 0 : i32
    %dma_wait3A_178 = tpu.memref_slice %arg8[%dma_wait3A_176, %dma_wait3A_177] : memref<80x128xf32, #tpu.memory_space<vmem>> -> memref<80x128xf32, #tpu.memory_space<vmem>>
    %dma_wait3A_179 = arith.constant 0 : i32
    %dma_wait3A_180 = tpu.memref_slice %arg10[%mul3A_20, %dma_wait3A_179] : memref<10240x128xf32, #tpu.memory_space<vmem_shared>> -> memref<80x128xf32, #tpu.memory_space<vmem_shared>>
    %dma_wait3A_181 = arith.constant 0 : i32
    %dma_wait3A_182 = tpu.memref_slice %arg10[%mul3A_20, %dma_wait3A_181] : memref<10240x128xf32, #tpu.memory_space<vmem_shared>> -> memref<80x128xf32, #tpu.memory_space<vmem_shared>>
    %dma_wait3A_183 = arith.constant 0 : i32
    %dma_wait3A_184 = arith.constant 0 : i32
    %dma_wait3A_185 = tpu.memref_slice %arg8[%dma_wait3A_183, %dma_wait3A_184] : memref<80x128xf32, #tpu.memory_space<vmem>> -> memref<80x128xf32, #tpu.memory_space<vmem>>
    tpu.wait_dma2 semaphore(%arg13 : memref<!tpu.dma_semaphore, #tpu.memory_space<semaphore_mem>>) src(%dma_wait3A_185 : memref<80x128xf32, #tpu.memory_space<vmem>>) dst(%dma_wait3A_182 : memref<80x128xf32, #tpu.memory_space<vmem_shared>>)
    %dma_wait3A_186 = arith.constant 0 : i32
    %dma_wait3A_187 = arith.constant 0 : i32
    %dma_wait3A_188 = tpu.memref_slice %arg8[%dma_wait3A_186, %dma_wait3A_187] : memref<80x128xf32, #tpu.memory_space<vmem>> -> memref<80x128xf32, #tpu.memory_space<vmem>>
    %dma_wait3A_189 = arith.constant 0 : i32
    %dma_wait3A_190 = tpu.memref_slice %arg10[%mul3A_20, %dma_wait3A_189] : memref<10240x128xf32, #tpu.memory_space<vmem_shared>> -> memref<80x128xf32, #tpu.memory_space<vmem_shared>>
    %dma_wait3A_191 = arith.constant 0 : i32
    %dma_wait3A_192 = tpu.memref_slice %arg10[%mul3A_20, %dma_wait3A_191] : memref<10240x128xf32, #tpu.memory_space<vmem_shared>> -> memref<80x128xf32, #tpu.memory_space<vmem_shared>>
    %dma_wait3A_193 = arith.constant 0 : i32
    %dma_wait3A_194 = arith.constant 0 : i32
    %dma_wait3A_195 = tpu.memref_slice %arg8[%dma_wait3A_193, %dma_wait3A_194] : memref<80x128xf32, #tpu.memory_space<vmem>> -> memref<80x128xf32, #tpu.memory_space<vmem>>
    tpu.wait_dma2 semaphore(%arg13 : memref<!tpu.dma_semaphore, #tpu.memory_space<semaphore_mem>>) src(%dma_wait3A_195 : memref<80x128xf32, #tpu.memory_space<vmem>>) dst(%dma_wait3A_192 : memref<80x128xf32, #tpu.memory_space<vmem_shared>>)
    %dma_wait3A_196 = arith.constant 0 : i32
    %dma_wait3A_197 = tpu.memref_slice %arg2[%add3A, %dma_wait3A_196] : memref<32x10000xi32, #tpu.memory_space<hbm>> -> memref<1x10000xi32, #tpu.memory_space<hbm>>
    %dma_wait3A_198 = tpu.memref_squeeze %dma_wait3A_197 : memref<1x10000xi32, #tpu.memory_space<hbm>> -> memref<10000xi32, #tpu.memory_space<hbm>>
    %dma_wait3A_199 = arith.constant 0 : i32
    %dma_wait3A_200 = tpu.memref_slice %arg2[%add3A, %dma_wait3A_199] : memref<32x10000xi32, #tpu.memory_space<hbm>> -> memref<1x10000xi32, #tpu.memory_space<hbm>>
    %dma_wait3A_201 = tpu.memref_squeeze %dma_wait3A_200 : memref<1x10000xi32, #tpu.memory_space<hbm>> -> memref<10000xi32, #tpu.memory_space<hbm>>
    tpu.wait_dma2 semaphore(%arg11 : memref<!tpu.dma_semaphore, #tpu.memory_space<semaphore_mem>>) src(%dma_wait3A_201 : memref<10000xi32, #tpu.memory_space<hbm>>) dst(%arg6 : memref<10000xi32, #tpu.memory_space<vmem>>)
    %dma_wait3A_202 = arith.constant 0 : i32
    %dma_wait3A_203 = arith.constant 0 : i32
    %dma_wait3A_204 = tpu.memref_slice %arg3[%add3A, %dma_wait3A_202, %dma_wait3A_203] : memref<32x125x80xi32, #tpu.memory_space<hbm>> -> memref<1x125x80xi32, #tpu.memory_space<hbm>>
    %dma_wait3A_205 = tpu.memref_squeeze %dma_wait3A_204 : memref<1x125x80xi32, #tpu.memory_space<hbm>> -> memref<125x80xi32, #tpu.memory_space<hbm>>
    %dma_wait3A_206 = arith.constant 0 : i32
    %dma_wait3A_207 = arith.constant 0 : i32
    %dma_wait3A_208 = tpu.memref_slice %arg3[%add3A, %dma_wait3A_206, %dma_wait3A_207] : memref<32x125x80xi32, #tpu.memory_space<hbm>> -> memref<1x125x80xi32, #tpu.memory_space<hbm>>
    %dma_wait3A_209 = tpu.memref_squeeze %dma_wait3A_208 : memref<1x125x80xi32, #tpu.memory_space<hbm>> -> memref<125x80xi32, #tpu.memory_space<hbm>>
    tpu.wait_dma2 semaphore(%arg12 : memref<!tpu.dma_semaphore, #tpu.memory_space<semaphore_mem>>) src(%dma_wait3A_209 : memref<125x80xi32, #tpu.memory_space<hbm>>) dst(%arg7 : memref<125x80xi32, #tpu.memory_space<vmem>>)
    %barrier3A = arith.constant 0 : index
    tpu.barrier barrier_id(%barrier3A)
    %dma_start3A_210 = arith.constant 0 : i32
    %dma_start3A_211 = tpu.memref_slice %arg6[%dma_start3A_210] : memref<10000xi32, #tpu.memory_space<vmem>> -> memref<80xi32, #tpu.memory_space<vmem>>
    %dma_start3A_212 = arith.constant 0 : i32
    %dma_start3A_213 = arith.constant 0 : i32
    %dma_start3A_214 = tpu.memref_slice %arg4[%dma_start3A_212, %dma_start3A_213] : memref<10000x128xf32, #tpu.memory_space<hbm>> -> memref<10000x128xf32, #tpu.memory_space<hbm>>
    tpu.enqueue_indirect_dma source(%dma_start3A_214 : memref<10000x128xf32, #tpu.memory_space<hbm>>) target(%arg8 : memref<80x128xf32, #tpu.memory_space<vmem>>) offsets(%dma_start3A_211 : memref<80xi32, #tpu.memory_space<vmem>>) semaphore(%arg13 : memref<!tpu.dma_semaphore, #tpu.memory_space<semaphore_mem>>)
    %scan3A_215 = arith.constant 0 : i32
    %scan3A_216 = arith.constant 62 : i32
    %scan3A_217 = arith.addi %scan3A_215, %scan3A_216 : i32
    %scan3A_218 = arith.constant 1 : i32
    scf.for %scan3A_322 = %scan3A_215 to %scan3A_217 step %scan3A_218  : i32 {
      %mul3A_323 = arith.constant 2 : i32
      %mul3A_324 = arith.muli %scan3A_322, %mul3A_323 : i32
      %add3A_325 = arith.constant 0 : i32
      %add3A_326 = arith.addi %add3A_325, %mul3A_324 : i32
      %add3A_327 = arith.constant 1 : i32
      %add3A_328 = arith.addi %add3A_326, %add3A_327 : i32
      %mul3A_329 = arith.constant 80 : i32
      %mul3A_330 = arith.muli %add3A_328, %mul3A_329 : i32
      %dma_start3A_331 = tpu.memref_slice %arg6[%mul3A_330] : memref<10000xi32, #tpu.memory_space<vmem>> -> memref<80xi32, #tpu.memory_space<vmem>>
      %dma_start3A_332 = arith.constant 0 : i32
      %dma_start3A_333 = arith.constant 0 : i32
      %dma_start3A_334 = tpu.memref_slice %arg4[%dma_start3A_332, %dma_start3A_333] : memref<10000x128xf32, #tpu.memory_space<hbm>> -> memref<10000x128xf32, #tpu.memory_space<hbm>>
      tpu.enqueue_indirect_dma source(%dma_start3A_334 : memref<10000x128xf32, #tpu.memory_space<hbm>>) target(%arg9 : memref<80x128xf32, #tpu.memory_space<vmem>>) offsets(%dma_start3A_331 : memref<80xi32, #tpu.memory_space<vmem>>) semaphore(%arg14 : memref<!tpu.dma_semaphore, #tpu.memory_space<semaphore_mem>>)
      %mul3A_335 = arith.constant 80 : i32
      %mul3A_336 = arith.muli %add3A_326, %mul3A_335 : i32
      %dma_wait3A_337 = tpu.memref_slice %arg6[%mul3A_336] : memref<10000xi32, #tpu.memory_space<vmem>> -> memref<80xi32, #tpu.memory_space<vmem>>
      %dma_wait3A_338 = arith.constant 0 : i32
      %dma_wait3A_339 = arith.constant 0 : i32
      %dma_wait3A_340 = tpu.memref_slice %arg4[%dma_wait3A_338, %dma_wait3A_339] : memref<10000x128xf32, #tpu.memory_space<hbm>> -> memref<10000x128xf32, #tpu.memory_space<hbm>>
      tpu.wait_indirect_dma semaphore(%arg13 : memref<!tpu.dma_semaphore, #tpu.memory_space<semaphore_mem>>) src(%dma_wait3A_340 : memref<10000x128xf32, #tpu.memory_space<hbm>>) dst(%arg8 : memref<80x128xf32, #tpu.memory_space<vmem>>)
      "tpu.region"() ({
        %run_scoped3A_355 = tpu.sem_alloc : memref<!tpu.dma_semaphore, #tpu.memory_space<semaphore_mem>>
        %dma_start3A_356 = arith.constant 0 : i32
        %dma_start3A_357 = tpu.memref_slice %arg7[%add3A_326, %dma_start3A_356] : memref<125x80xi32, #tpu.memory_space<vmem>> -> memref<1x80xi32, #tpu.memory_space<vmem>>
        %dma_start3A_358 = tpu.memref_squeeze %dma_start3A_357 : memref<1x80xi32, #tpu.memory_space<vmem>> -> memref<80xi32, #tpu.memory_space<vmem>>
        %dma_start3A_359 = arith.constant 0 : i32
        %dma_start3A_360 = arith.constant 0 : i32
        %dma_start3A_361 = tpu.memref_slice %arg10[%dma_start3A_359, %dma_start3A_360] : memref<10240x128xf32, #tpu.memory_space<vmem_shared>> -> memref<10240x128xf32, #tpu.memory_space<vmem_shared>>
        tpu.enqueue_indirect_dma source(%arg8 : memref<80x128xf32, #tpu.memory_space<vmem>>) target(%dma_start3A_361 : memref<10240x128xf32, #tpu.memory_space<vmem_shared>>) offsets(%dma_start3A_358 : memref<80xi32, #tpu.memory_space<vmem>>) semaphore(%run_scoped3A_355 : memref<!tpu.dma_semaphore, #tpu.memory_space<semaphore_mem>>) {add = true}
        %dma_wait3A_362 = arith.constant 0 : i32
        %dma_wait3A_363 = tpu.memref_slice %arg7[%add3A_326, %dma_wait3A_362] : memref<125x80xi32, #tpu.memory_space<vmem>> -> memref<1x80xi32, #tpu.memory_space<vmem>>
        %dma_wait3A_364 = tpu.memref_squeeze %dma_wait3A_363 : memref<1x80xi32, #tpu.memory_space<vmem>> -> memref<80xi32, #tpu.memory_space<vmem>>
        %dma_wait3A_365 = arith.constant 0 : i32
        %dma_wait3A_366 = arith.constant 0 : i32
        %dma_wait3A_367 = tpu.memref_slice %arg10[%dma_wait3A_365, %dma_wait3A_366] : memref<10240x128xf32, #tpu.memory_space<vmem_shared>> -> memref<10240x128xf32, #tpu.memory_space<vmem_shared>>
        tpu.wait_indirect_dma semaphore(%run_scoped3A_355 : memref<!tpu.dma_semaphore, #tpu.memory_space<semaphore_mem>>) src(%arg8 : memref<80x128xf32, #tpu.memory_space<vmem>>) dst(%dma_wait3A_367 : memref<10240x128xf32, #tpu.memory_space<vmem_shared>>)
        tpu.yield
      }) : () -> ()
      %add3A_341 = arith.constant 2 : i32
      %add3A_342 = arith.addi %add3A_326, %add3A_341 : i32
      %lt3A = arith.constant 125 : i32
      %lt3A_343 = arith.cmpi slt, %add3A_342, %lt3A : i32
      %convert_element_type3A = arith.extui %lt3A_343 : i1 to i32
      %cond3A = arith.constant 0 : i32
      %cond3A_344 = arith.cmpi ne, %convert_element_type3A, %cond3A : i32
      scf.if %cond3A_344 {
        %add3A_355 = arith.constant 2 : i32
        %add3A_356 = arith.addi %add3A_326, %add3A_355 : i32
        %mul3A_357 = arith.constant 80 : i32
        %mul3A_358 = arith.muli %add3A_356, %mul3A_357 : i32
        %dma_start3A_359 = tpu.memref_slice %arg6[%mul3A_358] : memref<10000xi32, #tpu.memory_space<vmem>> -> memref<80xi32, #tpu.memory_space<vmem>>
        %dma_start3A_360 = arith.constant 0 : i32
        %dma_start3A_361 = arith.constant 0 : i32
        %dma_start3A_362 = tpu.memref_slice %arg4[%dma_start3A_360, %dma_start3A_361] : memref<10000x128xf32, #tpu.memory_space<hbm>> -> memref<10000x128xf32, #tpu.memory_space<hbm>>
        tpu.enqueue_indirect_dma source(%dma_start3A_362 : memref<10000x128xf32, #tpu.memory_space<hbm>>) target(%arg8 : memref<80x128xf32, #tpu.memory_space<vmem>>) offsets(%dma_start3A_359 : memref<80xi32, #tpu.memory_space<vmem>>) semaphore(%arg13 : memref<!tpu.dma_semaphore, #tpu.memory_space<semaphore_mem>>)
      } else {
      }
      %add3A_345 = arith.constant 1 : i32
      %add3A_346 = arith.addi %add3A_326, %add3A_345 : i32
      %mul3A_347 = arith.constant 80 : i32
      %mul3A_348 = arith.muli %add3A_346, %mul3A_347 : i32
      %dma_wait3A_349 = tpu.memref_slice %arg6[%mul3A_348] : memref<10000xi32, #tpu.memory_space<vmem>> -> memref<80xi32, #tpu.memory_space<vmem>>
      %dma_wait3A_350 = arith.constant 0 : i32
      %dma_wait3A_351 = arith.constant 0 : i32
      %dma_wait3A_352 = tpu.memref_slice %arg4[%dma_wait3A_350, %dma_wait3A_351] : memref<10000x128xf32, #tpu.memory_space<hbm>> -> memref<10000x128xf32, #tpu.memory_space<hbm>>
      tpu.wait_indirect_dma semaphore(%arg14 : memref<!tpu.dma_semaphore, #tpu.memory_space<semaphore_mem>>) src(%dma_wait3A_352 : memref<10000x128xf32, #tpu.memory_space<hbm>>) dst(%arg9 : memref<80x128xf32, #tpu.memory_space<vmem>>)
      %add3A_353 = arith.constant 1 : i32
      %add3A_354 = arith.addi %add3A_326, %add3A_353 : i32
      "tpu.region"() ({
        %run_scoped3A_355 = tpu.sem_alloc : memref<!tpu.dma_semaphore, #tpu.memory_space<semaphore_mem>>
        %dma_start3A_356 = arith.constant 0 : i32
        %dma_start3A_357 = tpu.memref_slice %arg7[%add3A_354, %dma_start3A_356] : memref<125x80xi32, #tpu.memory_space<vmem>> -> memref<1x80xi32, #tpu.memory_space<vmem>>
        %dma_start3A_358 = tpu.memref_squeeze %dma_start3A_357 : memref<1x80xi32, #tpu.memory_space<vmem>> -> memref<80xi32, #tpu.memory_space<vmem>>
        %dma_start3A_359 = arith.constant 0 : i32
        %dma_start3A_360 = arith.constant 0 : i32
        %dma_start3A_361 = tpu.memref_slice %arg10[%dma_start3A_359, %dma_start3A_360] : memref<10240x128xf32, #tpu.memory_space<vmem_shared>> -> memref<10240x128xf32, #tpu.memory_space<vmem_shared>>
        tpu.enqueue_indirect_dma source(%arg9 : memref<80x128xf32, #tpu.memory_space<vmem>>) target(%dma_start3A_361 : memref<10240x128xf32, #tpu.memory_space<vmem_shared>>) offsets(%dma_start3A_358 : memref<80xi32, #tpu.memory_space<vmem>>) semaphore(%run_scoped3A_355 : memref<!tpu.dma_semaphore, #tpu.memory_space<semaphore_mem>>) {add = true}
        %dma_wait3A_362 = arith.constant 0 : i32
        %dma_wait3A_363 = tpu.memref_slice %arg7[%add3A_354, %dma_wait3A_362] : memref<125x80xi32, #tpu.memory_space<vmem>> -> memref<1x80xi32, #tpu.memory_space<vmem>>
        %dma_wait3A_364 = tpu.memref_squeeze %dma_wait3A_363 : memref<1x80xi32, #tpu.memory_space<vmem>> -> memref<80xi32, #tpu.memory_space<vmem>>
        %dma_wait3A_365 = arith.constant 0 : i32
        %dma_wait3A_366 = arith.constant 0 : i32
        %dma_wait3A_367 = tpu.memref_slice %arg10[%dma_wait3A_365, %dma_wait3A_366] : memref<10240x128xf32, #tpu.memory_space<vmem_shared>> -> memref<10240x128xf32, #tpu.memory_space<vmem_shared>>
        tpu.wait_indirect_dma semaphore(%run_scoped3A_355 : memref<!tpu.dma_semaphore, #tpu.memory_space<semaphore_mem>>) src(%arg9 : memref<80x128xf32, #tpu.memory_space<vmem>>) dst(%dma_wait3A_367 : memref<10240x128xf32, #tpu.memory_space<vmem_shared>>)
        tpu.yield
      }) : () -> ()
    }
    %scan3A_219 = arith.constant 62 : i32
    %dma_wait3A_220 = arith.constant 9920 : i32
    %dma_wait3A_221 = tpu.memref_slice %arg6[%dma_wait3A_220] : memref<10000xi32, #tpu.memory_space<vmem>> -> memref<80xi32, #tpu.memory_space<vmem>>
    %dma_wait3A_222 = arith.constant 0 : i32
    %dma_wait3A_223 = arith.constant 0 : i32
    %dma_wait3A_224 = tpu.memref_slice %arg4[%dma_wait3A_222, %dma_wait3A_223] : memref<10000x128xf32, #tpu.memory_space<hbm>> -> memref<10000x128xf32, #tpu.memory_space<hbm>>
    tpu.wait_indirect_dma semaphore(%arg13 : memref<!tpu.dma_semaphore, #tpu.memory_space<semaphore_mem>>) src(%dma_wait3A_224 : memref<10000x128xf32, #tpu.memory_space<hbm>>) dst(%arg8 : memref<80x128xf32, #tpu.memory_space<vmem>>)
    %run_scoped3A = arith.constant 124 : i32
    "tpu.region"() ({
      %run_scoped3A_322 = tpu.sem_alloc : memref<!tpu.dma_semaphore, #tpu.memory_space<semaphore_mem>>
      %dma_start3A_323 = arith.constant 0 : i32
      %dma_start3A_324 = tpu.memref_slice %arg7[%run_scoped3A, %dma_start3A_323] : memref<125x80xi32, #tpu.memory_space<vmem>> -> memref<1x80xi32, #tpu.memory_space<vmem>>
      %dma_start3A_325 = tpu.memref_squeeze %dma_start3A_324 : memref<1x80xi32, #tpu.memory_space<vmem>> -> memref<80xi32, #tpu.memory_space<vmem>>
      %dma_start3A_326 = arith.constant 0 : i32
      %dma_start3A_327 = arith.constant 0 : i32
      %dma_start3A_328 = tpu.memref_slice %arg10[%dma_start3A_326, %dma_start3A_327] : memref<10240x128xf32, #tpu.memory_space<vmem_shared>> -> memref<10240x128xf32, #tpu.memory_space<vmem_shared>>
      tpu.enqueue_indirect_dma source(%arg8 : memref<80x128xf32, #tpu.memory_space<vmem>>) target(%dma_start3A_328 : memref<10240x128xf32, #tpu.memory_space<vmem_shared>>) offsets(%dma_start3A_325 : memref<80xi32, #tpu.memory_space<vmem>>) semaphore(%run_scoped3A_322 : memref<!tpu.dma_semaphore, #tpu.memory_space<semaphore_mem>>) {add = true}
      %dma_wait3A_329 = arith.constant 0 : i32
      %dma_wait3A_330 = tpu.memref_slice %arg7[%run_scoped3A, %dma_wait3A_329] : memref<125x80xi32, #tpu.memory_space<vmem>> -> memref<1x80xi32, #tpu.memory_space<vmem>>
      %dma_wait3A_331 = tpu.memref_squeeze %dma_wait3A_330 : memref<1x80xi32, #tpu.memory_space<vmem>> -> memref<80xi32, #tpu.memory_space<vmem>>
      %dma_wait3A_332 = arith.constant 0 : i32
      %dma_wait3A_333 = arith.constant 0 : i32
      %dma_wait3A_334 = tpu.memref_slice %arg10[%dma_wait3A_332, %dma_wait3A_333] : memref<10240x128xf32, #tpu.memory_space<vmem_shared>> -> memref<10240x128xf32, #tpu.memory_space<vmem_shared>>
      tpu.wait_indirect_dma semaphore(%run_scoped3A_322 : memref<!tpu.dma_semaphore, #tpu.memory_space<semaphore_mem>>) src(%arg8 : memref<80x128xf32, #tpu.memory_space<vmem>>) dst(%dma_wait3A_334 : memref<10240x128xf32, #tpu.memory_space<vmem_shared>>)
      tpu.yield
    }) : () -> ()
    %barrier3A_225 = arith.constant 0 : index
    tpu.barrier barrier_id(%barrier3A_225)
    %add3A_226 = arith.constant 0 : i32
    %add3A_227 = arith.addi %mul3A_20, %add3A_226 : i32
    %dma_start3A_228 = arith.constant 0 : i32
    %dma_start3A_229 = tpu.memref_slice %arg5[%arg0, %add3A_227, %dma_start3A_228] : memref<2x10240x128xf32, #tpu.memory_space<hbm>> -> memref<1x80x128xf32, #tpu.memory_space<hbm>>
    %dma_start3A_230 = tpu.memref_squeeze %dma_start3A_229 : memref<1x80x128xf32, #tpu.memory_space<hbm>> -> memref<80x128xf32, #tpu.memory_space<hbm>>
    %dma_start3A_231 = arith.constant 0 : i32
    %dma_start3A_232 = tpu.memref_slice %arg10[%add3A_227, %dma_start3A_231] : memref<10240x128xf32, #tpu.memory_space<vmem_shared>> -> memref<80x128xf32, #tpu.memory_space<vmem_shared>>
    tpu.enqueue_dma source(%dma_start3A_232 : memref<80x128xf32, #tpu.memory_space<vmem_shared>>) target(%dma_start3A_230 : memref<80x128xf32, #tpu.memory_space<hbm>>) target_semaphore(%arg11 : memref<!tpu.dma_semaphore, #tpu.memory_space<semaphore_mem>>)
    %add3A_233 = arith.constant 80 : i32
    %add3A_234 = arith.addi %mul3A_20, %add3A_233 : i32
    %dma_start3A_235 = arith.constant 0 : i32
    %dma_start3A_236 = tpu.memref_slice %arg5[%arg0, %add3A_234, %dma_start3A_235] : memref<2x10240x128xf32, #tpu.memory_space<hbm>> -> memref<1x80x128xf32, #tpu.memory_space<hbm>>
    %dma_start3A_237 = tpu.memref_squeeze %dma_start3A_236 : memref<1x80x128xf32, #tpu.memory_space<hbm>> -> memref<80x128xf32, #tpu.memory_space<hbm>>
    %dma_start3A_238 = arith.constant 0 : i32
    %dma_start3A_239 = tpu.memref_slice %arg10[%add3A_234, %dma_start3A_238] : memref<10240x128xf32, #tpu.memory_space<vmem_shared>> -> memref<80x128xf32, #tpu.memory_space<vmem_shared>>
    tpu.enqueue_dma source(%dma_start3A_239 : memref<80x128xf32, #tpu.memory_space<vmem_shared>>) target(%dma_start3A_237 : memref<80x128xf32, #tpu.memory_space<hbm>>) target_semaphore(%arg11 : memref<!tpu.dma_semaphore, #tpu.memory_space<semaphore_mem>>)
    %add3A_240 = arith.constant 160 : i32
    %add3A_241 = arith.addi %mul3A_20, %add3A_240 : i32
    %dma_start3A_242 = arith.constant 0 : i32
    %dma_start3A_243 = tpu.memref_slice %arg5[%arg0, %add3A_241, %dma_start3A_242] : memref<2x10240x128xf32, #tpu.memory_space<hbm>> -> memref<1x80x128xf32, #tpu.memory_space<hbm>>
    %dma_start3A_244 = tpu.memref_squeeze %dma_start3A_243 : memref<1x80x128xf32, #tpu.memory_space<hbm>> -> memref<80x128xf32, #tpu.memory_space<hbm>>
    %dma_start3A_245 = arith.constant 0 : i32
    %dma_start3A_246 = tpu.memref_slice %arg10[%add3A_241, %dma_start3A_245] : memref<10240x128xf32, #tpu.memory_space<vmem_shared>> -> memref<80x128xf32, #tpu.memory_space<vmem_shared>>
    tpu.enqueue_dma source(%dma_start3A_246 : memref<80x128xf32, #tpu.memory_space<vmem_shared>>) target(%dma_start3A_244 : memref<80x128xf32, #tpu.memory_space<hbm>>) target_semaphore(%arg11 : memref<!tpu.dma_semaphore, #tpu.memory_space<semaphore_mem>>)
    %add3A_247 = arith.constant 240 : i32
    %add3A_248 = arith.addi %mul3A_20, %add3A_247 : i32
    %dma_start3A_249 = arith.constant 0 : i32
    %dma_start3A_250 = tpu.memref_slice %arg5[%arg0, %add3A_248, %dma_start3A_249] : memref<2x10240x128xf32, #tpu.memory_space<hbm>> -> memref<1x80x128xf32, #tpu.memory_space<hbm>>
    %dma_start3A_251 = tpu.memref_squeeze %dma_start3A_250 : memref<1x80x128xf32, #tpu.memory_space<hbm>> -> memref<80x128xf32, #tpu.memory_space<hbm>>
    %dma_start3A_252 = arith.constant 0 : i32
    %dma_start3A_253 = tpu.memref_slice %arg10[%add3A_248, %dma_start3A_252] : memref<10240x128xf32, #tpu.memory_space<vmem_shared>> -> memref<80x128xf32, #tpu.memory_space<vmem_shared>>
    tpu.enqueue_dma source(%dma_start3A_253 : memref<80x128xf32, #tpu.memory_space<vmem_shared>>) target(%dma_start3A_251 : memref<80x128xf32, #tpu.memory_space<hbm>>) target_semaphore(%arg11 : memref<!tpu.dma_semaphore, #tpu.memory_space<semaphore_mem>>)
    %add3A_254 = arith.constant 320 : i32
    %add3A_255 = arith.addi %mul3A_20, %add3A_254 : i32
    %dma_start3A_256 = arith.constant 0 : i32
    %dma_start3A_257 = tpu.memref_slice %arg5[%arg0, %add3A_255, %dma_start3A_256] : memref<2x10240x128xf32, #tpu.memory_space<hbm>> -> memref<1x80x128xf32, #tpu.memory_space<hbm>>
    %dma_start3A_258 = tpu.memref_squeeze %dma_start3A_257 : memref<1x80x128xf32, #tpu.memory_space<hbm>> -> memref<80x128xf32, #tpu.memory_space<hbm>>
    %dma_start3A_259 = arith.constant 0 : i32
    %dma_start3A_260 = tpu.memref_slice %arg10[%add3A_255, %dma_start3A_259] : memref<10240x128xf32, #tpu.memory_space<vmem_shared>> -> memref<80x128xf32, #tpu.memory_space<vmem_shared>>
    tpu.enqueue_dma source(%dma_start3A_260 : memref<80x128xf32, #tpu.memory_space<vmem_shared>>) target(%dma_start3A_258 : memref<80x128xf32, #tpu.memory_space<hbm>>) target_semaphore(%arg11 : memref<!tpu.dma_semaphore, #tpu.memory_space<semaphore_mem>>)
    %add3A_261 = arith.constant 400 : i32
    %add3A_262 = arith.addi %mul3A_20, %add3A_261 : i32
    %dma_start3A_263 = arith.constant 0 : i32
    %dma_start3A_264 = tpu.memref_slice %arg5[%arg0, %add3A_262, %dma_start3A_263] : memref<2x10240x128xf32, #tpu.memory_space<hbm>> -> memref<1x80x128xf32, #tpu.memory_space<hbm>>
    %dma_start3A_265 = tpu.memref_squeeze %dma_start3A_264 : memref<1x80x128xf32, #tpu.memory_space<hbm>> -> memref<80x128xf32, #tpu.memory_space<hbm>>
    %dma_start3A_266 = arith.constant 0 : i32
    %dma_start3A_267 = tpu.memref_slice %arg10[%add3A_262, %dma_start3A_266] : memref<10240x128xf32, #tpu.memory_space<vmem_shared>> -> memref<80x128xf32, #tpu.memory_space<vmem_shared>>
    tpu.enqueue_dma source(%dma_start3A_267 : memref<80x128xf32, #tpu.memory_space<vmem_shared>>) target(%dma_start3A_265 : memref<80x128xf32, #tpu.memory_space<hbm>>) target_semaphore(%arg11 : memref<!tpu.dma_semaphore, #tpu.memory_space<semaphore_mem>>)
    %add3A_268 = arith.constant 480 : i32
    %add3A_269 = arith.addi %mul3A_20, %add3A_268 : i32
    %dma_start3A_270 = arith.constant 0 : i32
    %dma_start3A_271 = tpu.memref_slice %arg5[%arg0, %add3A_269, %dma_start3A_270] : memref<2x10240x128xf32, #tpu.memory_space<hbm>> -> memref<1x80x128xf32, #tpu.memory_space<hbm>>
    %dma_start3A_272 = tpu.memref_squeeze %dma_start3A_271 : memref<1x80x128xf32, #tpu.memory_space<hbm>> -> memref<80x128xf32, #tpu.memory_space<hbm>>
    %dma_start3A_273 = arith.constant 0 : i32
    %dma_start3A_274 = tpu.memref_slice %arg10[%add3A_269, %dma_start3A_273] : memref<10240x128xf32, #tpu.memory_space<vmem_shared>> -> memref<80x128xf32, #tpu.memory_space<vmem_shared>>
    tpu.enqueue_dma source(%dma_start3A_274 : memref<80x128xf32, #tpu.memory_space<vmem_shared>>) target(%dma_start3A_272 : memref<80x128xf32, #tpu.memory_space<hbm>>) target_semaphore(%arg11 : memref<!tpu.dma_semaphore, #tpu.memory_space<semaphore_mem>>)
    %add3A_275 = arith.constant 560 : i32
    %add3A_276 = arith.addi %mul3A_20, %add3A_275 : i32
    %dma_start3A_277 = arith.constant 0 : i32
    %dma_start3A_278 = tpu.memref_slice %arg5[%arg0, %add3A_276, %dma_start3A_277] : memref<2x10240x128xf32, #tpu.memory_space<hbm>> -> memref<1x80x128xf32, #tpu.memory_space<hbm>>
    %dma_start3A_279 = tpu.memref_squeeze %dma_start3A_278 : memref<1x80x128xf32, #tpu.memory_space<hbm>> -> memref<80x128xf32, #tpu.memory_space<hbm>>
    %dma_start3A_280 = arith.constant 0 : i32
    %dma_start3A_281 = tpu.memref_slice %arg10[%add3A_276, %dma_start3A_280] : memref<10240x128xf32, #tpu.memory_space<vmem_shared>> -> memref<80x128xf32, #tpu.memory_space<vmem_shared>>
    tpu.enqueue_dma source(%dma_start3A_281 : memref<80x128xf32, #tpu.memory_space<vmem_shared>>) target(%dma_start3A_279 : memref<80x128xf32, #tpu.memory_space<hbm>>) target_semaphore(%arg11 : memref<!tpu.dma_semaphore, #tpu.memory_space<semaphore_mem>>)
    %dma_wait3A_282 = arith.constant 0 : i32
    %dma_wait3A_283 = tpu.memref_slice %arg5[%arg0, %mul3A_20, %dma_wait3A_282] : memref<2x10240x128xf32, #tpu.memory_space<hbm>> -> memref<1x80x128xf32, #tpu.memory_space<hbm>>
    %dma_wait3A_284 = tpu.memref_squeeze %dma_wait3A_283 : memref<1x80x128xf32, #tpu.memory_space<hbm>> -> memref<80x128xf32, #tpu.memory_space<hbm>>
    %dma_wait3A_285 = arith.constant 0 : i32
    %dma_wait3A_286 = tpu.memref_slice %arg10[%mul3A_20, %dma_wait3A_285] : memref<10240x128xf32, #tpu.memory_space<vmem_shared>> -> memref<80x128xf32, #tpu.memory_space<vmem_shared>>
    tpu.wait_dma2 semaphore(%arg11 : memref<!tpu.dma_semaphore, #tpu.memory_space<semaphore_mem>>) src(%dma_wait3A_286 : memref<80x128xf32, #tpu.memory_space<vmem_shared>>) dst(%dma_wait3A_284 : memref<80x128xf32, #tpu.memory_space<hbm>>)
    %dma_wait3A_287 = arith.constant 0 : i32
    %dma_wait3A_288 = tpu.memref_slice %arg5[%arg0, %mul3A_20, %dma_wait3A_287] : memref<2x10240x128xf32, #tpu.memory_space<hbm>> -> memref<1x80x128xf32, #tpu.memory_space<hbm>>
    %dma_wait3A_289 = tpu.memref_squeeze %dma_wait3A_288 : memref<1x80x128xf32, #tpu.memory_space<hbm>> -> memref<80x128xf32, #tpu.memory_space<hbm>>
    %dma_wait3A_290 = arith.constant 0 : i32
    %dma_wait3A_291 = tpu.memref_slice %arg10[%mul3A_20, %dma_wait3A_290] : memref<10240x128xf32, #tpu.memory_space<vmem_shared>> -> memref<80x128xf32, #tpu.memory_space<vmem_shared>>
    tpu.wait_dma2 semaphore(%arg11 : memref<!tpu.dma_semaphore, #tpu.memory_space<semaphore_mem>>) src(%dma_wait3A_291 : memref<80x128xf32, #tpu.memory_space<vmem_shared>>) dst(%dma_wait3A_289 : memref<80x128xf32, #tpu.memory_space<hbm>>)
    %dma_wait3A_292 = arith.constant 0 : i32
    %dma_wait3A_293 = tpu.memref_slice %arg5[%arg0, %mul3A_20, %dma_wait3A_292] : memref<2x10240x128xf32, #tpu.memory_space<hbm>> -> memref<1x80x128xf32, #tpu.memory_space<hbm>>
    %dma_wait3A_294 = tpu.memref_squeeze %dma_wait3A_293 : memref<1x80x128xf32, #tpu.memory_space<hbm>> -> memref<80x128xf32, #tpu.memory_space<hbm>>
    %dma_wait3A_295 = arith.constant 0 : i32
    %dma_wait3A_296 = tpu.memref_slice %arg10[%mul3A_20, %dma_wait3A_295] : memref<10240x128xf32, #tpu.memory_space<vmem_shared>> -> memref<80x128xf32, #tpu.memory_space<vmem_shared>>
    tpu.wait_dma2 semaphore(%arg11 : memref<!tpu.dma_semaphore, #tpu.memory_space<semaphore_mem>>) src(%dma_wait3A_296 : memref<80x128xf32, #tpu.memory_space<vmem_shared>>) dst(%dma_wait3A_294 : memref<80x128xf32, #tpu.memory_space<hbm>>)
    %dma_wait3A_297 = arith.constant 0 : i32
    %dma_wait3A_298 = tpu.memref_slice %arg5[%arg0, %mul3A_20, %dma_wait3A_297] : memref<2x10240x128xf32, #tpu.memory_space<hbm>> -> memref<1x80x128xf32, #tpu.memory_space<hbm>>
    %dma_wait3A_299 = tpu.memref_squeeze %dma_wait3A_298 : memref<1x80x128xf32, #tpu.memory_space<hbm>> -> memref<80x128xf32, #tpu.memory_space<hbm>>
    %dma_wait3A_300 = arith.constant 0 : i32
    %dma_wait3A_301 = tpu.memref_slice %arg10[%mul3A_20, %dma_wait3A_300] : memref<10240x128xf32, #tpu.memory_space<vmem_shared>> -> memref<80x128xf32, #tpu.memory_space<vmem_shared>>
    tpu.wait_dma2 semaphore(%arg11 : memref<!tpu.dma_semaphore, #tpu.memory_space<semaphore_mem>>) src(%dma_wait3A_301 : memref<80x128xf32, #tpu.memory_space<vmem_shared>>) dst(%dma_wait3A_299 : memref<80x128xf32, #tpu.memory_space<hbm>>)
    %dma_wait3A_302 = arith.constant 0 : i32
    %dma_wait3A_303 = tpu.memref_slice %arg5[%arg0, %mul3A_20, %dma_wait3A_302] : memref<2x10240x128xf32, #tpu.memory_space<hbm>> -> memref<1x80x128xf32, #tpu.memory_space<hbm>>
    %dma_wait3A_304 = tpu.memref_squeeze %dma_wait3A_303 : memref<1x80x128xf32, #tpu.memory_space<hbm>> -> memref<80x128xf32, #tpu.memory_space<hbm>>
    %dma_wait3A_305 = arith.constant 0 : i32
    %dma_wait3A_306 = tpu.memref_slice %arg10[%mul3A_20, %dma_wait3A_305] : memref<10240x128xf32, #tpu.memory_space<vmem_shared>> -> memref<80x128xf32, #tpu.memory_space<vmem_shared>>
    tpu.wait_dma2 semaphore(%arg11 : memref<!tpu.dma_semaphore, #tpu.memory_space<semaphore_mem>>) src(%dma_wait3A_306 : memref<80x128xf32, #tpu.memory_space<vmem_shared>>) dst(%dma_wait3A_304 : memref<80x128xf32, #tpu.memory_space<hbm>>)
    %dma_wait3A_307 = arith.constant 0 : i32
    %dma_wait3A_308 = tpu.memref_slice %arg5[%arg0, %mul3A_20, %dma_wait3A_307] : memref<2x10240x128xf32, #tpu.memory_space<hbm>> -> memref<1x80x128xf32, #tpu.memory_space<hbm>>
    %dma_wait3A_309 = tpu.memref_squeeze %dma_wait3A_308 : memref<1x80x128xf32, #tpu.memory_space<hbm>> -> memref<80x128xf32, #tpu.memory_space<hbm>>
    %dma_wait3A_310 = arith.constant 0 : i32
    %dma_wait3A_311 = tpu.memref_slice %arg10[%mul3A_20, %dma_wait3A_310] : memref<10240x128xf32, #tpu.memory_space<vmem_shared>> -> memref<80x128xf32, #tpu.memory_space<vmem_shared>>
    tpu.wait_dma2 semaphore(%arg11 : memref<!tpu.dma_semaphore, #tpu.memory_space<semaphore_mem>>) src(%dma_wait3A_311 : memref<80x128xf32, #tpu.memory_space<vmem_shared>>) dst(%dma_wait3A_309 : memref<80x128xf32, #tpu.memory_space<hbm>>)
    %dma_wait3A_312 = arith.constant 0 : i32
    %dma_wait3A_313 = tpu.memref_slice %arg5[%arg0, %mul3A_20, %dma_wait3A_312] : memref<2x10240x128xf32, #tpu.memory_space<hbm>> -> memref<1x80x128xf32, #tpu.memory_space<hbm>>
    %dma_wait3A_314 = tpu.memref_squeeze %dma_wait3A_313 : memref<1x80x128xf32, #tpu.memory_space<hbm>> -> memref<80x128xf32, #tpu.memory_space<hbm>>
    %dma_wait3A_315 = arith.constant 0 : i32
    %dma_wait3A_316 = tpu.memref_slice %arg10[%mul3A_20, %dma_wait3A_315] : memref<10240x128xf32, #tpu.memory_space<vmem_shared>> -> memref<80x128xf32, #tpu.memory_space<vmem_shared>>
    tpu.wait_dma2 semaphore(%arg11 : memref<!tpu.dma_semaphore, #tpu.memory_space<semaphore_mem>>) src(%dma_wait3A_316 : memref<80x128xf32, #tpu.memory_space<vmem_shared>>) dst(%dma_wait3A_314 : memref<80x128xf32, #tpu.memory_space<hbm>>)
    %dma_wait3A_317 = arith.constant 0 : i32
    %dma_wait3A_318 = tpu.memref_slice %arg5[%arg0, %mul3A_20, %dma_wait3A_317] : memref<2x10240x128xf32, #tpu.memory_space<hbm>> -> memref<1x80x128xf32, #tpu.memory_space<hbm>>
    %dma_wait3A_319 = tpu.memref_squeeze %dma_wait3A_318 : memref<1x80x128xf32, #tpu.memory_space<hbm>> -> memref<80x128xf32, #tpu.memory_space<hbm>>
    %dma_wait3A_320 = arith.constant 0 : i32
    %dma_wait3A_321 = tpu.memref_slice %arg10[%mul3A_20, %dma_wait3A_320] : memref<10240x128xf32, #tpu.memory_space<vmem_shared>> -> memref<80x128xf32, #tpu.memory_space<vmem_shared>>
    tpu.wait_dma2 semaphore(%arg11 : memref<!tpu.dma_semaphore, #tpu.memory_space<semaphore_mem>>) src(%dma_wait3A_321 : memref<80x128xf32, #tpu.memory_space<vmem_shared>>) dst(%dma_wait3A_319 : memref<80x128xf32, #tpu.memory_space<hbm>>)
    return
  }
}

module attributes {stable_mosaic.version = 14 : i64} {
  func.func @_first_body(%arg0: i32, %arg1: memref<2000x128xf32, #tpu.memory_space<vmem>>, %arg2: memref<128x128xf32, #tpu.memory_space<vmem>>, %arg3: memref<2000x1xf32, #tpu.memory_space<vmem>>, %arg4: memref<2000x128xf32, #tpu.memory_space<vmem>>) attributes {dimension_semantics = [#tpu.dimension_semantics<arbitrary>], iteration_bounds = array<i64: 5>, scalar_prefetch = 0 : i64, scratch_operands = 0 : i64, tpu.core_type = #tpu.core_type<tc>, window_params = [{transform_indices = @transform_0, window_bounds = array<i64: 2000, 128>}, {pipeline_mode = #tpu.pipeline_mode<synchronous>, transform_indices = @transform_1, window_bounds = array<i64: 128, 128>}, {transform_indices = @transform_2, window_bounds = array<i64: 2000, 1>}, {transform_indices = @transform_3, window_bounds = array<i64: 2000, 128>}]} {
    %get3A = arith.constant 0 : index
    %get3A_0 = arith.constant 0 : index
    %get3A_1 = vector.load %arg1[%get3A, %get3A_0] : memref<2000x128xf32, #tpu.memory_space<vmem>>, vector<2000x128xf32>
    %get3A_2 = arith.constant 0 : index
    %get3A_3 = arith.constant 0 : index
    %get3A_4 = vector.load %arg2[%get3A_2, %get3A_3] : memref<128x128xf32, #tpu.memory_space<vmem>>, vector<128x128xf32>
    %dot_general3A = arith.constant dense<0.000000e+00> : vector<2000x128xf32>
    %dot_general3A_5 = tpu.matmul %get3A_1, %get3A_4, %dot_general3A {dimension_numbers = #tpu.dot_dimension_numbers<[1], [0], [0], [1], [0, 0, 1, 1], [], []>, transpose_lhs_hint = false} : vector<2000x128xf32>, vector<128x128xf32>, vector<2000x128xf32> -> vector<2000x128xf32>
    %get3A_6 = arith.constant 0 : index
    %get3A_7 = arith.constant 0 : index
    %get3A_8 = vector.load %arg3[%get3A_6, %get3A_7] : memref<2000x1xf32, #tpu.memory_space<vmem>>, vector<2000x1xf32>
    %mul3A = vector.broadcast %get3A_8 : vector<2000x1xf32> to vector<2000x128xf32>
    %mul3A_9 = arith.mulf %dot_general3A_5, %mul3A : vector<2000x128xf32>
    %swap3A = arith.constant 0 : index
    %swap3A_10 = arith.constant 0 : index
    %swap3A_11 = vector.load %arg4[%swap3A, %swap3A_10] : memref<2000x128xf32, #tpu.memory_space<vmem>>, vector<2000x128xf32>
    tpu.vector_store %arg4[%swap3A, %swap3A_10], %mul3A_9 {strides = array<i32>} : memref<2000x128xf32, #tpu.memory_space<vmem>>, vector<2000x128xf32>,
    return
  }
  func.func @transform_0(%arg0: i32) -> (i32, i32) {
    %c0_i32 = arith.constant 0 : i32
    %c0_i32_0 = arith.constant 0 : i32
    return %arg0, %c0_i32 : i32, i32
  }
  func.func @transform_1(%arg0: i32) -> (i32, i32) {
    %c0_i32 = arith.constant 0 : i32
    %c0_i32_0 = arith.constant 0 : i32
    %c0_i32_1 = arith.constant 0 : i32
    return %c0_i32, %c0_i32_0 : i32, i32
  }
  func.func @transform_2(%arg0: i32) -> (i32, i32) {
    %c0_i32 = arith.constant 0 : i32
    %c0_i32_0 = arith.constant 0 : i32
    return %arg0, %c0_i32 : i32, i32
  }
  func.func @transform_3(%arg0: i32) -> (i32, i32) {
    %c0_i32 = arith.constant 0 : i32
    %c0_i32_0 = arith.constant 0 : i32
    return %arg0, %c0_i32 : i32, i32
  }
}

module attributes {stable_mosaic.version = 14 : i64} {
  func.func @_comb_body(%arg0: i32, %arg1: memref<2x2000x128xf32, #tpu.memory_space<vmem>>, %arg2: memref<2000x1xf32, #tpu.memory_space<vmem>>, %arg3: memref<1x128xf32, #tpu.memory_space<vmem>>, %arg4: memref<128x128xf32, #tpu.memory_space<vmem>>, %arg5: memref<2000x128xf32, #tpu.memory_space<vmem>>) attributes {dimension_semantics = [#tpu.dimension_semantics<arbitrary>], iteration_bounds = array<i64: 5>, scalar_prefetch = 0 : i64, scratch_operands = 0 : i64, tpu.core_type = #tpu.core_type<tc>, window_params = [{transform_indices = @transform_0, window_bounds = array<i64: 2, 2000, 128>}, {transform_indices = @transform_1, window_bounds = array<i64: 2000, 1>}, {pipeline_mode = #tpu.pipeline_mode<synchronous>, transform_indices = @transform_2, window_bounds = array<i64: 1, 128>}, {pipeline_mode = #tpu.pipeline_mode<synchronous>, transform_indices = @transform_3, window_bounds = array<i64: 128, 128>}, {transform_indices = @transform_4, window_bounds = array<i64: 2000, 128>}]} {
    %get3A = arith.constant 0 : index
    %get3A_0 = arith.constant 0 : index
    %get3A_1 = arith.constant 0 : index
    %get3A_2 = vector.load %arg1[%get3A, %get3A_0, %get3A_1] : memref<2x2000x128xf32, #tpu.memory_space<vmem>>, vector<1x2000x128xf32>
    %get3A_3 = vector.shape_cast %get3A_2 : vector<1x2000x128xf32> to vector<2000x128xf32>
    %get3A_4 = arith.constant 1 : index
    %get3A_5 = arith.constant 0 : index
    %get3A_6 = arith.constant 0 : index
    %get3A_7 = vector.load %arg1[%get3A_4, %get3A_5, %get3A_6] : memref<2x2000x128xf32, #tpu.memory_space<vmem>>, vector<1x2000x128xf32>
    %get3A_8 = vector.shape_cast %get3A_7 : vector<1x2000x128xf32> to vector<2000x128xf32>
    %add3A = arith.addf %get3A_3, %get3A_8 : vector<2000x128xf32>
    %get3A_9 = arith.constant 0 : index
    %get3A_10 = arith.constant 0 : index
    %get3A_11 = vector.load %arg2[%get3A_9, %get3A_10] : memref<2000x1xf32, #tpu.memory_space<vmem>>, vector<2000x1xf32>
    %mul3A = vector.broadcast %get3A_11 : vector<2000x1xf32> to vector<2000x128xf32>
    %mul3A_12 = arith.mulf %add3A, %mul3A : vector<2000x128xf32>
    %get3A_13 = arith.constant 0 : index
    %get3A_14 = arith.constant 0 : index
    %get3A_15 = vector.load %arg3[%get3A_13, %get3A_14] : memref<1x128xf32, #tpu.memory_space<vmem>>, vector<1x128xf32>
    %add3A_16 = vector.broadcast %get3A_15 : vector<1x128xf32> to vector<2000x128xf32>
    %add3A_17 = arith.addf %mul3A_12, %add3A_16 : vector<2000x128xf32>
    %get3A_18 = arith.constant 0 : index
    %get3A_19 = arith.constant 0 : index
    %get3A_20 = vector.load %arg4[%get3A_18, %get3A_19] : memref<128x128xf32, #tpu.memory_space<vmem>>, vector<128x128xf32>
    %dot_general3A = arith.constant dense<0.000000e+00> : vector<2000x128xf32>
    %dot_general3A_21 = tpu.matmul %add3A_17, %get3A_20, %dot_general3A {dimension_numbers = #tpu.dot_dimension_numbers<[1], [0], [0], [1], [0, 0, 1, 1], [], []>, transpose_lhs_hint = false} : vector<2000x128xf32>, vector<128x128xf32>, vector<2000x128xf32> -> vector<2000x128xf32>
    %get3A_22 = arith.constant 0 : index
    %get3A_23 = arith.constant 0 : index
    %get3A_24 = vector.load %arg2[%get3A_22, %get3A_23] : memref<2000x1xf32, #tpu.memory_space<vmem>>, vector<2000x1xf32>
    %mul3A_25 = vector.broadcast %get3A_24 : vector<2000x1xf32> to vector<2000x128xf32>
    %mul3A_26 = arith.mulf %dot_general3A_21, %mul3A_25 : vector<2000x128xf32>
    %swap3A = arith.constant 0 : index
    %swap3A_27 = arith.constant 0 : index
    %swap3A_28 = vector.load %arg5[%swap3A, %swap3A_27] : memref<2000x128xf32, #tpu.memory_space<vmem>>, vector<2000x128xf32>
    tpu.vector_store %arg5[%swap3A, %swap3A_27], %mul3A_26 {strides = array<i32>} : memref<2000x128xf32, #tpu.memory_space<vmem>>, vector<2000x128xf32>,
    return
  }
  func.func @transform_0(%arg0: i32) -> (i32, i32, i32) {
    %c0_i32 = arith.constant 0 : i32
    %c0_i32_0 = arith.constant 0 : i32
    %c0_i32_1 = arith.constant 0 : i32
    return %c0_i32, %arg0, %c0_i32_0 : i32, i32, i32
  }
  func.func @transform_1(%arg0: i32) -> (i32, i32) {
    %c0_i32 = arith.constant 0 : i32
    %c0_i32_0 = arith.constant 0 : i32
    return %arg0, %c0_i32 : i32, i32
  }
  func.func @transform_2(%arg0: i32) -> (i32, i32) {
    %c0_i32 = arith.constant 0 : i32
    %c0_i32_0 = arith.constant 0 : i32
    %c0_i32_1 = arith.constant 0 : i32
    return %c0_i32, %c0_i32_0 : i32, i32
  }
  func.func @transform_3(%arg0: i32) -> (i32, i32) {
    %c0_i32 = arith.constant 0 : i32
    %c0_i32_0 = arith.constant 0 : i32
    %c0_i32_1 = arith.constant 0 : i32
    return %c0_i32, %c0_i32_0 : i32, i32
  }
  func.func @transform_4(%arg0: i32) -> (i32, i32) {
    %c0_i32 = arith.constant 0 : i32
    %c0_i32_0 = arith.constant 0 : i32
    return %arg0, %c0_i32 : i32, i32
  }
}

module attributes {stable_mosaic.version = 14 : i64} {
  func.func @_scale_body(%arg0: i32, %arg1: memref<2x2000x128xf32, #tpu.memory_space<vmem>>, %arg2: memref<2000x1xf32, #tpu.memory_space<vmem>>, %arg3: memref<1x128xf32, #tpu.memory_space<vmem>>, %arg4: memref<2000x128xf32, #tpu.memory_space<vmem>>) attributes {dimension_semantics = [#tpu.dimension_semantics<arbitrary>], iteration_bounds = array<i64: 5>, scalar_prefetch = 0 : i64, scratch_operands = 0 : i64, tpu.core_type = #tpu.core_type<tc>, window_params = [{transform_indices = @transform_0, window_bounds = array<i64: 2, 2000, 128>}, {transform_indices = @transform_1, window_bounds = array<i64: 2000, 1>}, {pipeline_mode = #tpu.pipeline_mode<synchronous>, transform_indices = @transform_2, window_bounds = array<i64: 1, 128>}, {transform_indices = @transform_3, window_bounds = array<i64: 2000, 128>}]} {
    %get3A = arith.constant 0 : index
    %get3A_0 = arith.constant 0 : index
    %get3A_1 = arith.constant 0 : index
    %get3A_2 = vector.load %arg1[%get3A, %get3A_0, %get3A_1] : memref<2x2000x128xf32, #tpu.memory_space<vmem>>, vector<1x2000x128xf32>
    %get3A_3 = vector.shape_cast %get3A_2 : vector<1x2000x128xf32> to vector<2000x128xf32>
    %get3A_4 = arith.constant 1 : index
    %get3A_5 = arith.constant 0 : index
    %get3A_6 = arith.constant 0 : index
    %get3A_7 = vector.load %arg1[%get3A_4, %get3A_5, %get3A_6] : memref<2x2000x128xf32, #tpu.memory_space<vmem>>, vector<1x2000x128xf32>
    %get3A_8 = vector.shape_cast %get3A_7 : vector<1x2000x128xf32> to vector<2000x128xf32>
    %add3A = arith.addf %get3A_3, %get3A_8 : vector<2000x128xf32>
    %get3A_9 = arith.constant 0 : index
    %get3A_10 = arith.constant 0 : index
    %get3A_11 = vector.load %arg2[%get3A_9, %get3A_10] : memref<2000x1xf32, #tpu.memory_space<vmem>>, vector<2000x1xf32>
    %mul3A = vector.broadcast %get3A_11 : vector<2000x1xf32> to vector<2000x128xf32>
    %mul3A_12 = arith.mulf %add3A, %mul3A : vector<2000x128xf32>
    %get3A_13 = arith.constant 0 : index
    %get3A_14 = arith.constant 0 : index
    %get3A_15 = vector.load %arg3[%get3A_13, %get3A_14] : memref<1x128xf32, #tpu.memory_space<vmem>>, vector<1x128xf32>
    %add3A_16 = vector.broadcast %get3A_15 : vector<1x128xf32> to vector<2000x128xf32>
    %add3A_17 = arith.addf %mul3A_12, %add3A_16 : vector<2000x128xf32>
    %get3A_18 = arith.constant 0 : index
    %get3A_19 = arith.constant 0 : index
    %get3A_20 = vector.load %arg2[%get3A_18, %get3A_19] : memref<2000x1xf32, #tpu.memory_space<vmem>>, vector<2000x1xf32>
    %mul3A_21 = vector.broadcast %get3A_20 : vector<2000x1xf32> to vector<2000x128xf32>
    %mul3A_22 = arith.mulf %add3A_17, %mul3A_21 : vector<2000x128xf32>
    %swap3A = arith.constant 0 : index
    %swap3A_23 = arith.constant 0 : index
    %swap3A_24 = vector.load %arg4[%swap3A, %swap3A_23] : memref<2000x128xf32, #tpu.memory_space<vmem>>, vector<2000x128xf32>
    tpu.vector_store %arg4[%swap3A, %swap3A_23], %mul3A_22 {strides = array<i32>} : memref<2000x128xf32, #tpu.memory_space<vmem>>, vector<2000x128xf32>,
    return
  }
  func.func @transform_0(%arg0: i32) -> (i32, i32, i32) {
    %c0_i32 = arith.constant 0 : i32
    %c0_i32_0 = arith.constant 0 : i32
    %c0_i32_1 = arith.constant 0 : i32
    return %c0_i32, %arg0, %c0_i32_0 : i32, i32, i32
  }
  func.func @transform_1(%arg0: i32) -> (i32, i32) {
    %c0_i32 = arith.constant 0 : i32
    %c0_i32_0 = arith.constant 0 : i32
    return %arg0, %c0_i32 : i32, i32
  }
  func.func @transform_2(%arg0: i32) -> (i32, i32) {
    %c0_i32 = arith.constant 0 : i32
    %c0_i32_0 = arith.constant 0 : i32
    %c0_i32_1 = arith.constant 0 : i32
    return %c0_i32, %c0_i32_0 : i32, i32
  }
  func.func @transform_3(%arg0: i32) -> (i32, i32) {
    %c0_i32 = arith.constant 0 : i32
    %c0_i32_0 = arith.constant 0 : i32
    return %arg0, %c0_i32 : i32, i32
  }
}

module attributes {stable_mosaic.version = 14 : i64} {
  func.func @_finmm_body(%arg0: i32, %arg1: memref<2x2000x128xf32, #tpu.memory_space<vmem>>, %arg2: memref<128x64xf32, #tpu.memory_space<vmem>>, %arg3: memref<2000x1xf32, #tpu.memory_space<vmem>>, %arg4: memref<1x64xf32, #tpu.memory_space<vmem>>, %arg5: memref<2000x64xf32, #tpu.memory_space<vmem>>) attributes {dimension_semantics = [#tpu.dimension_semantics<arbitrary>], iteration_bounds = array<i64: 5>, scalar_prefetch = 0 : i64, scratch_operands = 0 : i64, tpu.core_type = #tpu.core_type<tc>, window_params = [{transform_indices = @transform_0, window_bounds = array<i64: 2, 2000, 128>}, {pipeline_mode = #tpu.pipeline_mode<synchronous>, transform_indices = @transform_1, window_bounds = array<i64: 128, 64>}, {transform_indices = @transform_2, window_bounds = array<i64: 2000, 1>}, {pipeline_mode = #tpu.pipeline_mode<synchronous>, transform_indices = @transform_3, window_bounds = array<i64: 1, 64>}, {transform_indices = @transform_4, window_bounds = array<i64: 2000, 64>}]} {
    %get3A = arith.constant 0 : index
    %get3A_0 = arith.constant 0 : index
    %get3A_1 = arith.constant 0 : index
    %get3A_2 = vector.load %arg1[%get3A, %get3A_0, %get3A_1] : memref<2x2000x128xf32, #tpu.memory_space<vmem>>, vector<1x2000x128xf32>
    %get3A_3 = vector.shape_cast %get3A_2 : vector<1x2000x128xf32> to vector<2000x128xf32>
    %get3A_4 = arith.constant 1 : index
    %get3A_5 = arith.constant 0 : index
    %get3A_6 = arith.constant 0 : index
    %get3A_7 = vector.load %arg1[%get3A_4, %get3A_5, %get3A_6] : memref<2x2000x128xf32, #tpu.memory_space<vmem>>, vector<1x2000x128xf32>
    %get3A_8 = vector.shape_cast %get3A_7 : vector<1x2000x128xf32> to vector<2000x128xf32>
    %add3A = arith.addf %get3A_3, %get3A_8 : vector<2000x128xf32>
    %get3A_9 = arith.constant 0 : index
    %get3A_10 = arith.constant 0 : index
    %get3A_11 = vector.load %arg2[%get3A_9, %get3A_10] : memref<128x64xf32, #tpu.memory_space<vmem>>, vector<128x64xf32>
    %dot_general3A = arith.constant dense<0.000000e+00> : vector<2000x64xf32>
    %dot_general3A_12 = tpu.matmul %add3A, %get3A_11, %dot_general3A {dimension_numbers = #tpu.dot_dimension_numbers<[1], [0], [0], [1], [0, 0, 1, 1], [], []>, transpose_lhs_hint = false} : vector<2000x128xf32>, vector<128x64xf32>, vector<2000x64xf32> -> vector<2000x64xf32>
    %get3A_13 = arith.constant 0 : index
    %get3A_14 = arith.constant 0 : index
    %get3A_15 = vector.load %arg3[%get3A_13, %get3A_14] : memref<2000x1xf32, #tpu.memory_space<vmem>>, vector<2000x1xf32>
    %mul3A = vector.broadcast %get3A_15 : vector<2000x1xf32> to vector<2000x64xf32>
    %mul3A_16 = arith.mulf %dot_general3A_12, %mul3A : vector<2000x64xf32>
    %get3A_17 = arith.constant 0 : index
    %get3A_18 = arith.constant 0 : index
    %get3A_19 = vector.load %arg4[%get3A_17, %get3A_18] : memref<1x64xf32, #tpu.memory_space<vmem>>, vector<1x64xf32>
    %add3A_20 = vector.broadcast %get3A_19 : vector<1x64xf32> to vector<2000x64xf32>
    %add3A_21 = arith.addf %mul3A_16, %add3A_20 : vector<2000x64xf32>
    %swap3A = arith.constant 0 : index
    %swap3A_22 = arith.constant 0 : index
    %swap3A_23 = vector.load %arg5[%swap3A, %swap3A_22] : memref<2000x64xf32, #tpu.memory_space<vmem>>, vector<2000x64xf32>
    tpu.vector_store %arg5[%swap3A, %swap3A_22], %add3A_21 {strides = array<i32>} : memref<2000x64xf32, #tpu.memory_space<vmem>>, vector<2000x64xf32>,
    return
  }
  func.func @transform_0(%arg0: i32) -> (i32, i32, i32) {
    %c0_i32 = arith.constant 0 : i32
    %c0_i32_0 = arith.constant 0 : i32
    %c0_i32_1 = arith.constant 0 : i32
    return %c0_i32, %arg0, %c0_i32_0 : i32, i32, i32
  }
  func.func @transform_1(%arg0: i32) -> (i32, i32) {
    %c0_i32 = arith.constant 0 : i32
    %c0_i32_0 = arith.constant 0 : i32
    %c0_i32_1 = arith.constant 0 : i32
    return %c0_i32, %c0_i32_0 : i32, i32
  }
  func.func @transform_2(%arg0: i32) -> (i32, i32) {
    %c0_i32 = arith.constant 0 : i32
    %c0_i32_0 = arith.constant 0 : i32
    return %arg0, %c0_i32 : i32, i32
  }
  func.func @transform_3(%arg0: i32) -> (i32, i32) {
    %c0_i32 = arith.constant 0 : i32
    %c0_i32_0 = arith.constant 0 : i32
    %c0_i32_1 = arith.constant 0 : i32
    return %c0_i32, %c0_i32_0 : i32, i32
  }
  func.func @transform_4(%arg0: i32) -> (i32, i32) {
    %c0_i32 = arith.constant 0 : i32
    %c0_i32_0 = arith.constant 0 : i32
    return %arg0, %c0_i32 : i32, i32
  }
}

</mosaic_0001>

<sc_bundles>
// kernel: kernel.12.cloned.1.call-start
scs
__scs_entry_jumppad:
0x0: {  	(pc) =	sbr.rel $0x88, $3  }
0x1: {  	(tag) =	ssettag $0x0;
	lr =	simm.s32 $0x1  }
0x2: {  	[smem:$0x3F98] =	sst lr;
	_ =	strace $0xD0000000  }
0x3: {  	_ = 	snop  }
0x4: {  	_ = 	snop  }
0x5: {  	_ = 	snop  }
0x6: {  	_ = 	snop  }
0x7: {  	_ = 	snop  }
__scs_overlays_trampoline_lowered:
0x8: {  	[smem:$0x3FA7] =	sst s0  }
0x9: {  	[smem:$0x3FA8] =	sst s1  }
0xa: {  	[smem:$0x3FA9] =	sst s2  }
0xb: {  	[smem:$0x3FAA] =	sst s3  }
0xc: {  	[smem:$0x3FAB] =	sst s4  }
0xd: {  	[smem:$0x3FAC] =	sst s5  }
0xe: {  	[smem:$0x3FAD] =	sst s6  }
0xf: {  	[smem:$0x3FAE] =	sst s7  }
0x10: {  	[smem:$0x3FAF] =	sst s8  }
0x11: {  	[smem:$0x3FB0] =	sst s9;
	s0 =	simm.s32 @!p0 $0x0  }
0x12: {  	s1 =	sld [smem:$0x3F96];
	s0 =	simm.s32 @p0 $0x1  }
0x13: {  	[smem:$0x3FB1] =	sst s0;
	s0 =	simm.s32 @!p1 $0x0  }
0x14: {  	s2 =	sld [smem:$0x3F95];
	s0 =	simm.s32 @p1 $0x1  }
0x15: {  	[smem:$0x3FB2] =	sst s0;
	s0 =	simm.s32 @!p2 $0x0  }
0x16: {  	s3 =	sld [smem:$0x3FDB];
	s0 =	simm.s32 @p2 $0x1  }
0x17: {  	s4 =	simm.s32 $0x1BF5;
	[smem:$0x3FB4] =	sst s0  }
0x18: {  	s0 =	sld [smem:$0x3F97];
	_ =	swait.ge [sflag:s4], $0x0  }
0x19: {  	s7 =	sld [smem:$0x3F98]  }
0x1a: {  	s8 =	sadd.s32 $0xFFFFE003, lr  }
0x1b: {  	s9 =	sadd.s32 $0xFFFFFEF7, lr;
	s5 =	simm.s32 $0xFFFFFFFF;
	p2 =	slt.u32 s8, $0xFFFFF086  }
0x1c: {  	p1 =	slt.u32 s9, $0xF7A;
	s5 =	simm.s32 @!p2 $0x0  }
0x1d: {  	s5 =	simm.s32 @p1 $0x1;
	p0 =	seq.s32 s7, s2  }
0x1e: {  	s7 =	smul.u32 @!p0 $0xF7A, s2;
	p2 =	seq.s32 @!p0 s5, $0x0  }
0x1f: {  	s9 =	smul.u32 $0xF7A, s1;
	s8 =	simm.s32 @!p0 $0x1BF5;
	p2 =	por !p2, p0  }
0x20: {  	[sflag:s8] =	ssyncset.s32 @!p0 $0xFFFFF086;
	s6 =	sadd.s32 @!p0 s3, s7;
	s7 =	simm.s32 @!p0 $0x108  }
0x21: {  	s3 =	sadd.s32 s3, s9;
	s6 =	sadd.s32 @!p0 $0x88, s6;
	s7 =	simm.s32 @p2 $0x1082  }
0x22: {  	[simem:s7], [sflag:s8] =	dma.local @!p0 [hbm:s6], $0xF7A  }
0x23: {  	s9 =	sor.u32 $0xD0000000, s2;
	s6 =	simm.s32 $0x108;
	_ =	swait.ge @!p0 [sflag:s8], $0x0  }
0x24: {  	s3 =	sadd.s32 $0x88, s3;
	s6 =	simm.s32 @!p1 $0x1082;
	[sflag:s4] =	ssyncset.s32 $0xFFFFF086  }
0x25: {  	[simem:s6], [sflag:s4] =	dma.local [hbm:s3], $0xF7A  }
0x26: {  	[smem:$0x3F98] =	sst s1;
	(tag) =	ssettag s2;
	_ =	strace s9  }
0x27: {  	s1 =	sld [smem:$0x3FA8]  }
0x28: {  	s2 =	sld [smem:$0x3FA9]  }
0x29: {  	s4 =	sld [smem:$0x3FAB]  }
0x2a: {  	p0 =	seq.s32 s5, $0x0;
	s5 =	sld [smem:$0x3FAC]  }
0x2b: {  	s6 =	sld [smem:$0x3FAD]  }
0x2c: {  	s7 =	sld [smem:$0x3FAE]  }
0x2d: {  	s3 =	simm.s32 $0x108;
	s8 =	sld [smem:$0x3FAF]  }
0x2e: {  	s3 =	simm.s32 @!p0 $0x1082;
	s9 =	sld [smem:$0x3FB0]  }
0x2f: {  	lr =	sadd.s32 s0, s3;
	s0 =	sld [smem:$0x3FA7]  }
0x30: {  	s3 =	sld [smem:$0x3FAA]  }
0x31: {  	[smem:$0x3FB3] =	sst s10  }
0x32: {  	s10 =	sld [smem:$0x3FB1];
	_ =	sdelay $0x3  }
0x33: {  	p0 =	seq.s32 s10, $0x1;
	s10 =	sld [smem:$0x3FB3];
	_ =	sdelay $0x3  }
0x34: {  	[smem:$0x3FB3] =	sst s10  }
0x35: {  	s10 =	sld [smem:$0x3FB2];
	_ =	sdelay $0x3  }
0x36: {  	p1 =	seq.s32 s10, $0x1;
	s10 =	sld [smem:$0x3FB3];
	_ =	sdelay $0x3  }
0x37: {  	[smem:$0x3FB3] =	sst s10  }
0x38: {  	s10 =	sld [smem:$0x3FB4]  }
0x39: {  	_ = 	snop;
	(pc) =	sbr.ind lr, $3  }
0x3a: {  	_ = 	snop  }
0x3b: {  	_ = 	snop  }
0x3c: {  	p2 =	seq.s32 s10, $0x1;
	s10 =	sld [smem:$0x3FB3]  }
0x3d: {  	_ =	shalt  }
0x3e: {  	_ =	shalt  }
0x3f: {  	_ =	shalt  }
0x40: {  	_ =	shalt  }
0x41: {  	_ =	shalt  }
0x42: {  	_ =	shalt  }
0x43: {  	_ =	shalt  }
0x44: {  	_ =	shalt  }
0x45: {  	_ =	shalt  }
0x46: {  	_ =	shalt  }
0x47: {  	_ =	shalt  }
0x48: {  	_ =	shalt  }
0x49: {  	_ =	shalt  }
0x4a: {  	_ =	shalt  }
0x4b: {  	_ =	shalt  }
0x4c: {  	_ =	shalt  }
0x4d: {  	_ =	shalt  }
0x4e: {  	_ =	shalt  }
0x4f: {  	_ =	shalt  }
0x50: {  	_ =	shalt  }
0x51: {  	_ =	shalt  }
0x52: {  	_ =	shalt  }
0x53: {  	_ =	shalt  }
0x54: {  	_ =	shalt  }
0x55: {  	_ =	shalt  }
0x56: {  	_ =	shalt  }
0x57: {  	_ =	shalt  }
0x58: {  	_ =	shalt  }
0x59: {  	_ =	shalt  }
0x5a: {  	_ =	shalt  }
0x5b: {  	_ =	shalt  }
0x5c: {  	_ =	shalt  }
0x5d: {  	_ =	shalt  }
0x5e: {  	_ =	shalt  }
0x5f: {  	_ =	shalt  }
0x60: {  	_ =	shalt  }
0x61: {  	_ =	shalt  }
0x62: {  	_ =	shalt  }
0x63: {  	_ =	shalt  }
0x64: {  	_ =	shalt  }
0x65: {  	_ =	shalt  }
0x66: {  	_ =	shalt  }
0x67: {  	_ =	shalt  }
0x68: {  	_ =	shalt  }
0x69: {  	_ =	shalt  }
0x6a: {  	_ =	shalt  }
0x6b: {  	_ =	shalt  }
0x6c: {  	_ =	shalt  }
0x6d: {  	_ =	shalt  }
0x6e: {  	_ =	shalt  }
0x6f: {  	_ =	shalt  }
0x70: {  	_ =	shalt  }
0x71: {  	_ =	shalt  }
0x72: {  	_ =	shalt  }
0x73: {  	_ =	shalt  }
0x74: {  	_ =	shalt  }
0x75: {  	_ =	shalt  }
0x76: {  	_ =	shalt  }
0x77: {  	_ =	shalt  }
0x78: {  	_ =	shalt  }
0x79: {  	_ =	shalt  }
0x7a: {  	_ =	shalt  }
0x7b: {  	_ =	shalt  }
0x7c: {  	_ =	shalt  }
0x7d: {  	_ =	shalt  }
0x7e: {  	_ =	shalt  }
0x7f: {  	_ =	shalt  }
0x80: {  	_ =	shalt  }
0x81: {  	_ =	shalt  }
0x82: {  	_ =	shalt  }
0x83: {  	_ =	shalt  }
0x84: {  	_ =	shalt  }
0x85: {  	_ =	shalt  }
0x86: {  	_ =	shalt  }
0x87: {  	_ =	shalt  }
.Lfunc_end0:
.L_simem_size_0:
called_computation.1_lowered:
.L_overlay_start_0:
0x88: {  	s2 =	sld [smem:$0x3FD9]  }
0x89: {  	s3 =	sld [smem:$0x3FFE];
	_ =	sdelay $0x1  }
0x8a: {  	s1 =	srdreg.scid  }
0x8b: {  	s0 =	sand.u32 $0x1, s1  }
0x8c: {  	s17 =	sshll.u32 s0, $0xA;
	s2 =	sadd.s32 s3, s2  }
0x8d: {  	s2 =	sadd.s32 s2, s17  }
0x8e: {  	[smem:$0x3FBF] =	sst s2  }
0x8f: {  	_ = 	snop  }
0x90: {  	s2 =	sld [smem:$0x3FD0];
	(tm) =	ssettm $0x1  }
0x91: {  	s18 =	sld [smem:$0x3FFB];
	_ =	sdelay $0x3  }
0x92: {  	_ =	strace s18  }
0x93: {  	s3 =	sld [smem:$0x3FFC];
	_ =	sdelay $0x3  }
0x94: {  	_ =	strace s3  }
0x95: {  	s3 =	sld [smem:$0x3FFD];
	_ =	sdelay $0x3  }
0x96: {  	_ =	strace s3  }
0x97: {  	_ =	strace $0x8FFFFFFF  }
0x98: {  	s19 =	sld [smem:$0x3FDB];
	_ =	sdelay $0x1  }
0x99: {  	s4 =	simm.s32 $_scs_section_size  }
0x9a: {  	s5 =	simm.s32 $_size__tile_overlayer_lowered;
	s6 =	simm.s32 $_tile_overlayer_lowered  }
0x9b: {  	s22 =	simm.s32 $0x1BFF;
	s21 =	sshll.u32 s6, $0x1;
	s3 =	sadd.s32 s4, s19  }
0x9c: {  	s7 =	simm.s32 $0x0;
	s20 =	sshll.u32 s5, $0x1;
	s5 =	sadd.s32 s21, s3  }
0x9d: {  	[timem:s7], [sflag:s22] =	dma.local [hbm:s5], s20  }
0x9e: {  	_ =	swait.ge [sflag:s22], s20  }
0x9f: {  	s4 =	ssub.s32 $0x0, s20;
	[sflag:s22] =	ssyncset.done $0x0  }
0xa0: {  	[sflag:s22] =	ssyncadd.s32 s4;
	_ =	sdelay $0x1  }
0xa1: {  	s23 =	simm.s32 $0x1B8B  }
0xa2: {  	_ =	swait.ge [sflag:s23], $0x1  }
0xa3: {  	[sflag:s23] =	ssyncset.done $0x0  }
0xa4: {  	s25 =	simm.s32 $0x1B8E;
	s24 =	sld [smem:$0x3FFE];
	[sflag:s23] =	ssyncadd.s32 $0xFFFFFFFF  }
0xa5: {  	s26 =	simm.s32 $execute0_lowered;
	[smem:$0x3FD2] =	sst s25  }
0xa6: {  	s5 =	sshll.u32 s26, $0x1;
	_ =	strace $0x80000049;
	[dreg:$0x1] =	wrdreg $0xFFFFFFFF  }
0xa7: {  	s28 =	simm.s32 $_size_execute0_lowered;
	s3 =	sadd.s32 s3, s5;
	[dreg:$0x0] =	wrdreg $0x0  }
0xa8: {  	s5 =	sshll.u32 s28, $0x1;
	[dreg:$0x2] =	wrdreg s3  }
0xa9: {  	[dreg:$0x3] =	wrdreg s5  }
0xaa: {  	[dreg:$0x4] =	wrdreg $0xC0  }
0xab: {  	_ =	task [dreg:s7], $0x5FFFF  }
0xac: {  	[dreg:$0x1] =	wrdreg $0xFFFFFFFF  }
0xad: {  	[dreg:$0x0] =	wrdreg $0x60  }
0xae: {  	[dreg:$0x2] =	wrdreg s24  }
0xaf: {  	[dreg:$0x3] =	wrdreg s2  }
0xb0: {  	[dreg:$0x4] =	wrdreg $0xB7800  }
0xb1: {  	[dreg:$0x5] =	wrdreg $0x9  }
0xb2: {  	_ =	task.clear_ibuf [dreg:s7], $0x6FFFF;
	_ =	strace $0x90000049  }
0xb3: {  	s29 =	simm.s32 $0x9;
	_ =	strace $0x8000004B  }
0xb4: {  	_ =	swait.ge [sflag:s29], $0x1  }
0xb5: {  	[sflag:s29] =	ssyncadd.s32 $0xFFFFFFFF  }
0xb6: {  	_ =	strace $0x9000004B  }
0xb7: {  	_ =	sfence  }
0xb8: {  	s30 =	sld [smem:$0x0];
	_ =	sdelay $0x2  }
0xb9: {  	s31 =	sshll.u32 s1, $0xD;
	s1 =	sshrl.u32 s1, $0x2  }
0xba: {  	s3 =	sand.u32 $0x4000, s31;
	s1 =	sadd.s32 s1, s30  }
0xbb: {  	s0 =	sor.u32 s3, s0;
	s1 =	sshll.u32 s1, $0x11  }
0xbc: {  	s0 =	sor.u32 s1, s0  }
0xbd: {  	s0 =	sadd.s32 $0x8F2B, s0  }
0xbe: {  	[sflag:s0] =	ssyncadd.remote.s32 $0x1  }
0xbf: {  	_ =	sfence.sel $0xFFFF  }
0xc0: {  	[dreg:$0x0] =	wrdreg $0xFFFFFFFF;
	(pc) =	sbr.abs _section_cstart, $3  }
0xc1: {  	[dreg:$0x1] =	wrdreg $0xFFFFFFFF  }
0xc2: {  	_ =	task.clear_ibuf [dreg:s7], $0x2FFFF;
	_ =	strace $0x9FFFFFFF  }
0xc3: {  	(tm) =	ssettm $0x7FFFFFFF  }
tec
execute0_lowered:
.L_overlay_start_1:
0x0: {  	(tag) =	ssettag $0x1  }
0x1: {  	s0 =	srdreg.scid;
	s3 =	rddreg [dreg:$0x0]  }
0x2: {  	s10 =	stileid.u32;
	s5 =	rddreg [dreg:$0x1]  }
0x3: {  	s2 =	rddreg [dreg:$0x2];
	s7 =	simm.s32 $0x0;
	s28 =	simm.s32 $0x6780  }
0x4: {  	s29 =	simm.s32 $0x3;
	s30 =	simm.s32 $0x1;
	s31 =	simm.s32 $0x2  }
0x5: {  	s0 =	sand.u32 $0x1, s0;
	s6 =	sshll.u32 s10, $0x7;
	s9 =	smul.u32 $0x50000, s10  }
0x6: {  	[smem:$0x7FF] =	sst s7;
	s14 =	smul.u32 $0x14000, s10;
	s1 =	sshll.u32 s0, $0x4  }
0x7: {  	s6 =	sand.u32 $0x380, s6;
	_ =	strace $0x8000004A;
	s21 =	ssub.s32 $0x2, s0  }
0x8: {  	s0 =	smul.u32 $0x140000, s0;
	s1 =	sor.u32 s10, s1;
	s8 =	sshrl.u32 s21, $0x1  }
0x9: {  	s22 =	sshrl.u32 s9, $0x2;
	s24 =	sor.u32 $0x2800, s14;
	s25 =	sadd.s32 $0x5000, s14  }
0xa: {  	s17 =	sadd.s32 $0x7800, s14;
	s18 =	sadd.s32 $0xA000, s14;
	s4 =	sshrl.u32 s1, $0x3  }
0xb: {  	s23 =	ssub.s32 s21, s8;
	s1 =	sshll.u32 s1, $0xB;
	s7 =	sadd.s32 s22, s2  }
0xc: {  	s8 =	sadd.s32 s24, s2;
	s9 =	sadd.s32 s25, s2;
	s10 =	sadd.s32 s17, s2  }
0xd: {  	s11 =	sadd.s32 s18, s2;
	s21 =	sadd.s32 $0xF000, s14;
	s15 =	sadd.s32 s14, s0  }
0xe: {  	s22 =	sadd.s32 $0x11800, s14;
	s19 =	sadd.s32 s0, s17;
	s4 =	smul.u32 $0x13C00, s4  }
0xf: {  	s1 =	sadd.s32 s5, s1;
	s13 =	sadd.s32 s21, s2;
	s15 =	sshrl.u32 s15, $0x3  }
0x10: {  	s5 =	sshrl.u32 s19, $0x3;
	s19 =	sadd.s32 s0, s18;
	s23 =	smax.u32 s23, $0x1  }
0x11: {  	[dreg:$0x5] =	wrdreg s1;
	s1 =	sadd.s32 s0, s24;
	s4 =	sor.u32 s6, s4  }
0x12: {  	s24 =	sshrl.u32 s19, $0x3;
	s1 =	sshrl.u32 s1, $0x3;
	s4 =	sshrl.u32 s4, $0x3  }
0x13: {  	s20 =	sadd.s32 s4, s3;
	s4 =	sadd.s32 $0xC400, s3;
	s3 =	sadd.s32 $0x33600, s3  }
0x14: {  	s6 =	sadd.s32 $0x2600, s20;
	s20 =	sadd.s32 $0xC800, s14;
	s14 =	sadd.s32 s22, s2  }
0x15: {  	s26 =	sadd.s32 s3, s15;
	s16 =	sadd.s32 s3, s1;
	s15 =	sadd.s32 s0, s25  }
0x16: {  	s18 =	sadd.s32 s3, s5;
	s19 =	sadd.s32 s3, s24;
	[dreg:$0x4] =	wrdreg s6  }
0x17: {  	s24 =	simm.s32 $0x5;
	s12 =	sadd.s32 s20, s2;
	[dreg:$0x6] =	wrdreg s26  }
0x18: {  	s1 =	sshrl.u32 s15, $0x3;
	s25 =	sadd.s32 s0, s20;
	s26 =	sadd.s32 s0, s21  }
0x19: {  	s0 =	sadd.s32 s0, s22;
	s17 =	sadd.s32 s3, s1;
	s1 =	sshrl.u32 s25, $0x3  }
0x1a: {  	s5 =	sshrl.u32 s26, $0x3;
	s0 =	sshrl.u32 s0, $0x3;
	s25 =	simm.s32 $0x4  }
0x1b: {  	s26 =	simm.s32 $0x0;
	s20 =	sadd.s32 s3, s1;
	s21 =	sadd.s32 s3, s5  }
0x1c: {  	v0 =	vimm.f32 $0.0e+00;
	s22 =	sadd.s32 s3, s0;
	s1 =	simm.s32 $0x50;
	s0 =	simm.s32 $0x8F80  }
.LBB2_1:
0x1d: {  	s3 =	simm.s32 $0x0  }
0x1e: {  	s5 =	rddreg [dreg:$0x4];
	s6 =	simm.s32 $0x80;
	s15 =	simm.s32 $0x400  }
0x1f: {  	[tilespmem:s3], [sflag:$0x1] =	stream.strided.gather [hbm4b:s5+s6], $0x2780, s15, s6, $0x38;
	[tilespmem:$0x1F780] =	vst v63  }
0x20: {  	s6 =	rddreg [dreg:$0x5];
	s15 =	simm.s32 $0x2780  }
0x21: {  	[tilespmem:s15], [sflag:$0x2] =	stream.linear.gather [hbm4b:s6+s3], $0x3E80, $0x38;
	[tilespmem:$0x1F780] =	vst v63  }
0x22: {  	s5 =	simm.s32 $0x200;
	s3 =	simm.s32 $0x0  }
.LBB2_2:
0x23: {  	p0 =	sne.s32 s5, $0x9E00;
	[tilespmem:s3+$0x67F0] =	vst v0  }
0x24: {  	[tilespmem:s3+$0x6780] =	vst v0  }
0x25: {  	[tilespmem:s3+$0x6790] =	vst v0  }
.Ltmp0:
0x26: {  	[tilespmem:s3+$0x67A0] =	vst v0;
	(pc) =	sbr.rel @p0 .LBB2_2-.Ltmp0, $4  }
0x27: {  	[tilespmem:s3+$0x67B0] =	vst v0  }
0x28: {  	[tilespmem:s3+$0x67C0] =	vst v0  }
0x29: {  	[tilespmem:s3+$0x67D0] =	vst v0  }
0x2a: {  	[tilespmem:s3+$0x67E0] =	vst v0;
	s3 =	sshra.s32 s5, $0x2;
	s5 =	sadd.s32 $0x200, s5  }
0x2b: {  	[tilespmem:s3+$0x67F0] =	vst v0  }
0x2c: {  	[tilespmem:s3+$0x6780] =	vst v0  }
0x2d: {  	[tilespmem:s3+$0x6790] =	vst v0  }
0x2e: {  	[tilespmem:s3+$0x67A0] =	vst v0  }
0x2f: {  	[tilespmem:s3+$0x67B0] =	vst v0  }
0x30: {  	[tilespmem:s3+$0x67C0] =	vst v0  }
0x31: {  	[tilespmem:s3+$0x67D0] =	vst v0  }
0x32: {  	[tilespmem:s3+$0x67E0] =	vst v0  }
0x33: {  	[spmem:s7] =	stream.linear.scatter [tilespmem:s28], [sflag:$0x3], $0x2800, $0x38;
	[tilespmem:$0x1F780] =	vst v63  }
0x34: {  	_ = 	snop  }
0x35: {  	[spmem:s8] =	stream.linear.scatter [tilespmem:s28], [sflag:$0x3], $0x2800, $0x38;
	[tilespmem:$0x1F780] =	vst v63  }
0x36: {  	_ = 	snop  }
0x37: {  	[spmem:s9] =	stream.linear.scatter [tilespmem:s28], [sflag:$0x3], $0x2800, $0x38;
	[tilespmem:$0x1F780] =	vst v63  }
0x38: {  	_ = 	snop  }
0x39: {  	[spmem:s10] =	stream.linear.scatter [tilespmem:s28], [sflag:$0x3], $0x2800, $0x38;
	[tilespmem:$0x1F780] =	vst v63  }
0x3a: {  	_ = 	snop  }
0x3b: {  	[spmem:s11] =	stream.linear.scatter [tilespmem:s28], [sflag:$0x3], $0x2800, $0x38;
	[tilespmem:$0x1F780] =	vst v63  }
0x3c: {  	_ = 	snop  }
0x3d: {  	[spmem:s12] =	stream.linear.scatter [tilespmem:s28], [sflag:$0x3], $0x2800, $0x38;
	[tilespmem:$0x1F780] =	vst v63  }
0x3e: {  	_ = 	snop  }
0x3f: {  	[spmem:s13] =	stream.linear.scatter [tilespmem:s28], [sflag:$0x3], $0x2800, $0x38;
	[tilespmem:$0x1F780] =	vst v63  }
0x40: {  	_ = 	snop  }
0x41: {  	[spmem:s14] =	stream.linear.scatter [tilespmem:s28], [sflag:$0x3], $0x2800, $0x38;
	[tilespmem:$0x1F780] =	vst v63  }
0x42: {  	_ =	swait.ge [sflag:s29], $0x2800  }
0x43: {  	[sflag:s29] =	ssyncset.done $0x0  }
0x44: {  	[sflag:s29] =	ssyncadd.s32 $0xFFFFD800  }
0x45: {  	_ =	swait.ge [sflag:s29], $0x2800  }
0x46: {  	[sflag:s29] =	ssyncset.done $0x0  }
0x47: {  	[sflag:s29] =	ssyncadd.s32 $0xFFFFD800  }
0x48: {  	_ =	swait.ge [sflag:s29], $0x2800  }
0x49: {  	[sflag:s29] =	ssyncset.done $0x0  }
0x4a: {  	[sflag:s29] =	ssyncadd.s32 $0xFFFFD800  }
0x4b: {  	_ =	swait.ge [sflag:s29], $0x2800  }
0x4c: {  	[sflag:s29] =	ssyncset.done $0x0  }
0x4d: {  	[sflag:s29] =	ssyncadd.s32 $0xFFFFD800  }
0x4e: {  	_ =	swait.ge [sflag:s29], $0x2800  }
0x4f: {  	[sflag:s29] =	ssyncset.done $0x0  }
0x50: {  	[sflag:s29] =	ssyncadd.s32 $0xFFFFD800  }
0x51: {  	_ =	swait.ge [sflag:s29], $0x2800  }
0x52: {  	[sflag:s29] =	ssyncset.done $0x0  }
0x53: {  	[sflag:s29] =	ssyncadd.s32 $0xFFFFD800  }
0x54: {  	_ =	swait.ge [sflag:s29], $0x2800  }
0x55: {  	[sflag:s29] =	ssyncset.done $0x0  }
0x56: {  	[sflag:s29] =	ssyncadd.s32 $0xFFFFD800  }
0x57: {  	_ =	swait.ge [sflag:s29], $0x2800  }
0x58: {  	[sflag:s29] =	ssyncset.done $0x0  }
0x59: {  	[sflag:s29] =	ssyncadd.s32 $0xFFFFD800  }
0x5a: {  	_ =	swait.ge [sflag:s30], $0x2780  }
0x5b: {  	[sflag:s30] =	ssyncset.done $0x0  }
0x5c: {  	[sflag:s30] =	ssyncadd.s32 $0xFFFFD880  }
0x5d: {  	_ =	swait.ge [sflag:s31], $0x3E80  }
0x5e: {  	[sflag:s31] =	ssyncset.done $0x0  }
0x5f: {  	[sflag:s31] =	ssyncadd.s32 $0xFFFFC180  }
0x60: {  	s3 =	simm.s32 $0x50;
	s5 =	simm.s32 $0x0;
	[bflag:$0x0] =	sbarrier.arrive $0xFFFF  }
0x61: {  	[tilespmem:s28], [sflag:$0x3] =	stream.indirect.gather [hbm4b:s4+s3], $0x80, s5, s3, $0xb8;
	[tilespmem:$0x1F780] =	vst v63  }
0x62: {  	_ = 	snop  }
0x63: {  	[tilespmem:s0], [sflag:$0x4] =	stream.indirect.gather [hbm4b:s4+s1], $0x80, s3, s1, $0xb8;
	[tilespmem:$0x1F780] =	vst v63  }
0x64: {  	_ =	swait.ge [sflag:s29], $0x2800  }
0x65: {  	[sflag:s29] =	ssyncset.done $0x0  }
0x66: {  	s15 =	simm.s32 $0x2780;
	[sflag:s29] =	ssyncadd.s32 $0xFFFFD800  }
0x67: {  	[spmem:s2] =	stream.indirect.scatter.add.f32 [tilespmem:s28], [sflag:$0x5], $0x80, s15, s1, $0xb8;
	[tilespmem:$0x1F780] =	vst v63  }
0x68: {  	_ =	swait.ge [sflag:s24], $0x2800  }
0x69: {  	[sflag:s24] =	ssyncset.done $0x0  }
0x6a: {  	s6 =	simm.s32 $0xA0;
	[sflag:s24] =	ssyncadd.s32 $0xFFFFD800  }
0x6b: {  	[tilespmem:s28], [sflag:$0x3] =	stream.indirect.gather [hbm4b:s4+s1], $0x80, s6, s1, $0xb8;
	[tilespmem:$0x1F780] =	vst v63  }
0x6c: {  	_ =	swait.ge [sflag:s25], $0x2800  }
0x6d: {  	[sflag:s25] =	ssyncset.done $0x0  }
0x6e: {  	s15 =	simm.s32 $0x2800;
	[sflag:s25] =	ssyncadd.s32 $0xFFFFD800  }
0x6f: {  	[spmem:s2] =	stream.indirect.scatter.add.f32 [tilespmem:s0], [sflag:$0x5], $0x80, s15, s1, $0xb8;
	[tilespmem:$0x1F780] =	vst v63  }
0x70: {  	_ =	swait.ge [sflag:s24], $0x2800  }
0x71: {  	s5 =	simm.s32 $0x400;
	[sflag:s24] =	ssyncset.done $0x0  }
.LBB2_4:
0x72: {  	p0 =	sne.s32 s5, $0xF400;
	[sflag:s24] =	ssyncadd.s32 $0xFFFFD800;
	s3 =	sadd.s32 $0xA0, s3  }
0x73: {  	[tilespmem:s0], [sflag:$0x4] =	stream.indirect.gather [hbm4b:s4+s1], $0x80, s3, s1, $0xb8;
	[tilespmem:$0x1F780] =	vst v63  }
0x74: {  	s6 =	smov.u32 s5;
	s5 =	sadd.s32 $0x400, s5;
	_ =	swait.ge [sflag:s29], $0x2800  }
0x75: {  	s6 =	sshra.s32 s6, $0x2;
	[sflag:s29] =	ssyncset.done $0x0  }
0x76: {  	s15 =	sadd.s32 $0x2780, s6;
	[sflag:s29] =	ssyncadd.s32 $0xFFFFD800  }
0x77: {  	[spmem:s2] =	stream.indirect.scatter.add.f32 [tilespmem:s28], [sflag:$0x5], $0x80, s15, s1, $0xb8;
	[tilespmem:$0x1F780] =	vst v63  }
0x78: {  	_ =	swait.ge [sflag:s24], $0x2800  }
0x79: {  	[sflag:s24] =	ssyncset.done $0x0  }
0x7a: {  	s15 =	sadd.s32 $0x50, s3;
	[sflag:s24] =	ssyncadd.s32 $0xFFFFD800  }
0x7b: {  	[tilespmem:s28], [sflag:$0x3] =	stream.indirect.gather [hbm4b:s4+s1], $0x80, s15, s1, $0xb8;
	[tilespmem:$0x1F780] =	vst v63  }
0x7c: {  	_ =	swait.ge [sflag:s25], $0x2800  }
.Ltmp1:
0x7d: {  	[sflag:s25] =	ssyncset.done $0x0;
	(pc) =	sbr.rel @p0 .LBB2_4-.Ltmp1, $4  }
0x7e: {  	s6 =	sadd.s32 $0x2800, s6;
	[sflag:s25] =	ssyncadd.s32 $0xFFFFD800  }
0x7f: {  	[spmem:s2] =	stream.indirect.scatter.add.f32 [tilespmem:s0], [sflag:$0x5], $0x80, s6, s1, $0xb8;
	[tilespmem:$0x1F780] =	vst v63  }
0x80: {  	_ =	swait.ge [sflag:s24], $0x2800  }
0x81: {  	[sflag:s24] =	ssyncset.done $0x0  }
0x82: {  	[sflag:s24] =	ssyncadd.s32 $0xFFFFD800  }
0x83: {  	_ =	swait.ge [sflag:s29], $0x2800  }
0x84: {  	[sflag:s29] =	ssyncset.done $0x0  }
0x85: {  	s3 =	simm.s32 $0x6580;
	[sflag:s29] =	ssyncadd.s32 $0xFFFFD800  }
0x86: {  	[spmem:s2] =	stream.indirect.scatter.add.f32 [tilespmem:s28], [sflag:$0x5], $0x80, s3, s1, $0xb8;
	[tilespmem:$0x1F780] =	vst v63  }
0x87: {  	_ =	swait.ge [sflag:s24], $0x2800  }
0x88: {  	[sflag:s24] =	ssyncset.done $0x0  }
0x89: {  	s6 =	stileid.u32;
	[sflag:s24] =	ssyncadd.s32 $0xFFFFD800  }
0x8a: {  	s5 =	sshrl.u32 s7, $0x3;
	s3 =	sshll.u32 s6, $0x6;
	[bflag:$0x0] =	sbarrier.arrive $0xFFFF  }
0x8b: {  	s15 =	sshrl.u32 s8, $0x3;
	s3 =	sor.u32 $0x1C01, s3;
	s6 =	rddreg [dreg:$0x6]  }
0x8c: {  	[hbm:s6], [sflag:s3] =	dma.local [spmem:s5], $0x500  }
0x8d: {  	[hbm:s16], [sflag:s3] =	dma.local [spmem:s15], $0x500  }
0x8e: {  	s6 =	sshrl.u32 s9, $0x3;
	s15 =	sshrl.u32 s10, $0x3  }
0x8f: {  	[hbm:s17], [sflag:s3] =	dma.local [spmem:s6], $0x500  }
0x90: {  	[hbm:s18], [sflag:s3] =	dma.local [spmem:s15], $0x500  }
0x91: {  	s6 =	sshrl.u32 s11, $0x3;
	s15 =	sshrl.u32 s12, $0x3  }
0x92: {  	[hbm:s19], [sflag:s3] =	dma.local [spmem:s6], $0x500  }
0x93: {  	[hbm:s20], [sflag:s3] =	dma.local [spmem:s15], $0x500  }
0x94: {  	s6 =	sshrl.u32 s13, $0x3;
	s15 =	sshrl.u32 s14, $0x3  }
0x95: {  	[hbm:s21], [sflag:s3] =	dma.local [spmem:s6], $0x500  }
0x96: {  	[hbm:s22], [sflag:s3] =	dma.local [spmem:s15], $0x500  }
0x97: {  	_ =	swait.ge [sflag:s30], $0x500  }
0x98: {  	[sflag:s30] =	ssyncset.done $0x0  }
0x99: {  	[sflag:s30] =	ssyncadd.s32 $0xFFFFFB00  }
0x9a: {  	_ =	swait.ge [sflag:s30], $0x500  }
0x9b: {  	[sflag:s30] =	ssyncset.done $0x0  }
0x9c: {  	[sflag:s30] =	ssyncadd.s32 $0xFFFFFB00  }
0x9d: {  	_ =	swait.ge [sflag:s30], $0x500  }
0x9e: {  	[sflag:s30] =	ssyncset.done $0x0  }
0x9f: {  	[sflag:s30] =	ssyncadd.s32 $0xFFFFFB00  }
0xa0: {  	_ =	swait.ge [sflag:s30], $0x500  }
0xa1: {  	[sflag:s30] =	ssyncset.done $0x0  }
0xa2: {  	[sflag:s30] =	ssyncadd.s32 $0xFFFFFB00  }
0xa3: {  	_ =	swait.ge [sflag:s30], $0x500  }
0xa4: {  	[sflag:s30] =	ssyncset.done $0x0  }
0xa5: {  	[sflag:s30] =	ssyncadd.s32 $0xFFFFFB00  }
0xa6: {  	_ =	swait.ge [sflag:s30], $0x500  }
0xa7: {  	[sflag:s30] =	ssyncset.done $0x0  }
0xa8: {  	s26 =	sadd.s32 $0x1, s26;
	[sflag:s30] =	ssyncadd.s32 $0xFFFFFB00  }
0xa9: {  	p0 =	sne.s32 s26, s23;
	_ =	swait.ge [sflag:s30], $0x500  }
.Ltmp2:
0xaa: {  	[sflag:s30] =	ssyncset.done $0x0;
	(pc) =	sbr.rel @p0 .LBB2_1-.Ltmp2, $4  }
0xab: {  	[sflag:s30] =	ssyncadd.s32 $0xFFFFFB00  }
0xac: {  	_ =	swait.ge [sflag:s30], $0x500  }
0xad: {  	[sflag:s30] =	ssyncset.done $0x0  }
0xae: {  	[sflag:s30] =	ssyncadd.s32 $0xFFFFFB00  }
0xaf: {  	_ =	sfence.sel $0x180000  }
0xb0: {  	[bflag:$0x0] =	sbarrier.arrive $0xFFFF  }
0xb1: {  	_ =	strace $0x9000004A  }
0xb2: {  	s0 =	stileid.u32;
	[bflag:$0x2] =	sbarrier.arrive $0xFFFF  }
0xb3: {  	p0 =	sne.s32 s0, $0x0;
	s0 =	rddreg [dreg:$0x3]  }
0xb4: {  	s0 =	sadd.s32 @!p0 $0x100000, s0  }
0xb5: {  	[sflag:s0] =	ssyncadd.tile.s32 @!p0 $0x1;
	_ =	shalt  }
.Lfunc_end2:
_tile_overlayer_lowered:
.L_overlay_start_2:
0xb6: {  	(tag) =	ssettag $0x2  }
0xb7: {  	s0 =	rddreg [dreg:$0x0];
	s2 =	stileid.u32  }
0xb8: {  	s1 =	rddreg [dreg:$0x1];
	p0 =	sne.s32 s2, $0x0  }
0xb9: {  	s3 =	rddreg [dreg:$0x2];
	[bflag:$0x3] =	sbarrier.arrive $0xFFFF;
	s2 =	simm.s32 @!p0 $0x1C05  }
0xba: {  	[timem:s3], [sflag:s2] =	dma.local @!p0 [hbm:s0], s1  }
0xbb: {  	s0 =	simm.s32 @!p0 $0x5  }
0xbc: {  	_ =	swait.ge @!p0 [sflag:s0], s1  }
0xbd: {  	s1 =	ssub.s32 @!p0 $0x0, s1;
	[sflag:s0] =	ssyncset.done @!p0 $0x0  }
0xbe: {  	[sflag:s0] =	ssyncadd.s32 @!p0 s1  }
0xbf: {  	[bflag:$0x3] =	sbarrier.arrive $0xFFFF  }
0xc0: {  	_ =	shalt  }

// kernel: kernel.15.cloned.1.call-start
scs
__scs_entry_jumppad:
0x0: {  	(pc) =	sbr.rel $0x88, $3  }
0x1: {  	(tag) =	ssettag $0x0;
	lr =	simm.s32 $0x1  }
0x2: {  	[smem:$0x3F98] =	sst lr;
	_ =	strace $0xD0000000  }
0x3: {  	_ = 	snop  }
0x4: {  	_ = 	snop  }
0x5: {  	_ = 	snop  }
0x6: {  	_ = 	snop  }
0x7: {  	_ = 	snop  }
__scs_overlays_trampoline_lowered:
0x8: {  	[smem:$0x3FA7] =	sst s0  }
0x9: {  	[smem:$0x3FA8] =	sst s1  }
0xa: {  	[smem:$0x3FA9] =	sst s2  }
0xb: {  	[smem:$0x3FAA] =	sst s3  }
0xc: {  	[smem:$0x3FAB] =	sst s4  }
0xd: {  	[smem:$0x3FAC] =	sst s5  }
0xe: {  	[smem:$0x3FAD] =	sst s6  }
0xf: {  	[smem:$0x3FAE] =	sst s7  }
0x10: {  	[smem:$0x3FAF] =	sst s8  }
0x11: {  	[smem:$0x3FB0] =	sst s9;
	s0 =	simm.s32 @!p0 $0x0  }
0x12: {  	s1 =	sld [smem:$0x3F96];
	s0 =	simm.s32 @p0 $0x1  }
0x13: {  	[smem:$0x3FB1] =	sst s0;
	s0 =	simm.s32 @!p1 $0x0  }
0x14: {  	s2 =	sld [smem:$0x3F95];
	s0 =	simm.s32 @p1 $0x1  }
0x15: {  	[smem:$0x3FB2] =	sst s0;
	s0 =	simm.s32 @!p2 $0x0  }
0x16: {  	s3 =	sld [smem:$0x3FDB];
	s0 =	simm.s32 @p2 $0x1  }
0x17: {  	s4 =	simm.s32 $0x1BF5;
	[smem:$0x3FB4] =	sst s0  }
0x18: {  	s0 =	sld [smem:$0x3F97];
	_ =	swait.ge [sflag:s4], $0x0  }
0x19: {  	s7 =	sld [smem:$0x3F98]  }
0x1a: {  	s8 =	sadd.s32 $0xFFFFE003, lr  }
0x1b: {  	s9 =	sadd.s32 $0xFFFFFEF7, lr;
	s5 =	simm.s32 $0xFFFFFFFF;
	p2 =	slt.u32 s8, $0xFFFFF086  }
0x1c: {  	p1 =	slt.u32 s9, $0xF7A;
	s5 =	simm.s32 @!p2 $0x0  }
0x1d: {  	s5 =	simm.s32 @p1 $0x1;
	p0 =	seq.s32 s7, s2  }
0x1e: {  	s7 =	smul.u32 @!p0 $0xF7A, s2;
	p2 =	seq.s32 @!p0 s5, $0x0  }
0x1f: {  	s9 =	smul.u32 $0xF7A, s1;
	s8 =	simm.s32 @!p0 $0x1BF5;
	p2 =	por !p2, p0  }
0x20: {  	[sflag:s8] =	ssyncset.s32 @!p0 $0xFFFFF086;
	s6 =	sadd.s32 @!p0 s3, s7;
	s7 =	simm.s32 @!p0 $0x108  }
0x21: {  	s3 =	sadd.s32 s3, s9;
	s6 =	sadd.s32 @!p0 $0x88, s6;
	s7 =	simm.s32 @p2 $0x1082  }
0x22: {  	[simem:s7], [sflag:s8] =	dma.local @!p0 [hbm:s6], $0xF7A  }
0x23: {  	s9 =	sor.u32 $0xD0000000, s2;
	s6 =	simm.s32 $0x108;
	_ =	swait.ge @!p0 [sflag:s8], $0x0  }
0x24: {  	s3 =	sadd.s32 $0x88, s3;
	s6 =	simm.s32 @!p1 $0x1082;
	[sflag:s4] =	ssyncset.s32 $0xFFFFF086  }
0x25: {  	[simem:s6], [sflag:s4] =	dma.local [hbm:s3], $0xF7A  }
0x26: {  	[smem:$0x3F98] =	sst s1;
	(tag) =	ssettag s2;
	_ =	strace s9  }
0x27: {  	s1 =	sld [smem:$0x3FA8]  }
0x28: {  	s2 =	sld [smem:$0x3FA9]  }
0x29: {  	s4 =	sld [smem:$0x3FAB]  }
0x2a: {  	p0 =	seq.s32 s5, $0x0;
	s5 =	sld [smem:$0x3FAC]  }
0x2b: {  	s6 =	sld [smem:$0x3FAD]  }
0x2c: {  	s7 =	sld [smem:$0x3FAE]  }
0x2d: {  	s3 =	simm.s32 $0x108;
	s8 =	sld [smem:$0x3FAF]  }
0x2e: {  	s3 =	simm.s32 @!p0 $0x1082;
	s9 =	sld [smem:$0x3FB0]  }
0x2f: {  	lr =	sadd.s32 s0, s3;
	s0 =	sld [smem:$0x3FA7]  }
0x30: {  	s3 =	sld [smem:$0x3FAA]  }
0x31: {  	[smem:$0x3FB3] =	sst s10  }
0x32: {  	s10 =	sld [smem:$0x3FB1];
	_ =	sdelay $0x3  }
0x33: {  	p0 =	seq.s32 s10, $0x1;
	s10 =	sld [smem:$0x3FB3];
	_ =	sdelay $0x3  }
0x34: {  	[smem:$0x3FB3] =	sst s10  }
0x35: {  	s10 =	sld [smem:$0x3FB2];
	_ =	sdelay $0x3  }
0x36: {  	p1 =	seq.s32 s10, $0x1;
	s10 =	sld [smem:$0x3FB3];
	_ =	sdelay $0x3  }
0x37: {  	[smem:$0x3FB3] =	sst s10  }
0x38: {  	s10 =	sld [smem:$0x3FB4]  }
0x39: {  	_ = 	snop;
	(pc) =	sbr.ind lr, $3  }
0x3a: {  	_ = 	snop  }
0x3b: {  	_ = 	snop  }
0x3c: {  	p2 =	seq.s32 s10, $0x1;
	s10 =	sld [smem:$0x3FB3]  }
0x3d: {  	_ =	shalt  }
0x3e: {  	_ =	shalt  }
0x3f: {  	_ =	shalt  }
0x40: {  	_ =	shalt  }
0x41: {  	_ =	shalt  }
0x42: {  	_ =	shalt  }
0x43: {  	_ =	shalt  }
0x44: {  	_ =	shalt  }
0x45: {  	_ =	shalt  }
0x46: {  	_ =	shalt  }
0x47: {  	_ =	shalt  }
0x48: {  	_ =	shalt  }
0x49: {  	_ =	shalt  }
0x4a: {  	_ =	shalt  }
0x4b: {  	_ =	shalt  }
0x4c: {  	_ =	shalt  }
0x4d: {  	_ =	shalt  }
0x4e: {  	_ =	shalt  }
0x4f: {  	_ =	shalt  }
0x50: {  	_ =	shalt  }
0x51: {  	_ =	shalt  }
0x52: {  	_ =	shalt  }
0x53: {  	_ =	shalt  }
0x54: {  	_ =	shalt  }
0x55: {  	_ =	shalt  }
0x56: {  	_ =	shalt  }
0x57: {  	_ =	shalt  }
0x58: {  	_ =	shalt  }
0x59: {  	_ =	shalt  }
0x5a: {  	_ =	shalt  }
0x5b: {  	_ =	shalt  }
0x5c: {  	_ =	shalt  }
0x5d: {  	_ =	shalt  }
0x5e: {  	_ =	shalt  }
0x5f: {  	_ =	shalt  }
0x60: {  	_ =	shalt  }
0x61: {  	_ =	shalt  }
0x62: {  	_ =	shalt  }
0x63: {  	_ =	shalt  }
0x64: {  	_ =	shalt  }
0x65: {  	_ =	shalt  }
0x66: {  	_ =	shalt  }
0x67: {  	_ =	shalt  }
0x68: {  	_ =	shalt  }
0x69: {  	_ =	shalt  }
0x6a: {  	_ =	shalt  }
0x6b: {  	_ =	shalt  }
0x6c: {  	_ =	shalt  }
0x6d: {  	_ =	shalt  }
0x6e: {  	_ =	shalt  }
0x6f: {  	_ =	shalt  }
0x70: {  	_ =	shalt  }
0x71: {  	_ =	shalt  }
0x72: {  	_ =	shalt  }
0x73: {  	_ =	shalt  }
0x74: {  	_ =	shalt  }
0x75: {  	_ =	shalt  }
0x76: {  	_ =	shalt  }
0x77: {  	_ =	shalt  }
0x78: {  	_ =	shalt  }
0x79: {  	_ =	shalt  }
0x7a: {  	_ =	shalt  }
0x7b: {  	_ =	shalt  }
0x7c: {  	_ =	shalt  }
0x7d: {  	_ =	shalt  }
0x7e: {  	_ =	shalt  }
0x7f: {  	_ =	shalt  }
0x80: {  	_ =	shalt  }
0x81: {  	_ =	shalt  }
0x82: {  	_ =	shalt  }
0x83: {  	_ =	shalt  }
0x84: {  	_ =	shalt  }
0x85: {  	_ =	shalt  }
0x86: {  	_ =	shalt  }
0x87: {  	_ =	shalt  }
.Lfunc_end0:
.L_simem_size_0:
called_computation.2_lowered:
.L_overlay_start_0:
0x88: {  	s2 =	sld [smem:$0x3FD9]  }
0x89: {  	s3 =	sld [smem:$0x3FFE];
	_ =	sdelay $0x1  }
0x8a: {  	s1 =	srdreg.scid  }
0x8b: {  	s0 =	sand.u32 $0x1, s1  }
0x8c: {  	s17 =	sshll.u32 s0, $0xA;
	s2 =	sadd.s32 s3, s2  }
0x8d: {  	s2 =	sadd.s32 s2, s17  }
0x8e: {  	[smem:$0x3FBF] =	sst s2  }
0x8f: {  	_ = 	snop  }
0x90: {  	s2 =	sld [smem:$0x3FD0];
	(tm) =	ssettm $0x1  }
0x91: {  	s18 =	sld [smem:$0x3FFB];
	_ =	sdelay $0x3  }
0x92: {  	_ =	strace s18  }
0x93: {  	s3 =	sld [smem:$0x3FFC];
	_ =	sdelay $0x3  }
0x94: {  	_ =	strace s3  }
0x95: {  	s3 =	sld [smem:$0x3FFD];
	_ =	sdelay $0x3  }
0x96: {  	_ =	strace s3  }
0x97: {  	_ =	strace $0x8FFFFFFF  }
0x98: {  	s19 =	sld [smem:$0x3FDB];
	_ =	sdelay $0x1  }
0x99: {  	s4 =	simm.s32 $_scs_section_size  }
0x9a: {  	s5 =	simm.s32 $_size__tile_overlayer_lowered;
	s6 =	simm.s32 $_tile_overlayer_lowered  }
0x9b: {  	s22 =	simm.s32 $0x1BFF;
	s21 =	sshll.u32 s6, $0x1;
	s3 =	sadd.s32 s4, s19  }
0x9c: {  	s7 =	simm.s32 $0x0;
	s20 =	sshll.u32 s5, $0x1;
	s5 =	sadd.s32 s21, s3  }
0x9d: {  	[timem:s7], [sflag:s22] =	dma.local [hbm:s5], s20  }
0x9e: {  	_ =	swait.ge [sflag:s22], s20  }
0x9f: {  	s4 =	ssub.s32 $0x0, s20;
	[sflag:s22] =	ssyncset.done $0x0  }
0xa0: {  	[sflag:s22] =	ssyncadd.s32 s4;
	_ =	sdelay $0x1  }
0xa1: {  	s23 =	simm.s32 $0x1B8B  }
0xa2: {  	_ =	swait.ge [sflag:s23], $0x1  }
0xa3: {  	[sflag:s23] =	ssyncset.done $0x0  }
0xa4: {  	s25 =	simm.s32 $0x1B8E;
	s24 =	sld [smem:$0x3FFE];
	[sflag:s23] =	ssyncadd.s32 $0xFFFFFFFF  }
0xa5: {  	s26 =	simm.s32 $execute0_lowered;
	[smem:$0x3FD2] =	sst s25  }
0xa6: {  	s5 =	sshll.u32 s26, $0x1;
	_ =	strace $0x8000004C;
	[dreg:$0x1] =	wrdreg $0xFFFFFFFF  }
0xa7: {  	s28 =	simm.s32 $_size_execute0_lowered;
	s3 =	sadd.s32 s3, s5;
	[dreg:$0x0] =	wrdreg $0x0  }
0xa8: {  	s5 =	sshll.u32 s28, $0x1;
	[dreg:$0x2] =	wrdreg s3  }
0xa9: {  	[dreg:$0x3] =	wrdreg s5  }
0xaa: {  	[dreg:$0x4] =	wrdreg $0xC0  }
0xab: {  	_ =	task [dreg:s7], $0x5FFFF  }
0xac: {  	[dreg:$0x1] =	wrdreg $0xFFFFFFFF  }
0xad: {  	[dreg:$0x0] =	wrdreg $0x60  }
0xae: {  	[dreg:$0x2] =	wrdreg s24  }
0xaf: {  	[dreg:$0x3] =	wrdreg s2  }
0xb0: {  	[dreg:$0x4] =	wrdreg $0xB7800  }
0xb1: {  	[dreg:$0x5] =	wrdreg $0x9  }
0xb2: {  	_ =	task.clear_ibuf [dreg:s7], $0x6FFFF;
	_ =	strace $0x9000004C  }
0xb3: {  	s29 =	simm.s32 $0x9;
	_ =	strace $0x8000004E  }
0xb4: {  	_ =	swait.ge [sflag:s29], $0x1  }
0xb5: {  	[sflag:s29] =	ssyncadd.s32 $0xFFFFFFFF  }
0xb6: {  	_ =	strace $0x9000004E  }
0xb7: {  	_ =	sfence  }
0xb8: {  	s30 =	sld [smem:$0x0];
	_ =	sdelay $0x2  }
0xb9: {  	s31 =	sshll.u32 s1, $0xD;
	s1 =	sshrl.u32 s1, $0x2  }
0xba: {  	s3 =	sand.u32 $0x4000, s31;
	s1 =	sadd.s32 s1, s30  }
0xbb: {  	s0 =	sor.u32 s3, s0;
	s1 =	sshll.u32 s1, $0x11  }
0xbc: {  	s0 =	sor.u32 s1, s0  }
0xbd: {  	s0 =	sadd.s32 $0x8F2B, s0  }
0xbe: {  	[sflag:s0] =	ssyncadd.remote.s32 $0x1  }
0xbf: {  	_ =	sfence.sel $0xFFFF  }
0xc0: {  	[dreg:$0x0] =	wrdreg $0xFFFFFFFF;
	(pc) =	sbr.abs _section_cstart, $3  }
0xc1: {  	[dreg:$0x1] =	wrdreg $0xFFFFFFFF  }
0xc2: {  	_ =	task.clear_ibuf [dreg:s7], $0x2FFFF;
	_ =	strace $0x9FFFFFFF  }
0xc3: {  	(tm) =	ssettm $0x7FFFFFFF  }
tec
execute0_lowered:
.L_overlay_start_1:
0x0: {  	(tag) =	ssettag $0x1  }
0x1: {  	s0 =	srdreg.scid;
	s3 =	rddreg [dreg:$0x0]  }
0x2: {  	s10 =	stileid.u32;
	s5 =	rddreg [dreg:$0x1]  }
0x3: {  	s2 =	rddreg [dreg:$0x2];
	s7 =	simm.s32 $0x0;
	s28 =	simm.s32 $0x6780  }
0x4: {  	s29 =	simm.s32 $0x3;
	s30 =	simm.s32 $0x1;
	s31 =	simm.s32 $0x2  }
0x5: {  	s0 =	sand.u32 $0x1, s0;
	s6 =	sshll.u32 s10, $0x7;
	s9 =	smul.u32 $0x50000, s10  }
0x6: {  	[smem:$0x7FF] =	sst s7;
	s14 =	smul.u32 $0x14000, s10;
	s1 =	sshll.u32 s0, $0x4  }
0x7: {  	s6 =	sand.u32 $0x380, s6;
	_ =	strace $0x8000004D;
	s21 =	ssub.s32 $0x2, s0  }
0x8: {  	s0 =	smul.u32 $0x140000, s0;
	s1 =	sor.u32 s10, s1;
	s8 =	sshrl.u32 s21, $0x1  }
0x9: {  	s22 =	sshrl.u32 s9, $0x2;
	s24 =	sor.u32 $0x2800, s14;
	s25 =	sadd.s32 $0x5000, s14  }
0xa: {  	s17 =	sadd.s32 $0x7800, s14;
	s18 =	sadd.s32 $0xA000, s14;
	s4 =	sshrl.u32 s1, $0x3  }
0xb: {  	s23 =	ssub.s32 s21, s8;
	s1 =	sshll.u32 s1, $0xB;
	s7 =	sadd.s32 s22, s2  }
0xc: {  	s8 =	sadd.s32 s24, s2;
	s9 =	sadd.s32 s25, s2;
	s10 =	sadd.s32 s17, s2  }
0xd: {  	s11 =	sadd.s32 s18, s2;
	s21 =	sadd.s32 $0xF000, s14;
	s15 =	sadd.s32 s14, s0  }
0xe: {  	s22 =	sadd.s32 $0x11800, s14;
	s19 =	sadd.s32 s0, s17;
	s4 =	smul.u32 $0x13C00, s4  }
0xf: {  	s1 =	sadd.s32 s5, s1;
	s13 =	sadd.s32 s21, s2;
	s15 =	sshrl.u32 s15, $0x3  }
0x10: {  	s5 =	sshrl.u32 s19, $0x3;
	s19 =	sadd.s32 s0, s18;
	s23 =	smax.u32 s23, $0x1  }
0x11: {  	[dreg:$0x5] =	wrdreg s1;
	s1 =	sadd.s32 s0, s24;
	s4 =	sor.u32 s6, s4  }
0x12: {  	s24 =	sshrl.u32 s19, $0x3;
	s1 =	sshrl.u32 s1, $0x3;
	s4 =	sshrl.u32 s4, $0x3  }
0x13: {  	s20 =	sadd.s32 s4, s3;
	s4 =	sadd.s32 $0xC400, s3;
	s3 =	sadd.s32 $0x33600, s3  }
0x14: {  	s6 =	sadd.s32 $0x2600, s20;
	s20 =	sadd.s32 $0xC800, s14;
	s14 =	sadd.s32 s22, s2  }
0x15: {  	s26 =	sadd.s32 s3, s15;
	s16 =	sadd.s32 s3, s1;
	s15 =	sadd.s32 s0, s25  }
0x16: {  	s18 =	sadd.s32 s3, s5;
	s19 =	sadd.s32 s3, s24;
	[dreg:$0x4] =	wrdreg s6  }
0x17: {  	s24 =	simm.s32 $0x5;
	s12 =	sadd.s32 s20, s2;
	[dreg:$0x6] =	wrdreg s26  }
0x18: {  	s1 =	sshrl.u32 s15, $0x3;
	s25 =	sadd.s32 s0, s20;
	s26 =	sadd.s32 s0, s21  }
0x19: {  	s0 =	sadd.s32 s0, s22;
	s17 =	sadd.s32 s3, s1;
	s1 =	sshrl.u32 s25, $0x3  }
0x1a: {  	s5 =	sshrl.u32 s26, $0x3;
	s0 =	sshrl.u32 s0, $0x3;
	s25 =	simm.s32 $0x4  }
0x1b: {  	s26 =	simm.s32 $0x0;
	s20 =	sadd.s32 s3, s1;
	s21 =	sadd.s32 s3, s5  }
0x1c: {  	v0 =	vimm.f32 $0.0e+00;
	s22 =	sadd.s32 s3, s0;
	s1 =	simm.s32 $0x50;
	s0 =	simm.s32 $0x8F80  }
.LBB2_1:
0x1d: {  	s3 =	simm.s32 $0x0  }
0x1e: {  	s5 =	rddreg [dreg:$0x4];
	s6 =	simm.s32 $0x80;
	s15 =	simm.s32 $0x400  }
0x1f: {  	[tilespmem:s3], [sflag:$0x1] =	stream.strided.gather [hbm4b:s5+s6], $0x2780, s15, s6, $0x38;
	[tilespmem:$0x1F780] =	vst v63  }
0x20: {  	s6 =	rddreg [dreg:$0x5];
	s15 =	simm.s32 $0x2780  }
0x21: {  	[tilespmem:s15], [sflag:$0x2] =	stream.linear.gather [hbm4b:s6+s3], $0x3E80, $0x38;
	[tilespmem:$0x1F780] =	vst v63  }
0x22: {  	s5 =	simm.s32 $0x200;
	s3 =	simm.s32 $0x0  }
.LBB2_2:
0x23: {  	p0 =	sne.s32 s5, $0x9E00;
	[tilespmem:s3+$0x67F0] =	vst v0  }
0x24: {  	[tilespmem:s3+$0x6780] =	vst v0  }
0x25: {  	[tilespmem:s3+$0x6790] =	vst v0  }
.Ltmp0:
0x26: {  	[tilespmem:s3+$0x67A0] =	vst v0;
	(pc) =	sbr.rel @p0 .LBB2_2-.Ltmp0, $4  }
0x27: {  	[tilespmem:s3+$0x67B0] =	vst v0  }
0x28: {  	[tilespmem:s3+$0x67C0] =	vst v0  }
0x29: {  	[tilespmem:s3+$0x67D0] =	vst v0  }
0x2a: {  	[tilespmem:s3+$0x67E0] =	vst v0;
	s3 =	sshra.s32 s5, $0x2;
	s5 =	sadd.s32 $0x200, s5  }
0x2b: {  	[tilespmem:s3+$0x67F0] =	vst v0  }
0x2c: {  	[tilespmem:s3+$0x6780] =	vst v0  }
0x2d: {  	[tilespmem:s3+$0x6790] =	vst v0  }
0x2e: {  	[tilespmem:s3+$0x67A0] =	vst v0  }
0x2f: {  	[tilespmem:s3+$0x67B0] =	vst v0  }
0x30: {  	[tilespmem:s3+$0x67C0] =	vst v0  }
0x31: {  	[tilespmem:s3+$0x67D0] =	vst v0  }
0x32: {  	[tilespmem:s3+$0x67E0] =	vst v0  }
0x33: {  	[spmem:s7] =	stream.linear.scatter [tilespmem:s28], [sflag:$0x3], $0x2800, $0x38;
	[tilespmem:$0x1F780] =	vst v63  }
0x34: {  	_ = 	snop  }
0x35: {  	[spmem:s8] =	stream.linear.scatter [tilespmem:s28], [sflag:$0x3], $0x2800, $0x38;
	[tilespmem:$0x1F780] =	vst v63  }
0x36: {  	_ = 	snop  }
0x37: {  	[spmem:s9] =	stream.linear.scatter [tilespmem:s28], [sflag:$0x3], $0x2800, $0x38;
	[tilespmem:$0x1F780] =	vst v63  }
0x38: {  	_ = 	snop  }
0x39: {  	[spmem:s10] =	stream.linear.scatter [tilespmem:s28], [sflag:$0x3], $0x2800, $0x38;
	[tilespmem:$0x1F780] =	vst v63  }
0x3a: {  	_ = 	snop  }
0x3b: {  	[spmem:s11] =	stream.linear.scatter [tilespmem:s28], [sflag:$0x3], $0x2800, $0x38;
	[tilespmem:$0x1F780] =	vst v63  }
0x3c: {  	_ = 	snop  }
0x3d: {  	[spmem:s12] =	stream.linear.scatter [tilespmem:s28], [sflag:$0x3], $0x2800, $0x38;
	[tilespmem:$0x1F780] =	vst v63  }
0x3e: {  	_ = 	snop  }
0x3f: {  	[spmem:s13] =	stream.linear.scatter [tilespmem:s28], [sflag:$0x3], $0x2800, $0x38;
	[tilespmem:$0x1F780] =	vst v63  }
0x40: {  	_ = 	snop  }
0x41: {  	[spmem:s14] =	stream.linear.scatter [tilespmem:s28], [sflag:$0x3], $0x2800, $0x38;
	[tilespmem:$0x1F780] =	vst v63  }
0x42: {  	_ =	swait.ge [sflag:s29], $0x2800  }
0x43: {  	[sflag:s29] =	ssyncset.done $0x0  }
0x44: {  	[sflag:s29] =	ssyncadd.s32 $0xFFFFD800  }
0x45: {  	_ =	swait.ge [sflag:s29], $0x2800  }
0x46: {  	[sflag:s29] =	ssyncset.done $0x0  }
0x47: {  	[sflag:s29] =	ssyncadd.s32 $0xFFFFD800  }
0x48: {  	_ =	swait.ge [sflag:s29], $0x2800  }
0x49: {  	[sflag:s29] =	ssyncset.done $0x0  }
0x4a: {  	[sflag:s29] =	ssyncadd.s32 $0xFFFFD800  }
0x4b: {  	_ =	swait.ge [sflag:s29], $0x2800  }
0x4c: {  	[sflag:s29] =	ssyncset.done $0x0  }
0x4d: {  	[sflag:s29] =	ssyncadd.s32 $0xFFFFD800  }
0x4e: {  	_ =	swait.ge [sflag:s29], $0x2800  }
0x4f: {  	[sflag:s29] =	ssyncset.done $0x0  }
0x50: {  	[sflag:s29] =	ssyncadd.s32 $0xFFFFD800  }
0x51: {  	_ =	swait.ge [sflag:s29], $0x2800  }
0x52: {  	[sflag:s29] =	ssyncset.done $0x0  }
0x53: {  	[sflag:s29] =	ssyncadd.s32 $0xFFFFD800  }
0x54: {  	_ =	swait.ge [sflag:s29], $0x2800  }
0x55: {  	[sflag:s29] =	ssyncset.done $0x0  }
0x56: {  	[sflag:s29] =	ssyncadd.s32 $0xFFFFD800  }
0x57: {  	_ =	swait.ge [sflag:s29], $0x2800  }
0x58: {  	[sflag:s29] =	ssyncset.done $0x0  }
0x59: {  	[sflag:s29] =	ssyncadd.s32 $0xFFFFD800  }
0x5a: {  	_ =	swait.ge [sflag:s30], $0x2780  }
0x5b: {  	[sflag:s30] =	ssyncset.done $0x0  }
0x5c: {  	[sflag:s30] =	ssyncadd.s32 $0xFFFFD880  }
0x5d: {  	_ =	swait.ge [sflag:s31], $0x3E80  }
0x5e: {  	[sflag:s31] =	ssyncset.done $0x0  }
0x5f: {  	[sflag:s31] =	ssyncadd.s32 $0xFFFFC180  }
0x60: {  	s3 =	simm.s32 $0x50;
	s5 =	simm.s32 $0x0;
	[bflag:$0x0] =	sbarrier.arrive $0xFFFF  }
0x61: {  	[tilespmem:s28], [sflag:$0x3] =	stream.indirect.gather [hbm4b:s4+s3], $0x80, s5, s3, $0xb8;
	[tilespmem:$0x1F780] =	vst v63  }
0x62: {  	_ = 	snop  }
0x63: {  	[tilespmem:s0], [sflag:$0x4] =	stream.indirect.gather [hbm4b:s4+s1], $0x80, s3, s1, $0xb8;
	[tilespmem:$0x1F780] =	vst v63  }
0x64: {  	_ =	swait.ge [sflag:s29], $0x2800  }
0x65: {  	[sflag:s29] =	ssyncset.done $0x0  }
0x66: {  	s15 =	simm.s32 $0x2780;
	[sflag:s29] =	ssyncadd.s32 $0xFFFFD800  }
0x67: {  	[spmem:s2] =	stream.indirect.scatter.add.f32 [tilespmem:s28], [sflag:$0x5], $0x80, s15, s1, $0xb8;
	[tilespmem:$0x1F780] =	vst v63  }
0x68: {  	_ =	swait.ge [sflag:s24], $0x2800  }
0x69: {  	[sflag:s24] =	ssyncset.done $0x0  }
0x6a: {  	s6 =	simm.s32 $0xA0;
	[sflag:s24] =	ssyncadd.s32 $0xFFFFD800  }
0x6b: {  	[tilespmem:s28], [sflag:$0x3] =	stream.indirect.gather [hbm4b:s4+s1], $0x80, s6, s1, $0xb8;
	[tilespmem:$0x1F780] =	vst v63  }
0x6c: {  	_ =	swait.ge [sflag:s25], $0x2800  }
0x6d: {  	[sflag:s25] =	ssyncset.done $0x0  }
0x6e: {  	s15 =	simm.s32 $0x2800;
	[sflag:s25] =	ssyncadd.s32 $0xFFFFD800  }
0x6f: {  	[spmem:s2] =	stream.indirect.scatter.add.f32 [tilespmem:s0], [sflag:$0x5], $0x80, s15, s1, $0xb8;
	[tilespmem:$0x1F780] =	vst v63  }
0x70: {  	_ =	swait.ge [sflag:s24], $0x2800  }
0x71: {  	s5 =	simm.s32 $0x400;
	[sflag:s24] =	ssyncset.done $0x0  }
.LBB2_4:
0x72: {  	p0 =	sne.s32 s5, $0xF400;
	[sflag:s24] =	ssyncadd.s32 $0xFFFFD800;
	s3 =	sadd.s32 $0xA0, s3  }
0x73: {  	[tilespmem:s0], [sflag:$0x4] =	stream.indirect.gather [hbm4b:s4+s1], $0x80, s3, s1, $0xb8;
	[tilespmem:$0x1F780] =	vst v63  }
0x74: {  	s6 =	smov.u32 s5;
	s5 =	sadd.s32 $0x400, s5;
	_ =	swait.ge [sflag:s29], $0x2800  }
0x75: {  	s6 =	sshra.s32 s6, $0x2;
	[sflag:s29] =	ssyncset.done $0x0  }
0x76: {  	s15 =	sadd.s32 $0x2780, s6;
	[sflag:s29] =	ssyncadd.s32 $0xFFFFD800  }
0x77: {  	[spmem:s2] =	stream.indirect.scatter.add.f32 [tilespmem:s28], [sflag:$0x5], $0x80, s15, s1, $0xb8;
	[tilespmem:$0x1F780] =	vst v63  }
0x78: {  	_ =	swait.ge [sflag:s24], $0x2800  }
0x79: {  	[sflag:s24] =	ssyncset.done $0x0  }
0x7a: {  	s15 =	sadd.s32 $0x50, s3;
	[sflag:s24] =	ssyncadd.s32 $0xFFFFD800  }
0x7b: {  	[tilespmem:s28], [sflag:$0x3] =	stream.indirect.gather [hbm4b:s4+s1], $0x80, s15, s1, $0xb8;
	[tilespmem:$0x1F780] =	vst v63  }
0x7c: {  	_ =	swait.ge [sflag:s25], $0x2800  }
.Ltmp1:
0x7d: {  	[sflag:s25] =	ssyncset.done $0x0;
	(pc) =	sbr.rel @p0 .LBB2_4-.Ltmp1, $4  }
0x7e: {  	s6 =	sadd.s32 $0x2800, s6;
	[sflag:s25] =	ssyncadd.s32 $0xFFFFD800  }
0x7f: {  	[spmem:s2] =	stream.indirect.scatter.add.f32 [tilespmem:s0], [sflag:$0x5], $0x80, s6, s1, $0xb8;
	[tilespmem:$0x1F780] =	vst v63  }
0x80: {  	_ =	swait.ge [sflag:s24], $0x2800  }
0x81: {  	[sflag:s24] =	ssyncset.done $0x0  }
0x82: {  	[sflag:s24] =	ssyncadd.s32 $0xFFFFD800  }
0x83: {  	_ =	swait.ge [sflag:s29], $0x2800  }
0x84: {  	[sflag:s29] =	ssyncset.done $0x0  }
0x85: {  	s3 =	simm.s32 $0x6580;
	[sflag:s29] =	ssyncadd.s32 $0xFFFFD800  }
0x86: {  	[spmem:s2] =	stream.indirect.scatter.add.f32 [tilespmem:s28], [sflag:$0x5], $0x80, s3, s1, $0xb8;
	[tilespmem:$0x1F780] =	vst v63  }
0x87: {  	_ =	swait.ge [sflag:s24], $0x2800  }
0x88: {  	[sflag:s24] =	ssyncset.done $0x0  }
0x89: {  	s6 =	stileid.u32;
	[sflag:s24] =	ssyncadd.s32 $0xFFFFD800  }
0x8a: {  	s5 =	sshrl.u32 s7, $0x3;
	s3 =	sshll.u32 s6, $0x6;
	[bflag:$0x0] =	sbarrier.arrive $0xFFFF  }
0x8b: {  	s15 =	sshrl.u32 s8, $0x3;
	s3 =	sor.u32 $0x1C01, s3;
	s6 =	rddreg [dreg:$0x6]  }
0x8c: {  	[hbm:s6], [sflag:s3] =	dma.local [spmem:s5], $0x500  }
0x8d: {  	[hbm:s16], [sflag:s3] =	dma.local [spmem:s15], $0x500  }
0x8e: {  	s6 =	sshrl.u32 s9, $0x3;
	s15 =	sshrl.u32 s10, $0x3  }
0x8f: {  	[hbm:s17], [sflag:s3] =	dma.local [spmem:s6], $0x500  }
0x90: {  	[hbm:s18], [sflag:s3] =	dma.local [spmem:s15], $0x500  }
0x91: {  	s6 =	sshrl.u32 s11, $0x3;
	s15 =	sshrl.u32 s12, $0x3  }
0x92: {  	[hbm:s19], [sflag:s3] =	dma.local [spmem:s6], $0x500  }
0x93: {  	[hbm:s20], [sflag:s3] =	dma.local [spmem:s15], $0x500  }
0x94: {  	s6 =	sshrl.u32 s13, $0x3;
	s15 =	sshrl.u32 s14, $0x3  }
0x95: {  	[hbm:s21], [sflag:s3] =	dma.local [spmem:s6], $0x500  }
0x96: {  	[hbm:s22], [sflag:s3] =	dma.local [spmem:s15], $0x500  }
0x97: {  	_ =	swait.ge [sflag:s30], $0x500  }
0x98: {  	[sflag:s30] =	ssyncset.done $0x0  }
0x99: {  	[sflag:s30] =	ssyncadd.s32 $0xFFFFFB00  }
0x9a: {  	_ =	swait.ge [sflag:s30], $0x500  }
0x9b: {  	[sflag:s30] =	ssyncset.done $0x0  }
0x9c: {  	[sflag:s30] =	ssyncadd.s32 $0xFFFFFB00  }
0x9d: {  	_ =	swait.ge [sflag:s30], $0x500  }
0x9e: {  	[sflag:s30] =	ssyncset.done $0x0  }
0x9f: {  	[sflag:s30] =	ssyncadd.s32 $0xFFFFFB00  }
0xa0: {  	_ =	swait.ge [sflag:s30], $0x500  }
0xa1: {  	[sflag:s30] =	ssyncset.done $0x0  }
0xa2: {  	[sflag:s30] =	ssyncadd.s32 $0xFFFFFB00  }
0xa3: {  	_ =	swait.ge [sflag:s30], $0x500  }
0xa4: {  	[sflag:s30] =	ssyncset.done $0x0  }
0xa5: {  	[sflag:s30] =	ssyncadd.s32 $0xFFFFFB00  }
0xa6: {  	_ =	swait.ge [sflag:s30], $0x500  }
0xa7: {  	[sflag:s30] =	ssyncset.done $0x0  }
0xa8: {  	s26 =	sadd.s32 $0x1, s26;
	[sflag:s30] =	ssyncadd.s32 $0xFFFFFB00  }
0xa9: {  	p0 =	sne.s32 s26, s23;
	_ =	swait.ge [sflag:s30], $0x500  }
.Ltmp2:
0xaa: {  	[sflag:s30] =	ssyncset.done $0x0;
	(pc) =	sbr.rel @p0 .LBB2_1-.Ltmp2, $4  }
0xab: {  	[sflag:s30] =	ssyncadd.s32 $0xFFFFFB00  }
0xac: {  	_ =	swait.ge [sflag:s30], $0x500  }
0xad: {  	[sflag:s30] =	ssyncset.done $0x0  }
0xae: {  	[sflag:s30] =	ssyncadd.s32 $0xFFFFFB00  }
0xaf: {  	_ =	sfence.sel $0x180000  }
0xb0: {  	[bflag:$0x0] =	sbarrier.arrive $0xFFFF  }
0xb1: {  	_ =	strace $0x9000004D  }
0xb2: {  	s0 =	stileid.u32;
	[bflag:$0x2] =	sbarrier.arrive $0xFFFF  }
0xb3: {  	p0 =	sne.s32 s0, $0x0;
	s0 =	rddreg [dreg:$0x3]  }
0xb4: {  	s0 =	sadd.s32 @!p0 $0x100000, s0  }
0xb5: {  	[sflag:s0] =	ssyncadd.tile.s32 @!p0 $0x1;
	_ =	shalt  }
.Lfunc_end2:
_tile_overlayer_lowered:
.L_overlay_start_2:
0xb6: {  	(tag) =	ssettag $0x2  }
0xb7: {  	s0 =	rddreg [dreg:$0x0];
	s2 =	stileid.u32  }
0xb8: {  	s1 =	rddreg [dreg:$0x1];
	p0 =	sne.s32 s2, $0x0  }
0xb9: {  	s3 =	rddreg [dreg:$0x2];
	[bflag:$0x3] =	sbarrier.arrive $0xFFFF;
	s2 =	simm.s32 @!p0 $0x1C05  }
0xba: {  	[timem:s3], [sflag:s2] =	dma.local @!p0 [hbm:s0], s1  }
0xbb: {  	s0 =	simm.s32 @!p0 $0x5  }
0xbc: {  	_ =	swait.ge @!p0 [sflag:s0], s1  }
0xbd: {  	s1 =	ssub.s32 @!p0 $0x0, s1;
	[sflag:s0] =	ssyncset.done @!p0 $0x0  }
0xbe: {  	[sflag:s0] =	ssyncadd.s32 @!p0 s1  }
0xbf: {  	[bflag:$0x3] =	sbarrier.arrive $0xFFFF  }
0xc0: {  	_ =	shalt  }

// kernel: kernel.9.cloned.1.call-start
scs
__scs_entry_jumppad:
0x0: {  	(pc) =	sbr.rel $0x88, $3  }
0x1: {  	(tag) =	ssettag $0x0;
	lr =	simm.s32 $0x1  }
0x2: {  	[smem:$0x3F98] =	sst lr;
	_ =	strace $0xD0000000  }
0x3: {  	_ = 	snop  }
0x4: {  	_ = 	snop  }
0x5: {  	_ = 	snop  }
0x6: {  	_ = 	snop  }
0x7: {  	_ = 	snop  }
__scs_overlays_trampoline_lowered:
0x8: {  	[smem:$0x3FA7] =	sst s0  }
0x9: {  	[smem:$0x3FA8] =	sst s1  }
0xa: {  	[smem:$0x3FA9] =	sst s2  }
0xb: {  	[smem:$0x3FAA] =	sst s3  }
0xc: {  	[smem:$0x3FAB] =	sst s4  }
0xd: {  	[smem:$0x3FAC] =	sst s5  }
0xe: {  	[smem:$0x3FAD] =	sst s6  }
0xf: {  	[smem:$0x3FAE] =	sst s7  }
0x10: {  	[smem:$0x3FAF] =	sst s8  }
0x11: {  	[smem:$0x3FB0] =	sst s9;
	s0 =	simm.s32 @!p0 $0x0  }
0x12: {  	s1 =	sld [smem:$0x3F96];
	s0 =	simm.s32 @p0 $0x1  }
0x13: {  	[smem:$0x3FB1] =	sst s0;
	s0 =	simm.s32 @!p1 $0x0  }
0x14: {  	s2 =	sld [smem:$0x3F95];
	s0 =	simm.s32 @p1 $0x1  }
0x15: {  	[smem:$0x3FB2] =	sst s0;
	s0 =	simm.s32 @!p2 $0x0  }
0x16: {  	s3 =	sld [smem:$0x3FDB];
	s0 =	simm.s32 @p2 $0x1  }
0x17: {  	s4 =	simm.s32 $0x1BF5;
	[smem:$0x3FB4] =	sst s0  }
0x18: {  	s0 =	sld [smem:$0x3F97];
	_ =	swait.ge [sflag:s4], $0x0  }
0x19: {  	s7 =	sld [smem:$0x3F98]  }
0x1a: {  	s8 =	sadd.s32 $0xFFFFE003, lr  }
0x1b: {  	s9 =	sadd.s32 $0xFFFFFEF7, lr;
	s5 =	simm.s32 $0xFFFFFFFF;
	p2 =	slt.u32 s8, $0xFFFFF086  }
0x1c: {  	p1 =	slt.u32 s9, $0xF7A;
	s5 =	simm.s32 @!p2 $0x0  }
0x1d: {  	s5 =	simm.s32 @p1 $0x1;
	p0 =	seq.s32 s7, s2  }
0x1e: {  	s7 =	smul.u32 @!p0 $0xF7A, s2;
	p2 =	seq.s32 @!p0 s5, $0x0  }
0x1f: {  	s9 =	smul.u32 $0xF7A, s1;
	s8 =	simm.s32 @!p0 $0x1BF5;
	p2 =	por !p2, p0  }
0x20: {  	[sflag:s8] =	ssyncset.s32 @!p0 $0xFFFFF086;
	s6 =	sadd.s32 @!p0 s3, s7;
	s7 =	simm.s32 @!p0 $0x108  }
0x21: {  	s3 =	sadd.s32 s3, s9;
	s6 =	sadd.s32 @!p0 $0x88, s6;
	s7 =	simm.s32 @p2 $0x1082  }
0x22: {  	[simem:s7], [sflag:s8] =	dma.local @!p0 [hbm:s6], $0xF7A  }
0x23: {  	s9 =	sor.u32 $0xD0000000, s2;
	s6 =	simm.s32 $0x108;
	_ =	swait.ge @!p0 [sflag:s8], $0x0  }
0x24: {  	s3 =	sadd.s32 $0x88, s3;
	s6 =	simm.s32 @!p1 $0x1082;
	[sflag:s4] =	ssyncset.s32 $0xFFFFF086  }
0x25: {  	[simem:s6], [sflag:s4] =	dma.local [hbm:s3], $0xF7A  }
0x26: {  	[smem:$0x3F98] =	sst s1;
	(tag) =	ssettag s2;
	_ =	strace s9  }
0x27: {  	s1 =	sld [smem:$0x3FA8]  }
0x28: {  	s2 =	sld [smem:$0x3FA9]  }
0x29: {  	s4 =	sld [smem:$0x3FAB]  }
0x2a: {  	p0 =	seq.s32 s5, $0x0;
	s5 =	sld [smem:$0x3FAC]  }
0x2b: {  	s6 =	sld [smem:$0x3FAD]  }
0x2c: {  	s7 =	sld [smem:$0x3FAE]  }
0x2d: {  	s3 =	simm.s32 $0x108;
	s8 =	sld [smem:$0x3FAF]  }
0x2e: {  	s3 =	simm.s32 @!p0 $0x1082;
	s9 =	sld [smem:$0x3FB0]  }
0x2f: {  	lr =	sadd.s32 s0, s3;
	s0 =	sld [smem:$0x3FA7]  }
0x30: {  	s3 =	sld [smem:$0x3FAA]  }
0x31: {  	[smem:$0x3FB3] =	sst s10  }
0x32: {  	s10 =	sld [smem:$0x3FB1];
	_ =	sdelay $0x3  }
0x33: {  	p0 =	seq.s32 s10, $0x1;
	s10 =	sld [smem:$0x3FB3];
	_ =	sdelay $0x3  }
0x34: {  	[smem:$0x3FB3] =	sst s10  }
0x35: {  	s10 =	sld [smem:$0x3FB2];
	_ =	sdelay $0x3  }
0x36: {  	p1 =	seq.s32 s10, $0x1;
	s10 =	sld [smem:$0x3FB3];
	_ =	sdelay $0x3  }
0x37: {  	[smem:$0x3FB3] =	sst s10  }
0x38: {  	s10 =	sld [smem:$0x3FB4]  }
0x39: {  	_ = 	snop;
	(pc) =	sbr.ind lr, $3  }
0x3a: {  	_ = 	snop  }
0x3b: {  	_ = 	snop  }
0x3c: {  	p2 =	seq.s32 s10, $0x1;
	s10 =	sld [smem:$0x3FB3]  }
0x3d: {  	_ =	shalt  }
0x3e: {  	_ =	shalt  }
0x3f: {  	_ =	shalt  }
0x40: {  	_ =	shalt  }
0x41: {  	_ =	shalt  }
0x42: {  	_ =	shalt  }
0x43: {  	_ =	shalt  }
0x44: {  	_ =	shalt  }
0x45: {  	_ =	shalt  }
0x46: {  	_ =	shalt  }
0x47: {  	_ =	shalt  }
0x48: {  	_ =	shalt  }
0x49: {  	_ =	shalt  }
0x4a: {  	_ =	shalt  }
0x4b: {  	_ =	shalt  }
0x4c: {  	_ =	shalt  }
0x4d: {  	_ =	shalt  }
0x4e: {  	_ =	shalt  }
0x4f: {  	_ =	shalt  }
0x50: {  	_ =	shalt  }
0x51: {  	_ =	shalt  }
0x52: {  	_ =	shalt  }
0x53: {  	_ =	shalt  }
0x54: {  	_ =	shalt  }
0x55: {  	_ =	shalt  }
0x56: {  	_ =	shalt  }
0x57: {  	_ =	shalt  }
0x58: {  	_ =	shalt  }
0x59: {  	_ =	shalt  }
0x5a: {  	_ =	shalt  }
0x5b: {  	_ =	shalt  }
0x5c: {  	_ =	shalt  }
0x5d: {  	_ =	shalt  }
0x5e: {  	_ =	shalt  }
0x5f: {  	_ =	shalt  }
0x60: {  	_ =	shalt  }
0x61: {  	_ =	shalt  }
0x62: {  	_ =	shalt  }
0x63: {  	_ =	shalt  }
0x64: {  	_ =	shalt  }
0x65: {  	_ =	shalt  }
0x66: {  	_ =	shalt  }
0x67: {  	_ =	shalt  }
0x68: {  	_ =	shalt  }
0x69: {  	_ =	shalt  }
0x6a: {  	_ =	shalt  }
0x6b: {  	_ =	shalt  }
0x6c: {  	_ =	shalt  }
0x6d: {  	_ =	shalt  }
0x6e: {  	_ =	shalt  }
0x6f: {  	_ =	shalt  }
0x70: {  	_ =	shalt  }
0x71: {  	_ =	shalt  }
0x72: {  	_ =	shalt  }
0x73: {  	_ =	shalt  }
0x74: {  	_ =	shalt  }
0x75: {  	_ =	shalt  }
0x76: {  	_ =	shalt  }
0x77: {  	_ =	shalt  }
0x78: {  	_ =	shalt  }
0x79: {  	_ =	shalt  }
0x7a: {  	_ =	shalt  }
0x7b: {  	_ =	shalt  }
0x7c: {  	_ =	shalt  }
0x7d: {  	_ =	shalt  }
0x7e: {  	_ =	shalt  }
0x7f: {  	_ =	shalt  }
0x80: {  	_ =	shalt  }
0x81: {  	_ =	shalt  }
0x82: {  	_ =	shalt  }
0x83: {  	_ =	shalt  }
0x84: {  	_ =	shalt  }
0x85: {  	_ =	shalt  }
0x86: {  	_ =	shalt  }
0x87: {  	_ =	shalt  }
.Lfunc_end0:
.L_simem_size_0:
called_computation_lowered:
.L_overlay_start_0:
0x88: {  	s2 =	sld [smem:$0x3FD9]  }
0x89: {  	s3 =	sld [smem:$0x3FFE];
	_ =	sdelay $0x1  }
0x8a: {  	s1 =	srdreg.scid  }
0x8b: {  	s0 =	sand.u32 $0x1, s1  }
0x8c: {  	s17 =	sshll.u32 s0, $0xA;
	s2 =	sadd.s32 s3, s2  }
0x8d: {  	s2 =	sadd.s32 s2, s17  }
0x8e: {  	[smem:$0x3FBF] =	sst s2  }
0x8f: {  	_ = 	snop  }
0x90: {  	s2 =	sld [smem:$0x3FD0];
	(tm) =	ssettm $0x1  }
0x91: {  	s18 =	sld [smem:$0x3FFB];
	_ =	sdelay $0x3  }
0x92: {  	_ =	strace s18  }
0x93: {  	s3 =	sld [smem:$0x3FFC];
	_ =	sdelay $0x3  }
0x94: {  	_ =	strace s3  }
0x95: {  	s3 =	sld [smem:$0x3FFD];
	_ =	sdelay $0x3  }
0x96: {  	_ =	strace s3  }
0x97: {  	_ =	strace $0x8FFFFFFF  }
0x98: {  	s19 =	sld [smem:$0x3FDB];
	_ =	sdelay $0x1  }
0x99: {  	s4 =	simm.s32 $_scs_section_size  }
0x9a: {  	s5 =	simm.s32 $_size__tile_overlayer_lowered;
	s6 =	simm.s32 $_tile_overlayer_lowered  }
0x9b: {  	s22 =	simm.s32 $0x1BFF;
	s21 =	sshll.u32 s6, $0x1;
	s3 =	sadd.s32 s4, s19  }
0x9c: {  	s7 =	simm.s32 $0x0;
	s20 =	sshll.u32 s5, $0x1;
	s5 =	sadd.s32 s21, s3  }
0x9d: {  	[timem:s7], [sflag:s22] =	dma.local [hbm:s5], s20  }
0x9e: {  	_ =	swait.ge [sflag:s22], s20  }
0x9f: {  	s4 =	ssub.s32 $0x0, s20;
	[sflag:s22] =	ssyncset.done $0x0  }
0xa0: {  	[sflag:s22] =	ssyncadd.s32 s4;
	_ =	sdelay $0x1  }
0xa1: {  	s23 =	simm.s32 $0x1B8B  }
0xa2: {  	_ =	swait.ge [sflag:s23], $0x1  }
0xa3: {  	[sflag:s23] =	ssyncset.done $0x0  }
0xa4: {  	s25 =	simm.s32 $0x1B8E;
	s24 =	sld [smem:$0x3FFE];
	[sflag:s23] =	ssyncadd.s32 $0xFFFFFFFF  }
0xa5: {  	s26 =	simm.s32 $execute0_lowered;
	[smem:$0x3FD2] =	sst s25  }
0xa6: {  	s5 =	sshll.u32 s26, $0x1;
	_ =	strace $0x80000046;
	[dreg:$0x1] =	wrdreg $0xFFFFFFFF  }
0xa7: {  	s28 =	simm.s32 $_size_execute0_lowered;
	s3 =	sadd.s32 s3, s5;
	[dreg:$0x0] =	wrdreg $0x0  }
0xa8: {  	s5 =	sshll.u32 s28, $0x1;
	[dreg:$0x2] =	wrdreg s3  }
0xa9: {  	[dreg:$0x3] =	wrdreg s5  }
0xaa: {  	[dreg:$0x4] =	wrdreg $0xC0  }
0xab: {  	_ =	task [dreg:s7], $0x5FFFF  }
0xac: {  	[dreg:$0x1] =	wrdreg $0xFFFFFFFF  }
0xad: {  	[dreg:$0x0] =	wrdreg $0x60  }
0xae: {  	[dreg:$0x2] =	wrdreg s24  }
0xaf: {  	[dreg:$0x3] =	wrdreg s2  }
0xb0: {  	[dreg:$0x4] =	wrdreg $0xB7800  }
0xb1: {  	[dreg:$0x5] =	wrdreg $0x9  }
0xb2: {  	_ =	task.clear_ibuf [dreg:s7], $0x6FFFF;
	_ =	strace $0x90000046  }
0xb3: {  	s29 =	simm.s32 $0x9;
	_ =	strace $0x80000048  }
0xb4: {  	_ =	swait.ge [sflag:s29], $0x1  }
0xb5: {  	[sflag:s29] =	ssyncadd.s32 $0xFFFFFFFF  }
0xb6: {  	_ =	strace $0x90000048  }
0xb7: {  	_ =	sfence  }
0xb8: {  	s30 =	sld [smem:$0x0];
	_ =	sdelay $0x2  }
0xb9: {  	s31 =	sshll.u32 s1, $0xD;
	s1 =	sshrl.u32 s1, $0x2  }
0xba: {  	s3 =	sand.u32 $0x4000, s31;
	s1 =	sadd.s32 s1, s30  }
0xbb: {  	s0 =	sor.u32 s3, s0;
	s1 =	sshll.u32 s1, $0x11  }
0xbc: {  	s0 =	sor.u32 s1, s0  }
0xbd: {  	s0 =	sadd.s32 $0x8F2B, s0  }
0xbe: {  	[sflag:s0] =	ssyncadd.remote.s32 $0x1  }
0xbf: {  	_ =	sfence.sel $0xFFFF  }
0xc0: {  	[dreg:$0x0] =	wrdreg $0xFFFFFFFF;
	(pc) =	sbr.abs _section_cstart, $3  }
0xc1: {  	[dreg:$0x1] =	wrdreg $0xFFFFFFFF  }
0xc2: {  	_ =	task.clear_ibuf [dreg:s7], $0x2FFFF;
	_ =	strace $0x9FFFFFFF  }
0xc3: {  	(tm) =	ssettm $0x7FFFFFFF  }
tec
execute0_lowered:
.L_overlay_start_1:
0x0: {  	(tag) =	ssettag $0x1  }
0x1: {  	s0 =	srdreg.scid;
	s3 =	rddreg [dreg:$0x0]  }
0x2: {  	s10 =	stileid.u32;
	s5 =	rddreg [dreg:$0x1]  }
0x3: {  	s2 =	rddreg [dreg:$0x2];
	s7 =	simm.s32 $0x0;
	s28 =	simm.s32 $0x6780  }
0x4: {  	s29 =	simm.s32 $0x3;
	s30 =	simm.s32 $0x1;
	s31 =	simm.s32 $0x2  }
0x5: {  	s0 =	sand.u32 $0x1, s0;
	s6 =	sshll.u32 s10, $0x7;
	s9 =	smul.u32 $0x50000, s10  }
0x6: {  	[smem:$0x7FF] =	sst s7;
	s14 =	smul.u32 $0x14000, s10;
	s1 =	sshll.u32 s0, $0x4  }
0x7: {  	s6 =	sand.u32 $0x380, s6;
	_ =	strace $0x80000047;
	s21 =	ssub.s32 $0x2, s0  }
0x8: {  	s0 =	smul.u32 $0x140000, s0;
	s1 =	sor.u32 s10, s1;
	s8 =	sshrl.u32 s21, $0x1  }
0x9: {  	s22 =	sshrl.u32 s9, $0x2;
	s24 =	sor.u32 $0x2800, s14;
	s25 =	sadd.s32 $0x5000, s14  }
0xa: {  	s17 =	sadd.s32 $0x7800, s14;
	s18 =	sadd.s32 $0xA000, s14;
	s4 =	sshrl.u32 s1, $0x3  }
0xb: {  	s23 =	ssub.s32 s21, s8;
	s1 =	sshll.u32 s1, $0xB;
	s7 =	sadd.s32 s22, s2  }
0xc: {  	s8 =	sadd.s32 s24, s2;
	s9 =	sadd.s32 s25, s2;
	s10 =	sadd.s32 s17, s2  }
0xd: {  	s11 =	sadd.s32 s18, s2;
	s21 =	sadd.s32 $0xF000, s14;
	s15 =	sadd.s32 s14, s0  }
0xe: {  	s22 =	sadd.s32 $0x11800, s14;
	s19 =	sadd.s32 s0, s17;
	s4 =	smul.u32 $0x13C00, s4  }
0xf: {  	s1 =	sadd.s32 s5, s1;
	s13 =	sadd.s32 s21, s2;
	s15 =	sshrl.u32 s15, $0x3  }
0x10: {  	s5 =	sshrl.u32 s19, $0x3;
	s19 =	sadd.s32 s0, s18;
	s23 =	smax.u32 s23, $0x1  }
0x11: {  	[dreg:$0x5] =	wrdreg s1;
	s1 =	sadd.s32 s0, s24;
	s4 =	sor.u32 s6, s4  }
0x12: {  	s24 =	sshrl.u32 s19, $0x3;
	s1 =	sshrl.u32 s1, $0x3;
	s4 =	sshrl.u32 s4, $0x3  }
0x13: {  	s20 =	sadd.s32 s4, s3;
	s4 =	sadd.s32 $0xC400, s3;
	s3 =	sadd.s32 $0x33600, s3  }
0x14: {  	s6 =	sadd.s32 $0x2600, s20;
	s20 =	sadd.s32 $0xC800, s14;
	s14 =	sadd.s32 s22, s2  }
0x15: {  	s26 =	sadd.s32 s3, s15;
	s16 =	sadd.s32 s3, s1;
	s15 =	sadd.s32 s0, s25  }
0x16: {  	s18 =	sadd.s32 s3, s5;
	s19 =	sadd.s32 s3, s24;
	[dreg:$0x4] =	wrdreg s6  }
0x17: {  	s24 =	simm.s32 $0x5;
	s12 =	sadd.s32 s20, s2;
	[dreg:$0x6] =	wrdreg s26  }
0x18: {  	s1 =	sshrl.u32 s15, $0x3;
	s25 =	sadd.s32 s0, s20;
	s26 =	sadd.s32 s0, s21  }
0x19: {  	s0 =	sadd.s32 s0, s22;
	s17 =	sadd.s32 s3, s1;
	s1 =	sshrl.u32 s25, $0x3  }
0x1a: {  	s5 =	sshrl.u32 s26, $0x3;
	s0 =	sshrl.u32 s0, $0x3;
	s25 =	simm.s32 $0x4  }
0x1b: {  	s26 =	simm.s32 $0x0;
	s20 =	sadd.s32 s3, s1;
	s21 =	sadd.s32 s3, s5  }
0x1c: {  	v0 =	vimm.f32 $0.0e+00;
	s22 =	sadd.s32 s3, s0;
	s1 =	simm.s32 $0x50;
	s0 =	simm.s32 $0x8F80  }
.LBB2_1:
0x1d: {  	s3 =	simm.s32 $0x0  }
0x1e: {  	s5 =	rddreg [dreg:$0x4];
	s6 =	simm.s32 $0x80;
	s15 =	simm.s32 $0x400  }
0x1f: {  	[tilespmem:s3], [sflag:$0x1] =	stream.strided.gather [hbm4b:s5+s6], $0x2780, s15, s6, $0x38;
	[tilespmem:$0x1F780] =	vst v63  }
0x20: {  	s6 =	rddreg [dreg:$0x5];
	s15 =	simm.s32 $0x2780  }
0x21: {  	[tilespmem:s15], [sflag:$0x2] =	stream.linear.gather [hbm4b:s6+s3], $0x3E80, $0x38;
	[tilespmem:$0x1F780] =	vst v63  }
0x22: {  	s5 =	simm.s32 $0x200;
	s3 =	simm.s32 $0x0  }
.LBB2_2:
0x23: {  	p0 =	sne.s32 s5, $0x9E00;
	[tilespmem:s3+$0x67F0] =	vst v0  }
0x24: {  	[tilespmem:s3+$0x6780] =	vst v0  }
0x25: {  	[tilespmem:s3+$0x6790] =	vst v0  }
.Ltmp0:
0x26: {  	[tilespmem:s3+$0x67A0] =	vst v0;
	(pc) =	sbr.rel @p0 .LBB2_2-.Ltmp0, $4  }
0x27: {  	[tilespmem:s3+$0x67B0] =	vst v0  }
0x28: {  	[tilespmem:s3+$0x67C0] =	vst v0  }
0x29: {  	[tilespmem:s3+$0x67D0] =	vst v0  }
0x2a: {  	[tilespmem:s3+$0x67E0] =	vst v0;
	s3 =	sshra.s32 s5, $0x2;
	s5 =	sadd.s32 $0x200, s5  }
0x2b: {  	[tilespmem:s3+$0x67F0] =	vst v0  }
0x2c: {  	[tilespmem:s3+$0x6780] =	vst v0  }
0x2d: {  	[tilespmem:s3+$0x6790] =	vst v0  }
0x2e: {  	[tilespmem:s3+$0x67A0] =	vst v0  }
0x2f: {  	[tilespmem:s3+$0x67B0] =	vst v0  }
0x30: {  	[tilespmem:s3+$0x67C0] =	vst v0  }
0x31: {  	[tilespmem:s3+$0x67D0] =	vst v0  }
0x32: {  	[tilespmem:s3+$0x67E0] =	vst v0  }
0x33: {  	[spmem:s7] =	stream.linear.scatter [tilespmem:s28], [sflag:$0x3], $0x2800, $0x38;
	[tilespmem:$0x1F780] =	vst v63  }
0x34: {  	_ = 	snop  }
0x35: {  	[spmem:s8] =	stream.linear.scatter [tilespmem:s28], [sflag:$0x3], $0x2800, $0x38;
	[tilespmem:$0x1F780] =	vst v63  }
0x36: {  	_ = 	snop  }
0x37: {  	[spmem:s9] =	stream.linear.scatter [tilespmem:s28], [sflag:$0x3], $0x2800, $0x38;
	[tilespmem:$0x1F780] =	vst v63  }
0x38: {  	_ = 	snop  }
0x39: {  	[spmem:s10] =	stream.linear.scatter [tilespmem:s28], [sflag:$0x3], $0x2800, $0x38;
	[tilespmem:$0x1F780] =	vst v63  }
0x3a: {  	_ = 	snop  }
0x3b: {  	[spmem:s11] =	stream.linear.scatter [tilespmem:s28], [sflag:$0x3], $0x2800, $0x38;
	[tilespmem:$0x1F780] =	vst v63  }
0x3c: {  	_ = 	snop  }
0x3d: {  	[spmem:s12] =	stream.linear.scatter [tilespmem:s28], [sflag:$0x3], $0x2800, $0x38;
	[tilespmem:$0x1F780] =	vst v63  }
0x3e: {  	_ = 	snop  }
0x3f: {  	[spmem:s13] =	stream.linear.scatter [tilespmem:s28], [sflag:$0x3], $0x2800, $0x38;
	[tilespmem:$0x1F780] =	vst v63  }
0x40: {  	_ = 	snop  }
0x41: {  	[spmem:s14] =	stream.linear.scatter [tilespmem:s28], [sflag:$0x3], $0x2800, $0x38;
	[tilespmem:$0x1F780] =	vst v63  }
0x42: {  	_ =	swait.ge [sflag:s29], $0x2800  }
0x43: {  	[sflag:s29] =	ssyncset.done $0x0  }
0x44: {  	[sflag:s29] =	ssyncadd.s32 $0xFFFFD800  }
0x45: {  	_ =	swait.ge [sflag:s29], $0x2800  }
0x46: {  	[sflag:s29] =	ssyncset.done $0x0  }
0x47: {  	[sflag:s29] =	ssyncadd.s32 $0xFFFFD800  }
0x48: {  	_ =	swait.ge [sflag:s29], $0x2800  }
0x49: {  	[sflag:s29] =	ssyncset.done $0x0  }
0x4a: {  	[sflag:s29] =	ssyncadd.s32 $0xFFFFD800  }
0x4b: {  	_ =	swait.ge [sflag:s29], $0x2800  }
0x4c: {  	[sflag:s29] =	ssyncset.done $0x0  }
0x4d: {  	[sflag:s29] =	ssyncadd.s32 $0xFFFFD800  }
0x4e: {  	_ =	swait.ge [sflag:s29], $0x2800  }
0x4f: {  	[sflag:s29] =	ssyncset.done $0x0  }
0x50: {  	[sflag:s29] =	ssyncadd.s32 $0xFFFFD800  }
0x51: {  	_ =	swait.ge [sflag:s29], $0x2800  }
0x52: {  	[sflag:s29] =	ssyncset.done $0x0  }
0x53: {  	[sflag:s29] =	ssyncadd.s32 $0xFFFFD800  }
0x54: {  	_ =	swait.ge [sflag:s29], $0x2800  }
0x55: {  	[sflag:s29] =	ssyncset.done $0x0  }
0x56: {  	[sflag:s29] =	ssyncadd.s32 $0xFFFFD800  }
0x57: {  	_ =	swait.ge [sflag:s29], $0x2800  }
0x58: {  	[sflag:s29] =	ssyncset.done $0x0  }
0x59: {  	[sflag:s29] =	ssyncadd.s32 $0xFFFFD800  }
0x5a: {  	_ =	swait.ge [sflag:s30], $0x2780  }
0x5b: {  	[sflag:s30] =	ssyncset.done $0x0  }
0x5c: {  	[sflag:s30] =	ssyncadd.s32 $0xFFFFD880  }
0x5d: {  	_ =	swait.ge [sflag:s31], $0x3E80  }
0x5e: {  	[sflag:s31] =	ssyncset.done $0x0  }
0x5f: {  	[sflag:s31] =	ssyncadd.s32 $0xFFFFC180  }
0x60: {  	s3 =	simm.s32 $0x50;
	s5 =	simm.s32 $0x0;
	[bflag:$0x0] =	sbarrier.arrive $0xFFFF  }
0x61: {  	[tilespmem:s28], [sflag:$0x3] =	stream.indirect.gather [hbm4b:s4+s3], $0x80, s5, s3, $0xb8;
	[tilespmem:$0x1F780] =	vst v63  }
0x62: {  	_ = 	snop  }
0x63: {  	[tilespmem:s0], [sflag:$0x4] =	stream.indirect.gather [hbm4b:s4+s1], $0x80, s3, s1, $0xb8;
	[tilespmem:$0x1F780] =	vst v63  }
0x64: {  	_ =	swait.ge [sflag:s29], $0x2800  }
0x65: {  	[sflag:s29] =	ssyncset.done $0x0  }
0x66: {  	s15 =	simm.s32 $0x2780;
	[sflag:s29] =	ssyncadd.s32 $0xFFFFD800  }
0x67: {  	[spmem:s2] =	stream.indirect.scatter.add.f32 [tilespmem:s28], [sflag:$0x5], $0x80, s15, s1, $0xb8;
	[tilespmem:$0x1F780] =	vst v63  }
0x68: {  	_ =	swait.ge [sflag:s24], $0x2800  }
0x69: {  	[sflag:s24] =	ssyncset.done $0x0  }
0x6a: {  	s6 =	simm.s32 $0xA0;
	[sflag:s24] =	ssyncadd.s32 $0xFFFFD800  }
0x6b: {  	[tilespmem:s28], [sflag:$0x3] =	stream.indirect.gather [hbm4b:s4+s1], $0x80, s6, s1, $0xb8;
	[tilespmem:$0x1F780] =	vst v63  }
0x6c: {  	_ =	swait.ge [sflag:s25], $0x2800  }
0x6d: {  	[sflag:s25] =	ssyncset.done $0x0  }
0x6e: {  	s15 =	simm.s32 $0x2800;
	[sflag:s25] =	ssyncadd.s32 $0xFFFFD800  }
0x6f: {  	[spmem:s2] =	stream.indirect.scatter.add.f32 [tilespmem:s0], [sflag:$0x5], $0x80, s15, s1, $0xb8;
	[tilespmem:$0x1F780] =	vst v63  }
0x70: {  	_ =	swait.ge [sflag:s24], $0x2800  }
0x71: {  	s5 =	simm.s32 $0x400;
	[sflag:s24] =	ssyncset.done $0x0  }
.LBB2_4:
0x72: {  	p0 =	sne.s32 s5, $0xF400;
	[sflag:s24] =	ssyncadd.s32 $0xFFFFD800;
	s3 =	sadd.s32 $0xA0, s3  }
0x73: {  	[tilespmem:s0], [sflag:$0x4] =	stream.indirect.gather [hbm4b:s4+s1], $0x80, s3, s1, $0xb8;
	[tilespmem:$0x1F780] =	vst v63  }
0x74: {  	s6 =	smov.u32 s5;
	s5 =	sadd.s32 $0x400, s5;
	_ =	swait.ge [sflag:s29], $0x2800  }
0x75: {  	s6 =	sshra.s32 s6, $0x2;
	[sflag:s29] =	ssyncset.done $0x0  }
0x76: {  	s15 =	sadd.s32 $0x2780, s6;
	[sflag:s29] =	ssyncadd.s32 $0xFFFFD800  }
0x77: {  	[spmem:s2] =	stream.indirect.scatter.add.f32 [tilespmem:s28], [sflag:$0x5], $0x80, s15, s1, $0xb8;
	[tilespmem:$0x1F780] =	vst v63  }
0x78: {  	_ =	swait.ge [sflag:s24], $0x2800  }
0x79: {  	[sflag:s24] =	ssyncset.done $0x0  }
0x7a: {  	s15 =	sadd.s32 $0x50, s3;
	[sflag:s24] =	ssyncadd.s32 $0xFFFFD800  }
0x7b: {  	[tilespmem:s28], [sflag:$0x3] =	stream.indirect.gather [hbm4b:s4+s1], $0x80, s15, s1, $0xb8;
	[tilespmem:$0x1F780] =	vst v63  }
0x7c: {  	_ =	swait.ge [sflag:s25], $0x2800  }
.Ltmp1:
0x7d: {  	[sflag:s25] =	ssyncset.done $0x0;
	(pc) =	sbr.rel @p0 .LBB2_4-.Ltmp1, $4  }
0x7e: {  	s6 =	sadd.s32 $0x2800, s6;
	[sflag:s25] =	ssyncadd.s32 $0xFFFFD800  }
0x7f: {  	[spmem:s2] =	stream.indirect.scatter.add.f32 [tilespmem:s0], [sflag:$0x5], $0x80, s6, s1, $0xb8;
	[tilespmem:$0x1F780] =	vst v63  }
0x80: {  	_ =	swait.ge [sflag:s24], $0x2800  }
0x81: {  	[sflag:s24] =	ssyncset.done $0x0  }
0x82: {  	[sflag:s24] =	ssyncadd.s32 $0xFFFFD800  }
0x83: {  	_ =	swait.ge [sflag:s29], $0x2800  }
0x84: {  	[sflag:s29] =	ssyncset.done $0x0  }
0x85: {  	s3 =	simm.s32 $0x6580;
	[sflag:s29] =	ssyncadd.s32 $0xFFFFD800  }
0x86: {  	[spmem:s2] =	stream.indirect.scatter.add.f32 [tilespmem:s28], [sflag:$0x5], $0x80, s3, s1, $0xb8;
	[tilespmem:$0x1F780] =	vst v63  }
0x87: {  	_ =	swait.ge [sflag:s24], $0x2800  }
0x88: {  	[sflag:s24] =	ssyncset.done $0x0  }
0x89: {  	s6 =	stileid.u32;
	[sflag:s24] =	ssyncadd.s32 $0xFFFFD800  }
0x8a: {  	s5 =	sshrl.u32 s7, $0x3;
	s3 =	sshll.u32 s6, $0x6;
	[bflag:$0x0] =	sbarrier.arrive $0xFFFF  }
0x8b: {  	s15 =	sshrl.u32 s8, $0x3;
	s3 =	sor.u32 $0x1C01, s3;
	s6 =	rddreg [dreg:$0x6]  }
0x8c: {  	[hbm:s6], [sflag:s3] =	dma.local [spmem:s5], $0x500  }
0x8d: {  	[hbm:s16], [sflag:s3] =	dma.local [spmem:s15], $0x500  }
0x8e: {  	s6 =	sshrl.u32 s9, $0x3;
	s15 =	sshrl.u32 s10, $0x3  }
0x8f: {  	[hbm:s17], [sflag:s3] =	dma.local [spmem:s6], $0x500  }
0x90: {  	[hbm:s18], [sflag:s3] =	dma.local [spmem:s15], $0x500  }
0x91: {  	s6 =	sshrl.u32 s11, $0x3;
	s15 =	sshrl.u32 s12, $0x3  }
0x92: {  	[hbm:s19], [sflag:s3] =	dma.local [spmem:s6], $0x500  }
0x93: {  	[hbm:s20], [sflag:s3] =	dma.local [spmem:s15], $0x500  }
0x94: {  	s6 =	sshrl.u32 s13, $0x3;
	s15 =	sshrl.u32 s14, $0x3  }
0x95: {  	[hbm:s21], [sflag:s3] =	dma.local [spmem:s6], $0x500  }
0x96: {  	[hbm:s22], [sflag:s3] =	dma.local [spmem:s15], $0x500  }
0x97: {  	_ =	swait.ge [sflag:s30], $0x500  }
0x98: {  	[sflag:s30] =	ssyncset.done $0x0  }
0x99: {  	[sflag:s30] =	ssyncadd.s32 $0xFFFFFB00  }
0x9a: {  	_ =	swait.ge [sflag:s30], $0x500  }
0x9b: {  	[sflag:s30] =	ssyncset.done $0x0  }
0x9c: {  	[sflag:s30] =	ssyncadd.s32 $0xFFFFFB00  }
0x9d: {  	_ =	swait.ge [sflag:s30], $0x500  }
0x9e: {  	[sflag:s30] =	ssyncset.done $0x0  }
0x9f: {  	[sflag:s30] =	ssyncadd.s32 $0xFFFFFB00  }
0xa0: {  	_ =	swait.ge [sflag:s30], $0x500  }
0xa1: {  	[sflag:s30] =	ssyncset.done $0x0  }
0xa2: {  	[sflag:s30] =	ssyncadd.s32 $0xFFFFFB00  }
0xa3: {  	_ =	swait.ge [sflag:s30], $0x500  }
0xa4: {  	[sflag:s30] =	ssyncset.done $0x0  }
0xa5: {  	[sflag:s30] =	ssyncadd.s32 $0xFFFFFB00  }
0xa6: {  	_ =	swait.ge [sflag:s30], $0x500  }
0xa7: {  	[sflag:s30] =	ssyncset.done $0x0  }
0xa8: {  	s26 =	sadd.s32 $0x1, s26;
	[sflag:s30] =	ssyncadd.s32 $0xFFFFFB00  }
0xa9: {  	p0 =	sne.s32 s26, s23;
	_ =	swait.ge [sflag:s30], $0x500  }
.Ltmp2:
0xaa: {  	[sflag:s30] =	ssyncset.done $0x0;
	(pc) =	sbr.rel @p0 .LBB2_1-.Ltmp2, $4  }
0xab: {  	[sflag:s30] =	ssyncadd.s32 $0xFFFFFB00  }
0xac: {  	_ =	swait.ge [sflag:s30], $0x500  }
0xad: {  	[sflag:s30] =	ssyncset.done $0x0  }
0xae: {  	[sflag:s30] =	ssyncadd.s32 $0xFFFFFB00  }
0xaf: {  	_ =	sfence.sel $0x180000  }
0xb0: {  	[bflag:$0x0] =	sbarrier.arrive $0xFFFF  }
0xb1: {  	_ =	strace $0x90000047  }
0xb2: {  	s0 =	stileid.u32;
	[bflag:$0x2] =	sbarrier.arrive $0xFFFF  }
0xb3: {  	p0 =	sne.s32 s0, $0x0;
	s0 =	rddreg [dreg:$0x3]  }
0xb4: {  	s0 =	sadd.s32 @!p0 $0x100000, s0  }
0xb5: {  	[sflag:s0] =	ssyncadd.tile.s32 @!p0 $0x1;
	_ =	shalt  }
.Lfunc_end2:
_tile_overlayer_lowered:
.L_overlay_start_2:
0xb6: {  	(tag) =	ssettag $0x2  }
0xb7: {  	s0 =	rddreg [dreg:$0x0];
	s2 =	stileid.u32  }
0xb8: {  	s1 =	rddreg [dreg:$0x1];
	p0 =	sne.s32 s2, $0x0  }
0xb9: {  	s3 =	rddreg [dreg:$0x2];
	[bflag:$0x3] =	sbarrier.arrive $0xFFFF;
	s2 =	simm.s32 @!p0 $0x1C05  }
0xba: {  	[timem:s3], [sflag:s2] =	dma.local @!p0 [hbm:s0], s1  }
0xbb: {  	s0 =	simm.s32 @!p0 $0x5  }
0xbc: {  	_ =	swait.ge @!p0 [sflag:s0], s1  }
0xbd: {  	s1 =	ssub.s32 @!p0 $0x0, s1;
	[sflag:s0] =	ssyncset.done @!p0 $0x0  }
0xbe: {  	[sflag:s0] =	ssyncadd.s32 @!p0 s1  }
0xbf: {  	[bflag:$0x3] =	sbarrier.arrive $0xFFFF  }
0xc0: {  	_ =	shalt  }

</sc_bundles>
